<compile_context>
chip_gen: v7x
topology: tpu7x:2x2x1
jax: 0.10.2.dev20260603
libtpu: 0.0.44.dev20260713+nightly
codegen_flags: <defaults>
</compile_context>

<pallas_src>
import functools

import jax
import jax.numpy as jnp
from jax import lax
from jax.experimental import pallas as pl
from jax.experimental.pallas import tpu as pltpu
from jax.experimental.pallas import tpu_sc as plsc

_B = 512
_NG = 3008
_DD = 2048
_K = 6
_T1, _T2 = 1000, 250
_F1, _F2 = 16, 8
_T1P = 1024
_T2P = 256
_NW = 32


def _sc_gather(table, idx2, n_pad, d, chunk, nchunks):
  per_w = nchunks * chunk
  mesh = plsc.VectorSubcoreMesh(core_axis_name="c", subcore_axis_name="s")

  @functools.partial(
      pl.kernel,
      out_type=jax.ShapeDtypeStruct((n_pad, d), jnp.float32),
      mesh=mesh,
      scratch_types=[
          pltpu.VMEM((nchunks, chunk), jnp.int32),
          pltpu.VMEM((chunk, d), jnp.float32),
          pltpu.VMEM((chunk, d), jnp.float32),
          pltpu.SemaphoreType.DMA,
          pltpu.SemaphoreType.DMA,
      ],
  )
  def gather_k(table_hbm, idx_hbm, out_hbm, idx_v, buf0, buf1, sem0, sem1):
    wid = lax.axis_index("s") * 2 + lax.axis_index("c")
    rowbase = wid * per_w
    pltpu.sync_copy(idx_hbm.at[pl.ds(wid * nchunks, nchunks)], idx_v)
    bufs = (buf0, buf1)
    sems = (sem0, sem1)
    cps = [None, None]
    cps[0] = pltpu.async_copy(table_hbm.at[idx_v.at[0]], buf0, sem0)
    for c in range(nchunks):
      cur = c % 2
      nxt = (c + 1) % 2
      if c + 1 < nchunks:
        cps[nxt] = pltpu.async_copy(
            table_hbm.at[idx_v.at[c + 1]], bufs[nxt], sems[nxt])
      cps[cur].wait()
      pltpu.sync_copy(bufs[cur], out_hbm.at[pl.ds(rowbase + c * chunk, chunk)])

  return gather_k(table, idx2)


def _bn_lanes(z, ga, be):
  m = jnp.mean(z, axis=-1, keepdims=True)
  dd = z - m
  v = jnp.mean(dd * dd, axis=-1, keepdims=True)
  return ga * dd * lax.rsqrt(v + 1e-5) + be


def _l1_body(g_ref, w_ref, b_ref, ga_ref, be_ref, o_ref):
  tb = w_ref.shape[0]
  g = g_ref[...].reshape(tb, _F1, _B)
  w = w_ref[...].reshape(tb, _F1, _K)
  acc = b_ref[...][:, :, None] * jnp.ones((tb, _K, _B), jnp.float32)
  for i in range(_F1):
    acc = acc + w[:, i, :, None] * g[:, i, None, :]
  z = jnp.tanh(acc)
  h = _bn_lanes(z, ga_ref[...][:, :, None], be_ref[...][:, :, None])
  o_ref[...] = h.reshape(tb * _K, _B)


def _l2_body(g_ref, w_ref, b_ref, ga_ref, be_ref, o_ref):
  ob = w_ref.shape[0]
  g = g_ref[...].reshape(ob, _F2, _K * _B)
  w = w_ref[...].reshape(ob, _F2, _K, _K)
  acc = b_ref[...][:, :, None] * jnp.ones((ob, _K, _B), jnp.float32)
  for j in range(_F2):
    for q in range(_K):
      acc = acc + (w[:, j, :, q][:, :, None]
                   * g[:, j, q * _B:(q + 1) * _B][:, None, :])
  z = jnp.tanh(acc)
  h = _bn_lanes(z, ga_ref[...][:, :, None], be_ref[...][:, :, None])
  o_ref[...] = h.reshape(ob * _K, _B)


def _head_body(h2_ref, dr_ref, w3_ref, b3_ref, g3_ref, e3_ref,
               wd1_ref, bd1_ref, gd1_ref, ed1_ref,
               wd2_ref, bd2_ref, gd2_ref, ed2_ref,
               wd3_ref, bd3_ref, gd3_ref, ed3_ref,
               wf_ref, bf_ref, gf_ref, ef_ref,
               wa_ref, ba_ref, wo_ref, bo_ref, o_ref):
  def dot(a, b):
    return lax.dot(a, b, precision=lax.Precision.HIGHEST,
                   preferred_element_type=jnp.float32)

  h3 = _bn_lanes(jnp.tanh(dot(w3_ref[...], h2_ref[...]) + b3_ref[...]),
                 g3_ref[...], e3_ref[...])
  d = dr_ref[...]
  d = _bn_lanes(jnp.tanh(dot(wd1_ref[...], d) + bd1_ref[...]),
                gd1_ref[...], ed1_ref[...])
  d = _bn_lanes(jnp.tanh(dot(wd2_ref[...], d) + bd2_ref[...]),
                gd2_ref[...], ed2_ref[...])
  d = _bn_lanes(jnp.tanh(dot(wd3_ref[...], d) + bd3_ref[...]),
                gd3_ref[...], ed3_ref[...])
  f = jnp.concatenate([h3, d], axis=0)
  zf = _bn_lanes(jnp.tanh(dot(wf_ref[...], f) + bf_ref[...]),
                 gf_ref[...], ef_ref[...])
  oa = jnp.tanh(dot(wa_ref[...], zf) + ba_ref[...])
  o_ref[...] = wo_ref[0, 0] * oa + bo_ref[0, 0]


def _full_spec(shape):
  return pl.BlockSpec(shape, lambda: tuple(0 for _ in shape))


def kernel(x, params, conns):
  p = params

  xt = x.T
  genet = xt[:_NG]
  drugt = xt[_NG:_NG + _DD]

  sel1 = conns["cols1"][::_K]
  sel2 = conns["cols2"][::_K * _K] // _K

  idx1 = jnp.zeros((_T1P * _F1,), jnp.int32).at[:_T1 * _F1].set(sel1)
  g1 = _sc_gather(genet, idx1.reshape(-1, 64), _T1P * _F1, _B, 64, 8)

  w1m = jnp.zeros((_T1P, _F1 * _K), jnp.float32).at[:_T1].set(
      p["w1"].reshape(_T1, _F1 * _K))
  b1m = jnp.zeros((_T1P, _K), jnp.float32).at[:_T1].set(p["b1"].reshape(_T1, _K))
  ga1m = jnp.zeros((_T1P, _K), jnp.float32).at[:_T1].set(p["g1"].reshape(_T1, _K))
  be1m = jnp.zeros((_T1P, _K), jnp.float32).at[:_T1].set(p["be1"].reshape(_T1, _K))

  tb1 = 32
  n1 = _T1P // tb1
  h1 = pl.pallas_call(
      _l1_body,
      grid=(n1,),
      in_specs=[
          pl.BlockSpec((tb1 * _F1, _B), lambda i: (i, 0)),
          pl.BlockSpec((tb1, _F1 * _K), lambda i: (i, 0)),
          pl.BlockSpec((tb1, _K), lambda i: (i, 0)),
          pl.BlockSpec((tb1, _K), lambda i: (i, 0)),
          pl.BlockSpec((tb1, _K), lambda i: (i, 0)),
      ],
      out_specs=pl.BlockSpec((tb1 * _K, _B), lambda i: (i, 0)),
      out_shape=jax.ShapeDtypeStruct((_T1P * _K, _B), jnp.float32),
  )(g1, w1m, b1m, ga1m, be1m)

  h1tab = h1.reshape(_T1P, _K * _B)
  idx2 = jnp.zeros((_T2P * _F2,), jnp.int32).at[:_T2 * _F2].set(sel2)
  g2 = _sc_gather(h1tab, idx2.reshape(-1, 16), _T2P * _F2, _K * _B, 16, 4)

  w2m = jnp.zeros((_T2P, _F2 * _K * _K), jnp.float32).at[:_T2].set(
      p["w2"].reshape(_T2, _F2 * _K * _K))
  b2m = jnp.zeros((_T2P, _K), jnp.float32).at[:_T2].set(p["b2"].reshape(_T2, _K))
  ga2m = jnp.zeros((_T2P, _K), jnp.float32).at[:_T2].set(p["g2"].reshape(_T2, _K))
  be2m = jnp.zeros((_T2P, _K), jnp.float32).at[:_T2].set(p["be2"].reshape(_T2, _K))

  ob2 = 32
  n2 = _T2P // ob2
  h2 = pl.pallas_call(
      _l2_body,
      grid=(n2,),
      in_specs=[
          pl.BlockSpec((ob2 * _F2, _K * _B), lambda i: (i, 0)),
          pl.BlockSpec((ob2, _F2 * _K * _K), lambda i: (i, 0)),
          pl.BlockSpec((ob2, _K), lambda i: (i, 0)),
          pl.BlockSpec((ob2, _K), lambda i: (i, 0)),
          pl.BlockSpec((ob2, _K), lambda i: (i, 0)),
      ],
      out_specs=pl.BlockSpec((ob2 * _K, _B), lambda i: (i, 0)),
      out_shape=jax.ShapeDtypeStruct((_T2P * _K, _B), jnp.float32),
  )(g2, w2m, b2m, ga2m, be2m)

  w3t = jnp.zeros((_K, _T2P * _K), jnp.float32).at[:, :_T2 * _K].set(
      p["w3"].reshape(_T2, _K, _K).transpose(1, 0, 2).reshape(_K, _T2 * _K))
  args = [
      h2, drugt,
      w3t, p["b3"][:, None], p["g3"][:, None], p["be3"][:, None],
      p["Wd1"].T, p["bd1"][:, None], p["gd1"][:, None], p["bed1"][:, None],
      p["Wd2"].T, p["bd2"][:, None], p["gd2"][:, None], p["bed2"][:, None],
      p["Wd3"].T, p["bd3"][:, None], p["gd3"][:, None], p["bed3"][:, None],
      p["Wf"].T, p["bf"][:, None], p["gf"][:, None], p["bef"][:, None],
      p["Wa"].T, p["ba"][:, None], p["Wo"], p["bo"][:, None],
  ]
  out = pl.pallas_call(
      _head_body,
      in_specs=[_full_spec(tuple(a.shape)) for a in args],
      out_specs=_full_spec((1, _B)),
      out_shape=jax.ShapeDtypeStruct((1, _B), jnp.float32),
  )(*args)
  return out.reshape(_B, 1)

# --- scband reference (transcript-rebuilt; emitter-appended) ---
"""Pipeline reference for scband-sparse-go-nn-60275571032433 (READ-ONLY COPY).

The authoritative reference and input builder live on the scoring server;
editing this copy changes nothing except your own understanding.
"""

import jax, jax.numpy as jnp
import numpy as np

B = 512
N_GENES = 3008
DRUG_DIM = 2048
K = 6
T1, T2, T3 = 1000, 250, 1
F1, F2 = 16, 8


def _build_conns():
    rng = np.random.default_rng(0)
    kk = np.arange(K)
    sel1 = np.argsort(rng.random((T1, N_GENES)), axis=1)[:, :F1]
    t = np.repeat(np.arange(T1), F1)
    g = sel1.reshape(-1)
    rows1 = (t[:, None] * K + kk[None, :]).reshape(-1)
    cols1 = np.repeat(g, K)
    p = np.repeat(kk, K)
    q = np.tile(kk, K)
    sel2 = np.argsort(rng.random((T2, T1)), axis=1)[:, :F2]
    o2 = np.repeat(np.arange(T2), F2)
    i2 = sel2.reshape(-1)
    rows2 = (o2[:, None] * K + p[None, :]).reshape(-1)
    cols2 = (i2[:, None] * K + q[None, :]).reshape(-1)
    o3 = np.zeros(T2, dtype=np.int64)
    i3 = np.arange(T2)
    rows3 = (o3[:, None] * K + p[None, :]).reshape(-1)
    cols3 = (i3[:, None] * K + q[None, :]).reshape(-1)
    c = dict(rows1=rows1, cols1=cols1, rows2=rows2, cols2=cols2, rows3=rows3, cols3=cols3)
    return {k: jnp.asarray(v, dtype=jnp.int32) for k, v in c.items()}


def setup_inputs(seed: int = 0):
    key = jax.random.key(seed)
    ks = jax.random.split(key, 40)
    conns = _build_conns()
    x = jax.random.normal(ks[0], (B, N_GENES + DRUG_DIM), dtype=jnp.float32)

    def u(k, shape, fan_in):
        b = 1.0 / np.sqrt(fan_in)
        return jax.random.uniform(k, shape, jnp.float32, -b, b)

    p = {}
    dims = [(int(conns['rows1'].shape[0]), T1 * K, F1), (int(conns['rows2'].shape[0]), T2 * K, F2 * K), (int(conns['rows3'].shape[0]), T3 * K, T2 * K)]
    ki = 1
    for i, (nnz, out_d, fan) in enumerate(dims, start=1):
        p['w%d' % i] = u(ks[ki], (nnz,), fan); ki += 1
        p['b%d' % i] = u(ks[ki], (out_d,), fan); ki += 1
        p['g%d' % i] = jnp.ones((out_d,), jnp.float32)
        p['be%d' % i] = jnp.zeros((out_d,), jnp.float32)
    dsizes = [DRUG_DIM, 100, 50, 6]
    for i in range(1, 4):
        p['Wd%d' % i] = u(ks[ki], (dsizes[i - 1], dsizes[i]), dsizes[i - 1]); ki += 1
        p['bd%d' % i] = u(ks[ki], (dsizes[i],), dsizes[i - 1]); ki += 1
        p['gd%d' % i] = jnp.ones((dsizes[i],), jnp.float32)
        p['bed%d' % i] = jnp.zeros((dsizes[i],), jnp.float32)
    p['Wf'] = u(ks[ki], (K + 6, 6), K + 6); ki += 1
    p['bf'] = u(ks[ki], (6,), K + 6); ki += 1
    p['gf'] = jnp.ones((6,), jnp.float32)
    p['bef'] = jnp.zeros((6,), jnp.float32)
    p['Wa'] = u(ks[ki], (6, 1), 6); ki += 1
    p['ba'] = u(ks[ki], (1,), 6); ki += 1
    p['Wo'] = u(ks[ki], (1, 1), 1); ki += 1
    p['bo'] = u(ks[ki], (1,), 1); ki += 1
    return {'x': x, 'params': p, 'conns': conns}


def _sparse_linear(x, rows, cols, w, b, out_dim):
    contrib = jnp.take(x, cols, axis=1) * w[None, :]
    out = jax.ops.segment_sum(contrib.T, rows, num_segments=out_dim).T
    return out + b[None, :]


def _bn(x, g, b):
    m = jnp.mean(x, axis=0)
    v = jnp.var(x, axis=0)
    return g * (x - m) * jax.lax.rsqrt(v + 1e-5) + b


def _fwd(x, p, c):
    gene = x[:, :N_GENES]
    drug = x[:, N_GENES:N_GENES + DRUG_DIM]
    h = _bn(jnp.tanh(_sparse_linear(gene, c['rows1'], c['cols1'], p['w1'], p['b1'], T1 * K)), p['g1'], p['be1'])
    h = _bn(jnp.tanh(_sparse_linear(h, c['rows2'], c['cols2'], p['w2'], p['b2'], T2 * K)), p['g2'], p['be2'])
    h = _bn(jnp.tanh(_sparse_linear(h, c['rows3'], c['cols3'], p['w3'], p['b3'], T3 * K)), p['g3'], p['be3'])
    d = drug
    for i in range(1, 4):
        d = _bn(jnp.tanh(d @ p['Wd%d' % i] + p['bd%d' % i]), p['gd%d' % i], p['bed%d' % i])
    f = jnp.concatenate([h, d], axis=1)
    o = _bn(jnp.tanh(f @ p['Wf'] + p['bf']), p['gf'], p['bef'])
    o = jnp.tanh(o @ p['Wa'] + p['ba'])
    return o @ p['Wo'] + p['bo']


def reference(x, params, conns):
    return _fwd(x, params, conns)

if __name__ == "__main__":
    import jax
    _d = setup_inputs()
    print(jax.jit(kernel)(*tuple(_d.values())))

</pallas_src>

<mosaic_0001>
#map = affine_map<(d0, d1) -> (0, 0)>
module attributes {stable_mosaic.version = 14 : i64} {
  func.func @gather_k(%arg0: i32, %arg1: i32, %arg2: memref<3008x512xf32, #tpu.memory_space<hbm>>, %arg3: memref<256x64xi32, #tpu.memory_space<hbm>>, %arg4: memref<16384x512xf32, #tpu.memory_space<hbm>>, %arg5: memref<8x64xi32, #tpu.memory_space<vmem>>, %arg6: memref<64x512xf32, #tpu.memory_space<vmem>>, %arg7: memref<64x512xf32, #tpu.memory_space<vmem>>, %arg8: memref<!tpu.dma_semaphore, #tpu.memory_space<semaphore_mem>>, %arg9: memref<!tpu.dma_semaphore, #tpu.memory_space<semaphore_mem>>) attributes {dimension_semantics = [#tpu.dimension_semantics<core_parallel>, #tpu.dimension_semantics<subcore_parallel>], iteration_bounds = array<i64: 2, 16>, scalar_prefetch = 0 : i64, scratch_operands = 5 : i64, tpu.core_type = #tpu.core_type<sc_vector_subcore>, window_params = [{transform_indices = #map}, {transform_indices = #map}, {transform_indices = #map}]} {
    %mul3A = arith.constant 2 : i32
    %mul3A_0 = arith.muli %arg1, %mul3A : i32
    %add3A = arith.addi %mul3A_0, %arg0 : i32
    %mul3A_1 = arith.constant 512 : i32
    %mul3A_2 = arith.muli %add3A, %mul3A_1 : i32
    %mul3A_3 = arith.constant 8 : i32
    %mul3A_4 = arith.muli %add3A, %mul3A_3 : i32
    "tpu.region"() ({
      %run_scoped3A = tpu.sem_alloc : memref<!tpu.dma_semaphore, #tpu.memory_space<semaphore_mem>>
      %dma_start3A_131 = arith.constant 0 : i32
      %dma_start3A_132 = tpu.memref_slice %arg3[%mul3A_4, %dma_start3A_131] : memref<256x64xi32, #tpu.memory_space<hbm>> -> memref<8x64xi32, #tpu.memory_space<hbm>>
      %dma_start3A_133 = arith.constant 0 : i32
      %dma_start3A_134 = tpu.memref_slice %arg3[%mul3A_4, %dma_start3A_133] : memref<256x64xi32, #tpu.memory_space<hbm>> -> memref<8x64xi32, #tpu.memory_space<hbm>>
      tpu.enqueue_dma source(%dma_start3A_134 : memref<8x64xi32, #tpu.memory_space<hbm>>) target(%arg5 : memref<8x64xi32, #tpu.memory_space<vmem>>) target_semaphore(%run_scoped3A : memref<!tpu.dma_semaphore, #tpu.memory_space<semaphore_mem>>)
      %dma_wait3A_135 = arith.constant 0 : i32
      %dma_wait3A_136 = tpu.memref_slice %arg3[%mul3A_4, %dma_wait3A_135] : memref<256x64xi32, #tpu.memory_space<hbm>> -> memref<8x64xi32, #tpu.memory_space<hbm>>
      %dma_wait3A_137 = arith.constant 0 : i32
      %dma_wait3A_138 = tpu.memref_slice %arg3[%mul3A_4, %dma_wait3A_137] : memref<256x64xi32, #tpu.memory_space<hbm>> -> memref<8x64xi32, #tpu.memory_space<hbm>>
      tpu.wait_dma2 semaphore(%run_scoped3A : memref<!tpu.dma_semaphore, #tpu.memory_space<semaphore_mem>>) src(%dma_wait3A_138 : memref<8x64xi32, #tpu.memory_space<hbm>>) dst(%arg5 : memref<8x64xi32, #tpu.memory_space<vmem>>)
      tpu.yield
    }) : () -> ()
    %dma_start3A = arith.constant 0 : i32
    %dma_start3A_5 = arith.constant 0 : i32
    %dma_start3A_6 = tpu.memref_slice %arg5[%dma_start3A, %dma_start3A_5] : memref<8x64xi32, #tpu.memory_space<vmem>> -> memref<1x64xi32, #tpu.memory_space<vmem>>
    %dma_start3A_7 = tpu.memref_squeeze %dma_start3A_6 : memref<1x64xi32, #tpu.memory_space<vmem>> -> memref<64xi32, #tpu.memory_space<vmem>>
    %dma_start3A_8 = arith.constant 0 : i32
    %dma_start3A_9 = arith.constant 0 : i32
    %dma_start3A_10 = tpu.memref_slice %arg2[%dma_start3A_8, %dma_start3A_9] : memref<3008x512xf32, #tpu.memory_space<hbm>> -> memref<3008x512xf32, #tpu.memory_space<hbm>>
    tpu.enqueue_indirect_dma source(%dma_start3A_10 : memref<3008x512xf32, #tpu.memory_space<hbm>>) target(%arg6 : memref<64x512xf32, #tpu.memory_space<vmem>>) offsets(%dma_start3A_7 : memref<64xi32, #tpu.memory_space<vmem>>) semaphore(%arg8 : memref<!tpu.dma_semaphore, #tpu.memory_space<semaphore_mem>>)
    %dma_start3A_11 = arith.constant 1 : i32
    %dma_start3A_12 = arith.constant 0 : i32
    %dma_start3A_13 = tpu.memref_slice %arg5[%dma_start3A_11, %dma_start3A_12] : memref<8x64xi32, #tpu.memory_space<vmem>> -> memref<1x64xi32, #tpu.memory_space<vmem>>
    %dma_start3A_14 = tpu.memref_squeeze %dma_start3A_13 : memref<1x64xi32, #tpu.memory_space<vmem>> -> memref<64xi32, #tpu.memory_space<vmem>>
    %dma_start3A_15 = arith.constant 0 : i32
    %dma_start3A_16 = arith.constant 0 : i32
    %dma_start3A_17 = tpu.memref_slice %arg2[%dma_start3A_15, %dma_start3A_16] : memref<3008x512xf32, #tpu.memory_space<hbm>> -> memref<3008x512xf32, #tpu.memory_space<hbm>>
    tpu.enqueue_indirect_dma source(%dma_start3A_17 : memref<3008x512xf32, #tpu.memory_space<hbm>>) target(%arg7 : memref<64x512xf32, #tpu.memory_space<vmem>>) offsets(%dma_start3A_14 : memref<64xi32, #tpu.memory_space<vmem>>) semaphore(%arg9 : memref<!tpu.dma_semaphore, #tpu.memory_space<semaphore_mem>>)
    %dma_wait3A = arith.constant 0 : i32
    %dma_wait3A_18 = arith.constant 0 : i32
    %dma_wait3A_19 = tpu.memref_slice %arg5[%dma_wait3A, %dma_wait3A_18] : memref<8x64xi32, #tpu.memory_space<vmem>> -> memref<1x64xi32, #tpu.memory_space<vmem>>
    %dma_wait3A_20 = tpu.memref_squeeze %dma_wait3A_19 : memref<1x64xi32, #tpu.memory_space<vmem>> -> memref<64xi32, #tpu.memory_space<vmem>>
    %dma_wait3A_21 = arith.constant 0 : i32
    %dma_wait3A_22 = arith.constant 0 : i32
    %dma_wait3A_23 = tpu.memref_slice %arg2[%dma_wait3A_21, %dma_wait3A_22] : memref<3008x512xf32, #tpu.memory_space<hbm>> -> memref<3008x512xf32, #tpu.memory_space<hbm>>
    tpu.wait_indirect_dma semaphore(%arg8 : memref<!tpu.dma_semaphore, #tpu.memory_space<semaphore_mem>>) src(%dma_wait3A_23 : memref<3008x512xf32, #tpu.memory_space<hbm>>) dst(%arg6 : memref<64x512xf32, #tpu.memory_space<vmem>>)
    %add3A_24 = arith.constant 0 : i32
    %add3A_25 = arith.addi %mul3A_2, %add3A_24 : i32
    "tpu.region"() ({
      %run_scoped3A = tpu.sem_alloc : memref<!tpu.dma_semaphore, #tpu.memory_space<semaphore_mem>>
      %dma_start3A_131 = arith.constant 0 : i32
      %dma_start3A_132 = tpu.memref_slice %arg4[%add3A_25, %dma_start3A_131] : memref<16384x512xf32, #tpu.memory_space<hbm>> -> memref<64x512xf32, #tpu.memory_space<hbm>>
      %dma_start3A_133 = arith.constant 0 : i32
      %dma_start3A_134 = tpu.memref_slice %arg4[%add3A_25, %dma_start3A_133] : memref<16384x512xf32, #tpu.memory_space<hbm>> -> memref<64x512xf32, #tpu.memory_space<hbm>>
      tpu.enqueue_dma source(%arg6 : memref<64x512xf32, #tpu.memory_space<vmem>>) target(%dma_start3A_134 : memref<64x512xf32, #tpu.memory_space<hbm>>) target_semaphore(%run_scoped3A : memref<!tpu.dma_semaphore, #tpu.memory_space<semaphore_mem>>)
      %dma_wait3A_135 = arith.constant 0 : i32
      %dma_wait3A_136 = tpu.memref_slice %arg4[%add3A_25, %dma_wait3A_135] : memref<16384x512xf32, #tpu.memory_space<hbm>> -> memref<64x512xf32, #tpu.memory_space<hbm>>
      %dma_wait3A_137 = arith.constant 0 : i32
      %dma_wait3A_138 = tpu.memref_slice %arg4[%add3A_25, %dma_wait3A_137] : memref<16384x512xf32, #tpu.memory_space<hbm>> -> memref<64x512xf32, #tpu.memory_space<hbm>>
      tpu.wait_dma2 semaphore(%run_scoped3A : memref<!tpu.dma_semaphore, #tpu.memory_space<semaphore_mem>>) src(%arg6 : memref<64x512xf32, #tpu.memory_space<vmem>>) dst(%dma_wait3A_138 : memref<64x512xf32, #tpu.memory_space<hbm>>)
      tpu.yield
    }) : () -> ()
    %dma_start3A_26 = arith.constant 2 : i32
    %dma_start3A_27 = arith.constant 0 : i32
    %dma_start3A_28 = tpu.memref_slice %arg5[%dma_start3A_26, %dma_start3A_27] : memref<8x64xi32, #tpu.memory_space<vmem>> -> memref<1x64xi32, #tpu.memory_space<vmem>>
    %dma_start3A_29 = tpu.memref_squeeze %dma_start3A_28 : memref<1x64xi32, #tpu.memory_space<vmem>> -> memref<64xi32, #tpu.memory_space<vmem>>
    %dma_start3A_30 = arith.constant 0 : i32
    %dma_start3A_31 = arith.constant 0 : i32
    %dma_start3A_32 = tpu.memref_slice %arg2[%dma_start3A_30, %dma_start3A_31] : memref<3008x512xf32, #tpu.memory_space<hbm>> -> memref<3008x512xf32, #tpu.memory_space<hbm>>
    tpu.enqueue_indirect_dma source(%dma_start3A_32 : memref<3008x512xf32, #tpu.memory_space<hbm>>) target(%arg6 : memref<64x512xf32, #tpu.memory_space<vmem>>) offsets(%dma_start3A_29 : memref<64xi32, #tpu.memory_space<vmem>>) semaphore(%arg8 : memref<!tpu.dma_semaphore, #tpu.memory_space<semaphore_mem>>)
    %dma_wait3A_33 = arith.constant 1 : i32
    %dma_wait3A_34 = arith.constant 0 : i32
    %dma_wait3A_35 = tpu.memref_slice %arg5[%dma_wait3A_33, %dma_wait3A_34] : memref<8x64xi32, #tpu.memory_space<vmem>> -> memref<1x64xi32, #tpu.memory_space<vmem>>
    %dma_wait3A_36 = tpu.memref_squeeze %dma_wait3A_35 : memref<1x64xi32, #tpu.memory_space<vmem>> -> memref<64xi32, #tpu.memory_space<vmem>>
    %dma_wait3A_37 = arith.constant 0 : i32
    %dma_wait3A_38 = arith.constant 0 : i32
    %dma_wait3A_39 = tpu.memref_slice %arg2[%dma_wait3A_37, %dma_wait3A_38] : memref<3008x512xf32, #tpu.memory_space<hbm>> -> memref<3008x512xf32, #tpu.memory_space<hbm>>
    tpu.wait_indirect_dma semaphore(%arg9 : memref<!tpu.dma_semaphore, #tpu.memory_space<semaphore_mem>>) src(%dma_wait3A_39 : memref<3008x512xf32, #tpu.memory_space<hbm>>) dst(%arg7 : memref<64x512xf32, #tpu.memory_space<vmem>>)
    %add3A_40 = arith.constant 64 : i32
    %add3A_41 = arith.addi %mul3A_2, %add3A_40 : i32
    "tpu.region"() ({
      %run_scoped3A = tpu.sem_alloc : memref<!tpu.dma_semaphore, #tpu.memory_space<semaphore_mem>>
      %dma_start3A_131 = arith.constant 0 : i32
      %dma_start3A_132 = tpu.memref_slice %arg4[%add3A_41, %dma_start3A_131] : memref<16384x512xf32, #tpu.memory_space<hbm>> -> memref<64x512xf32, #tpu.memory_space<hbm>>
      %dma_start3A_133 = arith.constant 0 : i32
      %dma_start3A_134 = tpu.memref_slice %arg4[%add3A_41, %dma_start3A_133] : memref<16384x512xf32, #tpu.memory_space<hbm>> -> memref<64x512xf32, #tpu.memory_space<hbm>>
      tpu.enqueue_dma source(%arg7 : memref<64x512xf32, #tpu.memory_space<vmem>>) target(%dma_start3A_134 : memref<64x512xf32, #tpu.memory_space<hbm>>) target_semaphore(%run_scoped3A : memref<!tpu.dma_semaphore, #tpu.memory_space<semaphore_mem>>)
      %dma_wait3A_135 = arith.constant 0 : i32
      %dma_wait3A_136 = tpu.memref_slice %arg4[%add3A_41, %dma_wait3A_135] : memref<16384x512xf32, #tpu.memory_space<hbm>> -> memref<64x512xf32, #tpu.memory_space<hbm>>
      %dma_wait3A_137 = arith.constant 0 : i32
      %dma_wait3A_138 = tpu.memref_slice %arg4[%add3A_41, %dma_wait3A_137] : memref<16384x512xf32, #tpu.memory_space<hbm>> -> memref<64x512xf32, #tpu.memory_space<hbm>>
      tpu.wait_dma2 semaphore(%run_scoped3A : memref<!tpu.dma_semaphore, #tpu.memory_space<semaphore_mem>>) src(%arg7 : memref<64x512xf32, #tpu.memory_space<vmem>>) dst(%dma_wait3A_138 : memref<64x512xf32, #tpu.memory_space<hbm>>)
      tpu.yield
    }) : () -> ()
    %dma_start3A_42 = arith.constant 3 : i32
    %dma_start3A_43 = arith.constant 0 : i32
    %dma_start3A_44 = tpu.memref_slice %arg5[%dma_start3A_42, %dma_start3A_43] : memref<8x64xi32, #tpu.memory_space<vmem>> -> memref<1x64xi32, #tpu.memory_space<vmem>>
    %dma_start3A_45 = tpu.memref_squeeze %dma_start3A_44 : memref<1x64xi32, #tpu.memory_space<vmem>> -> memref<64xi32, #tpu.memory_space<vmem>>
    %dma_start3A_46 = arith.constant 0 : i32
    %dma_start3A_47 = arith.constant 0 : i32
    %dma_start3A_48 = tpu.memref_slice %arg2[%dma_start3A_46, %dma_start3A_47] : memref<3008x512xf32, #tpu.memory_space<hbm>> -> memref<3008x512xf32, #tpu.memory_space<hbm>>
    tpu.enqueue_indirect_dma source(%dma_start3A_48 : memref<3008x512xf32, #tpu.memory_space<hbm>>) target(%arg7 : memref<64x512xf32, #tpu.memory_space<vmem>>) offsets(%dma_start3A_45 : memref<64xi32, #tpu.memory_space<vmem>>) semaphore(%arg9 : memref<!tpu.dma_semaphore, #tpu.memory_space<semaphore_mem>>)
    %dma_wait3A_49 = arith.constant 2 : i32
    %dma_wait3A_50 = arith.constant 0 : i32
    %dma_wait3A_51 = tpu.memref_slice %arg5[%dma_wait3A_49, %dma_wait3A_50] : memref<8x64xi32, #tpu.memory_space<vmem>> -> memref<1x64xi32, #tpu.memory_space<vmem>>
    %dma_wait3A_52 = tpu.memref_squeeze %dma_wait3A_51 : memref<1x64xi32, #tpu.memory_space<vmem>> -> memref<64xi32, #tpu.memory_space<vmem>>
    %dma_wait3A_53 = arith.constant 0 : i32
    %dma_wait3A_54 = arith.constant 0 : i32
    %dma_wait3A_55 = tpu.memref_slice %arg2[%dma_wait3A_53, %dma_wait3A_54] : memref<3008x512xf32, #tpu.memory_space<hbm>> -> memref<3008x512xf32, #tpu.memory_space<hbm>>
    tpu.wait_indirect_dma semaphore(%arg8 : memref<!tpu.dma_semaphore, #tpu.memory_space<semaphore_mem>>) src(%dma_wait3A_55 : memref<3008x512xf32, #tpu.memory_space<hbm>>) dst(%arg6 : memref<64x512xf32, #tpu.memory_space<vmem>>)
    %add3A_56 = arith.constant 128 : i32
    %add3A_57 = arith.addi %mul3A_2, %add3A_56 : i32
    "tpu.region"() ({
      %run_scoped3A = tpu.sem_alloc : memref<!tpu.dma_semaphore, #tpu.memory_space<semaphore_mem>>
      %dma_start3A_131 = arith.constant 0 : i32
      %dma_start3A_132 = tpu.memref_slice %arg4[%add3A_57, %dma_start3A_131] : memref<16384x512xf32, #tpu.memory_space<hbm>> -> memref<64x512xf32, #tpu.memory_space<hbm>>
      %dma_start3A_133 = arith.constant 0 : i32
      %dma_start3A_134 = tpu.memref_slice %arg4[%add3A_57, %dma_start3A_133] : memref<16384x512xf32, #tpu.memory_space<hbm>> -> memref<64x512xf32, #tpu.memory_space<hbm>>
      tpu.enqueue_dma source(%arg6 : memref<64x512xf32, #tpu.memory_space<vmem>>) target(%dma_start3A_134 : memref<64x512xf32, #tpu.memory_space<hbm>>) target_semaphore(%run_scoped3A : memref<!tpu.dma_semaphore, #tpu.memory_space<semaphore_mem>>)
      %dma_wait3A_135 = arith.constant 0 : i32
      %dma_wait3A_136 = tpu.memref_slice %arg4[%add3A_57, %dma_wait3A_135] : memref<16384x512xf32, #tpu.memory_space<hbm>> -> memref<64x512xf32, #tpu.memory_space<hbm>>
      %dma_wait3A_137 = arith.constant 0 : i32
      %dma_wait3A_138 = tpu.memref_slice %arg4[%add3A_57, %dma_wait3A_137] : memref<16384x512xf32, #tpu.memory_space<hbm>> -> memref<64x512xf32, #tpu.memory_space<hbm>>
      tpu.wait_dma2 semaphore(%run_scoped3A : memref<!tpu.dma_semaphore, #tpu.memory_space<semaphore_mem>>) src(%arg6 : memref<64x512xf32, #tpu.memory_space<vmem>>) dst(%dma_wait3A_138 : memref<64x512xf32, #tpu.memory_space<hbm>>)
      tpu.yield
    }) : () -> ()
    %dma_start3A_58 = arith.constant 4 : i32
    %dma_start3A_59 = arith.constant 0 : i32
    %dma_start3A_60 = tpu.memref_slice %arg5[%dma_start3A_58, %dma_start3A_59] : memref<8x64xi32, #tpu.memory_space<vmem>> -> memref<1x64xi32, #tpu.memory_space<vmem>>
    %dma_start3A_61 = tpu.memref_squeeze %dma_start3A_60 : memref<1x64xi32, #tpu.memory_space<vmem>> -> memref<64xi32, #tpu.memory_space<vmem>>
    %dma_start3A_62 = arith.constant 0 : i32
    %dma_start3A_63 = arith.constant 0 : i32
    %dma_start3A_64 = tpu.memref_slice %arg2[%dma_start3A_62, %dma_start3A_63] : memref<3008x512xf32, #tpu.memory_space<hbm>> -> memref<3008x512xf32, #tpu.memory_space<hbm>>
    tpu.enqueue_indirect_dma source(%dma_start3A_64 : memref<3008x512xf32, #tpu.memory_space<hbm>>) target(%arg6 : memref<64x512xf32, #tpu.memory_space<vmem>>) offsets(%dma_start3A_61 : memref<64xi32, #tpu.memory_space<vmem>>) semaphore(%arg8 : memref<!tpu.dma_semaphore, #tpu.memory_space<semaphore_mem>>)
    %dma_wait3A_65 = arith.constant 3 : i32
    %dma_wait3A_66 = arith.constant 0 : i32
    %dma_wait3A_67 = tpu.memref_slice %arg5[%dma_wait3A_65, %dma_wait3A_66] : memref<8x64xi32, #tpu.memory_space<vmem>> -> memref<1x64xi32, #tpu.memory_space<vmem>>
    %dma_wait3A_68 = tpu.memref_squeeze %dma_wait3A_67 : memref<1x64xi32, #tpu.memory_space<vmem>> -> memref<64xi32, #tpu.memory_space<vmem>>
    %dma_wait3A_69 = arith.constant 0 : i32
    %dma_wait3A_70 = arith.constant 0 : i32
    %dma_wait3A_71 = tpu.memref_slice %arg2[%dma_wait3A_69, %dma_wait3A_70] : memref<3008x512xf32, #tpu.memory_space<hbm>> -> memref<3008x512xf32, #tpu.memory_space<hbm>>
    tpu.wait_indirect_dma semaphore(%arg9 : memref<!tpu.dma_semaphore, #tpu.memory_space<semaphore_mem>>) src(%dma_wait3A_71 : memref<3008x512xf32, #tpu.memory_space<hbm>>) dst(%arg7 : memref<64x512xf32, #tpu.memory_space<vmem>>)
    %add3A_72 = arith.constant 192 : i32
    %add3A_73 = arith.addi %mul3A_2, %add3A_72 : i32
    "tpu.region"() ({
      %run_scoped3A = tpu.sem_alloc : memref<!tpu.dma_semaphore, #tpu.memory_space<semaphore_mem>>
      %dma_start3A_131 = arith.constant 0 : i32
      %dma_start3A_132 = tpu.memref_slice %arg4[%add3A_73, %dma_start3A_131] : memref<16384x512xf32, #tpu.memory_space<hbm>> -> memref<64x512xf32, #tpu.memory_space<hbm>>
      %dma_start3A_133 = arith.constant 0 : i32
      %dma_start3A_134 = tpu.memref_slice %arg4[%add3A_73, %dma_start3A_133] : memref<16384x512xf32, #tpu.memory_space<hbm>> -> memref<64x512xf32, #tpu.memory_space<hbm>>
      tpu.enqueue_dma source(%arg7 : memref<64x512xf32, #tpu.memory_space<vmem>>) target(%dma_start3A_134 : memref<64x512xf32, #tpu.memory_space<hbm>>) target_semaphore(%run_scoped3A : memref<!tpu.dma_semaphore, #tpu.memory_space<semaphore_mem>>)
      %dma_wait3A_135 = arith.constant 0 : i32
      %dma_wait3A_136 = tpu.memref_slice %arg4[%add3A_73, %dma_wait3A_135] : memref<16384x512xf32, #tpu.memory_space<hbm>> -> memref<64x512xf32, #tpu.memory_space<hbm>>
      %dma_wait3A_137 = arith.constant 0 : i32
      %dma_wait3A_138 = tpu.memref_slice %arg4[%add3A_73, %dma_wait3A_137] : memref<16384x512xf32, #tpu.memory_space<hbm>> -> memref<64x512xf32, #tpu.memory_space<hbm>>
      tpu.wait_dma2 semaphore(%run_scoped3A : memref<!tpu.dma_semaphore, #tpu.memory_space<semaphore_mem>>) src(%arg7 : memref<64x512xf32, #tpu.memory_space<vmem>>) dst(%dma_wait3A_138 : memref<64x512xf32, #tpu.memory_space<hbm>>)
      tpu.yield
    }) : () -> ()
    %dma_start3A_74 = arith.constant 5 : i32
    %dma_start3A_75 = arith.constant 0 : i32
    %dma_start3A_76 = tpu.memref_slice %arg5[%dma_start3A_74, %dma_start3A_75] : memref<8x64xi32, #tpu.memory_space<vmem>> -> memref<1x64xi32, #tpu.memory_space<vmem>>
    %dma_start3A_77 = tpu.memref_squeeze %dma_start3A_76 : memref<1x64xi32, #tpu.memory_space<vmem>> -> memref<64xi32, #tpu.memory_space<vmem>>
    %dma_start3A_78 = arith.constant 0 : i32
    %dma_start3A_79 = arith.constant 0 : i32
    %dma_start3A_80 = tpu.memref_slice %arg2[%dma_start3A_78, %dma_start3A_79] : memref<3008x512xf32, #tpu.memory_space<hbm>> -> memref<3008x512xf32, #tpu.memory_space<hbm>>
    tpu.enqueue_indirect_dma source(%dma_start3A_80 : memref<3008x512xf32, #tpu.memory_space<hbm>>) target(%arg7 : memref<64x512xf32, #tpu.memory_space<vmem>>) offsets(%dma_start3A_77 : memref<64xi32, #tpu.memory_space<vmem>>) semaphore(%arg9 : memref<!tpu.dma_semaphore, #tpu.memory_space<semaphore_mem>>)
    %dma_wait3A_81 = arith.constant 4 : i32
    %dma_wait3A_82 = arith.constant 0 : i32
    %dma_wait3A_83 = tpu.memref_slice %arg5[%dma_wait3A_81, %dma_wait3A_82] : memref<8x64xi32, #tpu.memory_space<vmem>> -> memref<1x64xi32, #tpu.memory_space<vmem>>
    %dma_wait3A_84 = tpu.memref_squeeze %dma_wait3A_83 : memref<1x64xi32, #tpu.memory_space<vmem>> -> memref<64xi32, #tpu.memory_space<vmem>>
    %dma_wait3A_85 = arith.constant 0 : i32
    %dma_wait3A_86 = arith.constant 0 : i32
    %dma_wait3A_87 = tpu.memref_slice %arg2[%dma_wait3A_85, %dma_wait3A_86] : memref<3008x512xf32, #tpu.memory_space<hbm>> -> memref<3008x512xf32, #tpu.memory_space<hbm>>
    tpu.wait_indirect_dma semaphore(%arg8 : memref<!tpu.dma_semaphore, #tpu.memory_space<semaphore_mem>>) src(%dma_wait3A_87 : memref<3008x512xf32, #tpu.memory_space<hbm>>) dst(%arg6 : memref<64x512xf32, #tpu.memory_space<vmem>>)
    %add3A_88 = arith.constant 256 : i32
    %add3A_89 = arith.addi %mul3A_2, %add3A_88 : i32
    "tpu.region"() ({
      %run_scoped3A = tpu.sem_alloc : memref<!tpu.dma_semaphore, #tpu.memory_space<semaphore_mem>>
      %dma_start3A_131 = arith.constant 0 : i32
      %dma_start3A_132 = tpu.memref_slice %arg4[%add3A_89, %dma_start3A_131] : memref<16384x512xf32, #tpu.memory_space<hbm>> -> memref<64x512xf32, #tpu.memory_space<hbm>>
      %dma_start3A_133 = arith.constant 0 : i32
      %dma_start3A_134 = tpu.memref_slice %arg4[%add3A_89, %dma_start3A_133] : memref<16384x512xf32, #tpu.memory_space<hbm>> -> memref<64x512xf32, #tpu.memory_space<hbm>>
      tpu.enqueue_dma source(%arg6 : memref<64x512xf32, #tpu.memory_space<vmem>>) target(%dma_start3A_134 : memref<64x512xf32, #tpu.memory_space<hbm>>) target_semaphore(%run_scoped3A : memref<!tpu.dma_semaphore, #tpu.memory_space<semaphore_mem>>)
      %dma_wait3A_135 = arith.constant 0 : i32
      %dma_wait3A_136 = tpu.memref_slice %arg4[%add3A_89, %dma_wait3A_135] : memref<16384x512xf32, #tpu.memory_space<hbm>> -> memref<64x512xf32, #tpu.memory_space<hbm>>
      %dma_wait3A_137 = arith.constant 0 : i32
      %dma_wait3A_138 = tpu.memref_slice %arg4[%add3A_89, %dma_wait3A_137] : memref<16384x512xf32, #tpu.memory_space<hbm>> -> memref<64x512xf32, #tpu.memory_space<hbm>>
      tpu.wait_dma2 semaphore(%run_scoped3A : memref<!tpu.dma_semaphore, #tpu.memory_space<semaphore_mem>>) src(%arg6 : memref<64x512xf32, #tpu.memory_space<vmem>>) dst(%dma_wait3A_138 : memref<64x512xf32, #tpu.memory_space<hbm>>)
      tpu.yield
    }) : () -> ()
    %dma_start3A_90 = arith.constant 6 : i32
    %dma_start3A_91 = arith.constant 0 : i32
    %dma_start3A_92 = tpu.memref_slice %arg5[%dma_start3A_90, %dma_start3A_91] : memref<8x64xi32, #tpu.memory_space<vmem>> -> memref<1x64xi32, #tpu.memory_space<vmem>>
    %dma_start3A_93 = tpu.memref_squeeze %dma_start3A_92 : memref<1x64xi32, #tpu.memory_space<vmem>> -> memref<64xi32, #tpu.memory_space<vmem>>
    %dma_start3A_94 = arith.constant 0 : i32
    %dma_start3A_95 = arith.constant 0 : i32
    %dma_start3A_96 = tpu.memref_slice %arg2[%dma_start3A_94, %dma_start3A_95] : memref<3008x512xf32, #tpu.memory_space<hbm>> -> memref<3008x512xf32, #tpu.memory_space<hbm>>
    tpu.enqueue_indirect_dma source(%dma_start3A_96 : memref<3008x512xf32, #tpu.memory_space<hbm>>) target(%arg6 : memref<64x512xf32, #tpu.memory_space<vmem>>) offsets(%dma_start3A_93 : memref<64xi32, #tpu.memory_space<vmem>>) semaphore(%arg8 : memref<!tpu.dma_semaphore, #tpu.memory_space<semaphore_mem>>)
    %dma_wait3A_97 = arith.constant 5 : i32
    %dma_wait3A_98 = arith.constant 0 : i32
    %dma_wait3A_99 = tpu.memref_slice %arg5[%dma_wait3A_97, %dma_wait3A_98] : memref<8x64xi32, #tpu.memory_space<vmem>> -> memref<1x64xi32, #tpu.memory_space<vmem>>
    %dma_wait3A_100 = tpu.memref_squeeze %dma_wait3A_99 : memref<1x64xi32, #tpu.memory_space<vmem>> -> memref<64xi32, #tpu.memory_space<vmem>>
    %dma_wait3A_101 = arith.constant 0 : i32
    %dma_wait3A_102 = arith.constant 0 : i32
    %dma_wait3A_103 = tpu.memref_slice %arg2[%dma_wait3A_101, %dma_wait3A_102] : memref<3008x512xf32, #tpu.memory_space<hbm>> -> memref<3008x512xf32, #tpu.memory_space<hbm>>
    tpu.wait_indirect_dma semaphore(%arg9 : memref<!tpu.dma_semaphore, #tpu.memory_space<semaphore_mem>>) src(%dma_wait3A_103 : memref<3008x512xf32, #tpu.memory_space<hbm>>) dst(%arg7 : memref<64x512xf32, #tpu.memory_space<vmem>>)
    %add3A_104 = arith.constant 320 : i32
    %add3A_105 = arith.addi %mul3A_2, %add3A_104 : i32
    "tpu.region"() ({
      %run_scoped3A = tpu.sem_alloc : memref<!tpu.dma_semaphore, #tpu.memory_space<semaphore_mem>>
      %dma_start3A_131 = arith.constant 0 : i32
      %dma_start3A_132 = tpu.memref_slice %arg4[%add3A_105, %dma_start3A_131] : memref<16384x512xf32, #tpu.memory_space<hbm>> -> memref<64x512xf32, #tpu.memory_space<hbm>>
      %dma_start3A_133 = arith.constant 0 : i32
      %dma_start3A_134 = tpu.memref_slice %arg4[%add3A_105, %dma_start3A_133] : memref<16384x512xf32, #tpu.memory_space<hbm>> -> memref<64x512xf32, #tpu.memory_space<hbm>>
      tpu.enqueue_dma source(%arg7 : memref<64x512xf32, #tpu.memory_space<vmem>>) target(%dma_start3A_134 : memref<64x512xf32, #tpu.memory_space<hbm>>) target_semaphore(%run_scoped3A : memref<!tpu.dma_semaphore, #tpu.memory_space<semaphore_mem>>)
      %dma_wait3A_135 = arith.constant 0 : i32
      %dma_wait3A_136 = tpu.memref_slice %arg4[%add3A_105, %dma_wait3A_135] : memref<16384x512xf32, #tpu.memory_space<hbm>> -> memref<64x512xf32, #tpu.memory_space<hbm>>
      %dma_wait3A_137 = arith.constant 0 : i32
      %dma_wait3A_138 = tpu.memref_slice %arg4[%add3A_105, %dma_wait3A_137] : memref<16384x512xf32, #tpu.memory_space<hbm>> -> memref<64x512xf32, #tpu.memory_space<hbm>>
      tpu.wait_dma2 semaphore(%run_scoped3A : memref<!tpu.dma_semaphore, #tpu.memory_space<semaphore_mem>>) src(%arg7 : memref<64x512xf32, #tpu.memory_space<vmem>>) dst(%dma_wait3A_138 : memref<64x512xf32, #tpu.memory_space<hbm>>)
      tpu.yield
    }) : () -> ()
    %dma_start3A_106 = arith.constant 7 : i32
    %dma_start3A_107 = arith.constant 0 : i32
    %dma_start3A_108 = tpu.memref_slice %arg5[%dma_start3A_106, %dma_start3A_107] : memref<8x64xi32, #tpu.memory_space<vmem>> -> memref<1x64xi32, #tpu.memory_space<vmem>>
    %dma_start3A_109 = tpu.memref_squeeze %dma_start3A_108 : memref<1x64xi32, #tpu.memory_space<vmem>> -> memref<64xi32, #tpu.memory_space<vmem>>
    %dma_start3A_110 = arith.constant 0 : i32
    %dma_start3A_111 = arith.constant 0 : i32
    %dma_start3A_112 = tpu.memref_slice %arg2[%dma_start3A_110, %dma_start3A_111] : memref<3008x512xf32, #tpu.memory_space<hbm>> -> memref<3008x512xf32, #tpu.memory_space<hbm>>
    tpu.enqueue_indirect_dma source(%dma_start3A_112 : memref<3008x512xf32, #tpu.memory_space<hbm>>) target(%arg7 : memref<64x512xf32, #tpu.memory_space<vmem>>) offsets(%dma_start3A_109 : memref<64xi32, #tpu.memory_space<vmem>>) semaphore(%arg9 : memref<!tpu.dma_semaphore, #tpu.memory_space<semaphore_mem>>)
    %dma_wait3A_113 = arith.constant 6 : i32
    %dma_wait3A_114 = arith.constant 0 : i32
    %dma_wait3A_115 = tpu.memref_slice %arg5[%dma_wait3A_113, %dma_wait3A_114] : memref<8x64xi32, #tpu.memory_space<vmem>> -> memref<1x64xi32, #tpu.memory_space<vmem>>
    %dma_wait3A_116 = tpu.memref_squeeze %dma_wait3A_115 : memref<1x64xi32, #tpu.memory_space<vmem>> -> memref<64xi32, #tpu.memory_space<vmem>>
    %dma_wait3A_117 = arith.constant 0 : i32
    %dma_wait3A_118 = arith.constant 0 : i32
    %dma_wait3A_119 = tpu.memref_slice %arg2[%dma_wait3A_117, %dma_wait3A_118] : memref<3008x512xf32, #tpu.memory_space<hbm>> -> memref<3008x512xf32, #tpu.memory_space<hbm>>
    tpu.wait_indirect_dma semaphore(%arg8 : memref<!tpu.dma_semaphore, #tpu.memory_space<semaphore_mem>>) src(%dma_wait3A_119 : memref<3008x512xf32, #tpu.memory_space<hbm>>) dst(%arg6 : memref<64x512xf32, #tpu.memory_space<vmem>>)
    %add3A_120 = arith.constant 384 : i32
    %add3A_121 = arith.addi %mul3A_2, %add3A_120 : i32
    "tpu.region"() ({
      %run_scoped3A = tpu.sem_alloc : memref<!tpu.dma_semaphore, #tpu.memory_space<semaphore_mem>>
      %dma_start3A_131 = arith.constant 0 : i32
      %dma_start3A_132 = tpu.memref_slice %arg4[%add3A_121, %dma_start3A_131] : memref<16384x512xf32, #tpu.memory_space<hbm>> -> memref<64x512xf32, #tpu.memory_space<hbm>>
      %dma_start3A_133 = arith.constant 0 : i32
      %dma_start3A_134 = tpu.memref_slice %arg4[%add3A_121, %dma_start3A_133] : memref<16384x512xf32, #tpu.memory_space<hbm>> -> memref<64x512xf32, #tpu.memory_space<hbm>>
      tpu.enqueue_dma source(%arg6 : memref<64x512xf32, #tpu.memory_space<vmem>>) target(%dma_start3A_134 : memref<64x512xf32, #tpu.memory_space<hbm>>) target_semaphore(%run_scoped3A : memref<!tpu.dma_semaphore, #tpu.memory_space<semaphore_mem>>)
      %dma_wait3A_135 = arith.constant 0 : i32
      %dma_wait3A_136 = tpu.memref_slice %arg4[%add3A_121, %dma_wait3A_135] : memref<16384x512xf32, #tpu.memory_space<hbm>> -> memref<64x512xf32, #tpu.memory_space<hbm>>
      %dma_wait3A_137 = arith.constant 0 : i32
      %dma_wait3A_138 = tpu.memref_slice %arg4[%add3A_121, %dma_wait3A_137] : memref<16384x512xf32, #tpu.memory_space<hbm>> -> memref<64x512xf32, #tpu.memory_space<hbm>>
      tpu.wait_dma2 semaphore(%run_scoped3A : memref<!tpu.dma_semaphore, #tpu.memory_space<semaphore_mem>>) src(%arg6 : memref<64x512xf32, #tpu.memory_space<vmem>>) dst(%dma_wait3A_138 : memref<64x512xf32, #tpu.memory_space<hbm>>)
      tpu.yield
    }) : () -> ()
    %dma_wait3A_122 = arith.constant 7 : i32
    %dma_wait3A_123 = arith.constant 0 : i32
    %dma_wait3A_124 = tpu.memref_slice %arg5[%dma_wait3A_122, %dma_wait3A_123] : memref<8x64xi32, #tpu.memory_space<vmem>> -> memref<1x64xi32, #tpu.memory_space<vmem>>
    %dma_wait3A_125 = tpu.memref_squeeze %dma_wait3A_124 : memref<1x64xi32, #tpu.memory_space<vmem>> -> memref<64xi32, #tpu.memory_space<vmem>>
    %dma_wait3A_126 = arith.constant 0 : i32
    %dma_wait3A_127 = arith.constant 0 : i32
    %dma_wait3A_128 = tpu.memref_slice %arg2[%dma_wait3A_126, %dma_wait3A_127] : memref<3008x512xf32, #tpu.memory_space<hbm>> -> memref<3008x512xf32, #tpu.memory_space<hbm>>
    tpu.wait_indirect_dma semaphore(%arg9 : memref<!tpu.dma_semaphore, #tpu.memory_space<semaphore_mem>>) src(%dma_wait3A_128 : memref<3008x512xf32, #tpu.memory_space<hbm>>) dst(%arg7 : memref<64x512xf32, #tpu.memory_space<vmem>>)
    %add3A_129 = arith.constant 448 : i32
    %add3A_130 = arith.addi %mul3A_2, %add3A_129 : i32
    "tpu.region"() ({
      %run_scoped3A = tpu.sem_alloc : memref<!tpu.dma_semaphore, #tpu.memory_space<semaphore_mem>>
      %dma_start3A_131 = arith.constant 0 : i32
      %dma_start3A_132 = tpu.memref_slice %arg4[%add3A_130, %dma_start3A_131] : memref<16384x512xf32, #tpu.memory_space<hbm>> -> memref<64x512xf32, #tpu.memory_space<hbm>>
      %dma_start3A_133 = arith.constant 0 : i32
      %dma_start3A_134 = tpu.memref_slice %arg4[%add3A_130, %dma_start3A_133] : memref<16384x512xf32, #tpu.memory_space<hbm>> -> memref<64x512xf32, #tpu.memory_space<hbm>>
      tpu.enqueue_dma source(%arg7 : memref<64x512xf32, #tpu.memory_space<vmem>>) target(%dma_start3A_134 : memref<64x512xf32, #tpu.memory_space<hbm>>) target_semaphore(%run_scoped3A : memref<!tpu.dma_semaphore, #tpu.memory_space<semaphore_mem>>)
      %dma_wait3A_135 = arith.constant 0 : i32
      %dma_wait3A_136 = tpu.memref_slice %arg4[%add3A_130, %dma_wait3A_135] : memref<16384x512xf32, #tpu.memory_space<hbm>> -> memref<64x512xf32, #tpu.memory_space<hbm>>
      %dma_wait3A_137 = arith.constant 0 : i32
      %dma_wait3A_138 = tpu.memref_slice %arg4[%add3A_130, %dma_wait3A_137] : memref<16384x512xf32, #tpu.memory_space<hbm>> -> memref<64x512xf32, #tpu.memory_space<hbm>>
      tpu.wait_dma2 semaphore(%run_scoped3A : memref<!tpu.dma_semaphore, #tpu.memory_space<semaphore_mem>>) src(%arg7 : memref<64x512xf32, #tpu.memory_space<vmem>>) dst(%dma_wait3A_138 : memref<64x512xf32, #tpu.memory_space<hbm>>)
      tpu.yield
    }) : () -> ()
    return
  }
}

#map = affine_map<(d0, d1) -> (0, 0)>
module attributes {stable_mosaic.version = 14 : i64} {
  func.func @gather_k(%arg0: i32, %arg1: i32, %arg2: memref<1024x3072xf32, #tpu.memory_space<hbm>>, %arg3: memref<128x16xi32, #tpu.memory_space<hbm>>, %arg4: memref<2048x3072xf32, #tpu.memory_space<hbm>>, %arg5: memref<4x16xi32, #tpu.memory_space<vmem>>, %arg6: memref<16x3072xf32, #tpu.memory_space<vmem>>, %arg7: memref<16x3072xf32, #tpu.memory_space<vmem>>, %arg8: memref<!tpu.dma_semaphore, #tpu.memory_space<semaphore_mem>>, %arg9: memref<!tpu.dma_semaphore, #tpu.memory_space<semaphore_mem>>) attributes {dimension_semantics = [#tpu.dimension_semantics<core_parallel>, #tpu.dimension_semantics<subcore_parallel>], iteration_bounds = array<i64: 2, 16>, scalar_prefetch = 0 : i64, scratch_operands = 5 : i64, tpu.core_type = #tpu.core_type<sc_vector_subcore>, window_params = [{transform_indices = #map}, {transform_indices = #map}, {transform_indices = #map}]} {
    %mul3A = arith.constant 2 : i32
    %mul3A_0 = arith.muli %arg1, %mul3A : i32
    %add3A = arith.addi %mul3A_0, %arg0 : i32
    %mul3A_1 = arith.constant 64 : i32
    %mul3A_2 = arith.muli %add3A, %mul3A_1 : i32
    %mul3A_3 = arith.constant 4 : i32
    %mul3A_4 = arith.muli %add3A, %mul3A_3 : i32
    "tpu.region"() ({
      %run_scoped3A = tpu.sem_alloc : memref<!tpu.dma_semaphore, #tpu.memory_space<semaphore_mem>>
      %dma_start3A_67 = arith.constant 0 : i32
      %dma_start3A_68 = tpu.memref_slice %arg3[%mul3A_4, %dma_start3A_67] : memref<128x16xi32, #tpu.memory_space<hbm>> -> memref<4x16xi32, #tpu.memory_space<hbm>>
      %dma_start3A_69 = arith.constant 0 : i32
      %dma_start3A_70 = tpu.memref_slice %arg3[%mul3A_4, %dma_start3A_69] : memref<128x16xi32, #tpu.memory_space<hbm>> -> memref<4x16xi32, #tpu.memory_space<hbm>>
      tpu.enqueue_dma source(%dma_start3A_70 : memref<4x16xi32, #tpu.memory_space<hbm>>) target(%arg5 : memref<4x16xi32, #tpu.memory_space<vmem>>) target_semaphore(%run_scoped3A : memref<!tpu.dma_semaphore, #tpu.memory_space<semaphore_mem>>)
      %dma_wait3A_71 = arith.constant 0 : i32
      %dma_wait3A_72 = tpu.memref_slice %arg3[%mul3A_4, %dma_wait3A_71] : memref<128x16xi32, #tpu.memory_space<hbm>> -> memref<4x16xi32, #tpu.memory_space<hbm>>
      %dma_wait3A_73 = arith.constant 0 : i32
      %dma_wait3A_74 = tpu.memref_slice %arg3[%mul3A_4, %dma_wait3A_73] : memref<128x16xi32, #tpu.memory_space<hbm>> -> memref<4x16xi32, #tpu.memory_space<hbm>>
      tpu.wait_dma2 semaphore(%run_scoped3A : memref<!tpu.dma_semaphore, #tpu.memory_space<semaphore_mem>>) src(%dma_wait3A_74 : memref<4x16xi32, #tpu.memory_space<hbm>>) dst(%arg5 : memref<4x16xi32, #tpu.memory_space<vmem>>)
      tpu.yield
    }) : () -> ()
    %dma_start3A = arith.constant 0 : i32
    %dma_start3A_5 = arith.constant 0 : i32
    %dma_start3A_6 = tpu.memref_slice %arg5[%dma_start3A, %dma_start3A_5] : memref<4x16xi32, #tpu.memory_space<vmem>> -> memref<1x16xi32, #tpu.memory_space<vmem>>
    %dma_start3A_7 = tpu.memref_squeeze %dma_start3A_6 : memref<1x16xi32, #tpu.memory_space<vmem>> -> memref<16xi32, #tpu.memory_space<vmem>>
    %dma_start3A_8 = arith.constant 0 : i32
    %dma_start3A_9 = arith.constant 0 : i32
    %dma_start3A_10 = tpu.memref_slice %arg2[%dma_start3A_8, %dma_start3A_9] : memref<1024x3072xf32, #tpu.memory_space<hbm>> -> memref<1024x3072xf32, #tpu.memory_space<hbm>>
    tpu.enqueue_indirect_dma source(%dma_start3A_10 : memref<1024x3072xf32, #tpu.memory_space<hbm>>) target(%arg6 : memref<16x3072xf32, #tpu.memory_space<vmem>>) offsets(%dma_start3A_7 : memref<16xi32, #tpu.memory_space<vmem>>) semaphore(%arg8 : memref<!tpu.dma_semaphore, #tpu.memory_space<semaphore_mem>>)
    %dma_start3A_11 = arith.constant 1 : i32
    %dma_start3A_12 = arith.constant 0 : i32
    %dma_start3A_13 = tpu.memref_slice %arg5[%dma_start3A_11, %dma_start3A_12] : memref<4x16xi32, #tpu.memory_space<vmem>> -> memref<1x16xi32, #tpu.memory_space<vmem>>
    %dma_start3A_14 = tpu.memref_squeeze %dma_start3A_13 : memref<1x16xi32, #tpu.memory_space<vmem>> -> memref<16xi32, #tpu.memory_space<vmem>>
    %dma_start3A_15 = arith.constant 0 : i32
    %dma_start3A_16 = arith.constant 0 : i32
    %dma_start3A_17 = tpu.memref_slice %arg2[%dma_start3A_15, %dma_start3A_16] : memref<1024x3072xf32, #tpu.memory_space<hbm>> -> memref<1024x3072xf32, #tpu.memory_space<hbm>>
    tpu.enqueue_indirect_dma source(%dma_start3A_17 : memref<1024x3072xf32, #tpu.memory_space<hbm>>) target(%arg7 : memref<16x3072xf32, #tpu.memory_space<vmem>>) offsets(%dma_start3A_14 : memref<16xi32, #tpu.memory_space<vmem>>) semaphore(%arg9 : memref<!tpu.dma_semaphore, #tpu.memory_space<semaphore_mem>>)
    %dma_wait3A = arith.constant 0 : i32
    %dma_wait3A_18 = arith.constant 0 : i32
    %dma_wait3A_19 = tpu.memref_slice %arg5[%dma_wait3A, %dma_wait3A_18] : memref<4x16xi32, #tpu.memory_space<vmem>> -> memref<1x16xi32, #tpu.memory_space<vmem>>
    %dma_wait3A_20 = tpu.memref_squeeze %dma_wait3A_19 : memref<1x16xi32, #tpu.memory_space<vmem>> -> memref<16xi32, #tpu.memory_space<vmem>>
    %dma_wait3A_21 = arith.constant 0 : i32
    %dma_wait3A_22 = arith.constant 0 : i32
    %dma_wait3A_23 = tpu.memref_slice %arg2[%dma_wait3A_21, %dma_wait3A_22] : memref<1024x3072xf32, #tpu.memory_space<hbm>> -> memref<1024x3072xf32, #tpu.memory_space<hbm>>
    tpu.wait_indirect_dma semaphore(%arg8 : memref<!tpu.dma_semaphore, #tpu.memory_space<semaphore_mem>>) src(%dma_wait3A_23 : memref<1024x3072xf32, #tpu.memory_space<hbm>>) dst(%arg6 : memref<16x3072xf32, #tpu.memory_space<vmem>>)
    %add3A_24 = arith.constant 0 : i32
    %add3A_25 = arith.addi %mul3A_2, %add3A_24 : i32
    "tpu.region"() ({
      %run_scoped3A = tpu.sem_alloc : memref<!tpu.dma_semaphore, #tpu.memory_space<semaphore_mem>>
      %dma_start3A_67 = arith.constant 0 : i32
      %dma_start3A_68 = tpu.memref_slice %arg4[%add3A_25, %dma_start3A_67] : memref<2048x3072xf32, #tpu.memory_space<hbm>> -> memref<16x3072xf32, #tpu.memory_space<hbm>>
      %dma_start3A_69 = arith.constant 0 : i32
      %dma_start3A_70 = tpu.memref_slice %arg4[%add3A_25, %dma_start3A_69] : memref<2048x3072xf32, #tpu.memory_space<hbm>> -> memref<16x3072xf32, #tpu.memory_space<hbm>>
      tpu.enqueue_dma source(%arg6 : memref<16x3072xf32, #tpu.memory_space<vmem>>) target(%dma_start3A_70 : memref<16x3072xf32, #tpu.memory_space<hbm>>) target_semaphore(%run_scoped3A : memref<!tpu.dma_semaphore, #tpu.memory_space<semaphore_mem>>)
      %dma_wait3A_71 = arith.constant 0 : i32
      %dma_wait3A_72 = tpu.memref_slice %arg4[%add3A_25, %dma_wait3A_71] : memref<2048x3072xf32, #tpu.memory_space<hbm>> -> memref<16x3072xf32, #tpu.memory_space<hbm>>
      %dma_wait3A_73 = arith.constant 0 : i32
      %dma_wait3A_74 = tpu.memref_slice %arg4[%add3A_25, %dma_wait3A_73] : memref<2048x3072xf32, #tpu.memory_space<hbm>> -> memref<16x3072xf32, #tpu.memory_space<hbm>>
      tpu.wait_dma2 semaphore(%run_scoped3A : memref<!tpu.dma_semaphore, #tpu.memory_space<semaphore_mem>>) src(%arg6 : memref<16x3072xf32, #tpu.memory_space<vmem>>) dst(%dma_wait3A_74 : memref<16x3072xf32, #tpu.memory_space<hbm>>)
      tpu.yield
    }) : () -> ()
    %dma_start3A_26 = arith.constant 2 : i32
    %dma_start3A_27 = arith.constant 0 : i32
    %dma_start3A_28 = tpu.memref_slice %arg5[%dma_start3A_26, %dma_start3A_27] : memref<4x16xi32, #tpu.memory_space<vmem>> -> memref<1x16xi32, #tpu.memory_space<vmem>>
    %dma_start3A_29 = tpu.memref_squeeze %dma_start3A_28 : memref<1x16xi32, #tpu.memory_space<vmem>> -> memref<16xi32, #tpu.memory_space<vmem>>
    %dma_start3A_30 = arith.constant 0 : i32
    %dma_start3A_31 = arith.constant 0 : i32
    %dma_start3A_32 = tpu.memref_slice %arg2[%dma_start3A_30, %dma_start3A_31] : memref<1024x3072xf32, #tpu.memory_space<hbm>> -> memref<1024x3072xf32, #tpu.memory_space<hbm>>
    tpu.enqueue_indirect_dma source(%dma_start3A_32 : memref<1024x3072xf32, #tpu.memory_space<hbm>>) target(%arg6 : memref<16x3072xf32, #tpu.memory_space<vmem>>) offsets(%dma_start3A_29 : memref<16xi32, #tpu.memory_space<vmem>>) semaphore(%arg8 : memref<!tpu.dma_semaphore, #tpu.memory_space<semaphore_mem>>)
    %dma_wait3A_33 = arith.constant 1 : i32
    %dma_wait3A_34 = arith.constant 0 : i32
    %dma_wait3A_35 = tpu.memref_slice %arg5[%dma_wait3A_33, %dma_wait3A_34] : memref<4x16xi32, #tpu.memory_space<vmem>> -> memref<1x16xi32, #tpu.memory_space<vmem>>
    %dma_wait3A_36 = tpu.memref_squeeze %dma_wait3A_35 : memref<1x16xi32, #tpu.memory_space<vmem>> -> memref<16xi32, #tpu.memory_space<vmem>>
    %dma_wait3A_37 = arith.constant 0 : i32
    %dma_wait3A_38 = arith.constant 0 : i32
    %dma_wait3A_39 = tpu.memref_slice %arg2[%dma_wait3A_37, %dma_wait3A_38] : memref<1024x3072xf32, #tpu.memory_space<hbm>> -> memref<1024x3072xf32, #tpu.memory_space<hbm>>
    tpu.wait_indirect_dma semaphore(%arg9 : memref<!tpu.dma_semaphore, #tpu.memory_space<semaphore_mem>>) src(%dma_wait3A_39 : memref<1024x3072xf32, #tpu.memory_space<hbm>>) dst(%arg7 : memref<16x3072xf32, #tpu.memory_space<vmem>>)
    %add3A_40 = arith.constant 16 : i32
    %add3A_41 = arith.addi %mul3A_2, %add3A_40 : i32
    "tpu.region"() ({
      %run_scoped3A = tpu.sem_alloc : memref<!tpu.dma_semaphore, #tpu.memory_space<semaphore_mem>>
      %dma_start3A_67 = arith.constant 0 : i32
      %dma_start3A_68 = tpu.memref_slice %arg4[%add3A_41, %dma_start3A_67] : memref<2048x3072xf32, #tpu.memory_space<hbm>> -> memref<16x3072xf32, #tpu.memory_space<hbm>>
      %dma_start3A_69 = arith.constant 0 : i32
      %dma_start3A_70 = tpu.memref_slice %arg4[%add3A_41, %dma_start3A_69] : memref<2048x3072xf32, #tpu.memory_space<hbm>> -> memref<16x3072xf32, #tpu.memory_space<hbm>>
      tpu.enqueue_dma source(%arg7 : memref<16x3072xf32, #tpu.memory_space<vmem>>) target(%dma_start3A_70 : memref<16x3072xf32, #tpu.memory_space<hbm>>) target_semaphore(%run_scoped3A : memref<!tpu.dma_semaphore, #tpu.memory_space<semaphore_mem>>)
      %dma_wait3A_71 = arith.constant 0 : i32
      %dma_wait3A_72 = tpu.memref_slice %arg4[%add3A_41, %dma_wait3A_71] : memref<2048x3072xf32, #tpu.memory_space<hbm>> -> memref<16x3072xf32, #tpu.memory_space<hbm>>
      %dma_wait3A_73 = arith.constant 0 : i32
      %dma_wait3A_74 = tpu.memref_slice %arg4[%add3A_41, %dma_wait3A_73] : memref<2048x3072xf32, #tpu.memory_space<hbm>> -> memref<16x3072xf32, #tpu.memory_space<hbm>>
      tpu.wait_dma2 semaphore(%run_scoped3A : memref<!tpu.dma_semaphore, #tpu.memory_space<semaphore_mem>>) src(%arg7 : memref<16x3072xf32, #tpu.memory_space<vmem>>) dst(%dma_wait3A_74 : memref<16x3072xf32, #tpu.memory_space<hbm>>)
      tpu.yield
    }) : () -> ()
    %dma_start3A_42 = arith.constant 3 : i32
    %dma_start3A_43 = arith.constant 0 : i32
    %dma_start3A_44 = tpu.memref_slice %arg5[%dma_start3A_42, %dma_start3A_43] : memref<4x16xi32, #tpu.memory_space<vmem>> -> memref<1x16xi32, #tpu.memory_space<vmem>>
    %dma_start3A_45 = tpu.memref_squeeze %dma_start3A_44 : memref<1x16xi32, #tpu.memory_space<vmem>> -> memref<16xi32, #tpu.memory_space<vmem>>
    %dma_start3A_46 = arith.constant 0 : i32
    %dma_start3A_47 = arith.constant 0 : i32
    %dma_start3A_48 = tpu.memref_slice %arg2[%dma_start3A_46, %dma_start3A_47] : memref<1024x3072xf32, #tpu.memory_space<hbm>> -> memref<1024x3072xf32, #tpu.memory_space<hbm>>
    tpu.enqueue_indirect_dma source(%dma_start3A_48 : memref<1024x3072xf32, #tpu.memory_space<hbm>>) target(%arg7 : memref<16x3072xf32, #tpu.memory_space<vmem>>) offsets(%dma_start3A_45 : memref<16xi32, #tpu.memory_space<vmem>>) semaphore(%arg9 : memref<!tpu.dma_semaphore, #tpu.memory_space<semaphore_mem>>)
    %dma_wait3A_49 = arith.constant 2 : i32
    %dma_wait3A_50 = arith.constant 0 : i32
    %dma_wait3A_51 = tpu.memref_slice %arg5[%dma_wait3A_49, %dma_wait3A_50] : memref<4x16xi32, #tpu.memory_space<vmem>> -> memref<1x16xi32, #tpu.memory_space<vmem>>
    %dma_wait3A_52 = tpu.memref_squeeze %dma_wait3A_51 : memref<1x16xi32, #tpu.memory_space<vmem>> -> memref<16xi32, #tpu.memory_space<vmem>>
    %dma_wait3A_53 = arith.constant 0 : i32
    %dma_wait3A_54 = arith.constant 0 : i32
    %dma_wait3A_55 = tpu.memref_slice %arg2[%dma_wait3A_53, %dma_wait3A_54] : memref<1024x3072xf32, #tpu.memory_space<hbm>> -> memref<1024x3072xf32, #tpu.memory_space<hbm>>
    tpu.wait_indirect_dma semaphore(%arg8 : memref<!tpu.dma_semaphore, #tpu.memory_space<semaphore_mem>>) src(%dma_wait3A_55 : memref<1024x3072xf32, #tpu.memory_space<hbm>>) dst(%arg6 : memref<16x3072xf32, #tpu.memory_space<vmem>>)
    %add3A_56 = arith.constant 32 : i32
    %add3A_57 = arith.addi %mul3A_2, %add3A_56 : i32
    "tpu.region"() ({
      %run_scoped3A = tpu.sem_alloc : memref<!tpu.dma_semaphore, #tpu.memory_space<semaphore_mem>>
      %dma_start3A_67 = arith.constant 0 : i32
      %dma_start3A_68 = tpu.memref_slice %arg4[%add3A_57, %dma_start3A_67] : memref<2048x3072xf32, #tpu.memory_space<hbm>> -> memref<16x3072xf32, #tpu.memory_space<hbm>>
      %dma_start3A_69 = arith.constant 0 : i32
      %dma_start3A_70 = tpu.memref_slice %arg4[%add3A_57, %dma_start3A_69] : memref<2048x3072xf32, #tpu.memory_space<hbm>> -> memref<16x3072xf32, #tpu.memory_space<hbm>>
      tpu.enqueue_dma source(%arg6 : memref<16x3072xf32, #tpu.memory_space<vmem>>) target(%dma_start3A_70 : memref<16x3072xf32, #tpu.memory_space<hbm>>) target_semaphore(%run_scoped3A : memref<!tpu.dma_semaphore, #tpu.memory_space<semaphore_mem>>)
      %dma_wait3A_71 = arith.constant 0 : i32
      %dma_wait3A_72 = tpu.memref_slice %arg4[%add3A_57, %dma_wait3A_71] : memref<2048x3072xf32, #tpu.memory_space<hbm>> -> memref<16x3072xf32, #tpu.memory_space<hbm>>
      %dma_wait3A_73 = arith.constant 0 : i32
      %dma_wait3A_74 = tpu.memref_slice %arg4[%add3A_57, %dma_wait3A_73] : memref<2048x3072xf32, #tpu.memory_space<hbm>> -> memref<16x3072xf32, #tpu.memory_space<hbm>>
      tpu.wait_dma2 semaphore(%run_scoped3A : memref<!tpu.dma_semaphore, #tpu.memory_space<semaphore_mem>>) src(%arg6 : memref<16x3072xf32, #tpu.memory_space<vmem>>) dst(%dma_wait3A_74 : memref<16x3072xf32, #tpu.memory_space<hbm>>)
      tpu.yield
    }) : () -> ()
    %dma_wait3A_58 = arith.constant 3 : i32
    %dma_wait3A_59 = arith.constant 0 : i32
    %dma_wait3A_60 = tpu.memref_slice %arg5[%dma_wait3A_58, %dma_wait3A_59] : memref<4x16xi32, #tpu.memory_space<vmem>> -> memref<1x16xi32, #tpu.memory_space<vmem>>
    %dma_wait3A_61 = tpu.memref_squeeze %dma_wait3A_60 : memref<1x16xi32, #tpu.memory_space<vmem>> -> memref<16xi32, #tpu.memory_space<vmem>>
    %dma_wait3A_62 = arith.constant 0 : i32
    %dma_wait3A_63 = arith.constant 0 : i32
    %dma_wait3A_64 = tpu.memref_slice %arg2[%dma_wait3A_62, %dma_wait3A_63] : memref<1024x3072xf32, #tpu.memory_space<hbm>> -> memref<1024x3072xf32, #tpu.memory_space<hbm>>
    tpu.wait_indirect_dma semaphore(%arg9 : memref<!tpu.dma_semaphore, #tpu.memory_space<semaphore_mem>>) src(%dma_wait3A_64 : memref<1024x3072xf32, #tpu.memory_space<hbm>>) dst(%arg7 : memref<16x3072xf32, #tpu.memory_space<vmem>>)
    %add3A_65 = arith.constant 48 : i32
    %add3A_66 = arith.addi %mul3A_2, %add3A_65 : i32
    "tpu.region"() ({
      %run_scoped3A = tpu.sem_alloc : memref<!tpu.dma_semaphore, #tpu.memory_space<semaphore_mem>>
      %dma_start3A_67 = arith.constant 0 : i32
      %dma_start3A_68 = tpu.memref_slice %arg4[%add3A_66, %dma_start3A_67] : memref<2048x3072xf32, #tpu.memory_space<hbm>> -> memref<16x3072xf32, #tpu.memory_space<hbm>>
      %dma_start3A_69 = arith.constant 0 : i32
      %dma_start3A_70 = tpu.memref_slice %arg4[%add3A_66, %dma_start3A_69] : memref<2048x3072xf32, #tpu.memory_space<hbm>> -> memref<16x3072xf32, #tpu.memory_space<hbm>>
      tpu.enqueue_dma source(%arg7 : memref<16x3072xf32, #tpu.memory_space<vmem>>) target(%dma_start3A_70 : memref<16x3072xf32, #tpu.memory_space<hbm>>) target_semaphore(%run_scoped3A : memref<!tpu.dma_semaphore, #tpu.memory_space<semaphore_mem>>)
      %dma_wait3A_71 = arith.constant 0 : i32
      %dma_wait3A_72 = tpu.memref_slice %arg4[%add3A_66, %dma_wait3A_71] : memref<2048x3072xf32, #tpu.memory_space<hbm>> -> memref<16x3072xf32, #tpu.memory_space<hbm>>
      %dma_wait3A_73 = arith.constant 0 : i32
      %dma_wait3A_74 = tpu.memref_slice %arg4[%add3A_66, %dma_wait3A_73] : memref<2048x3072xf32, #tpu.memory_space<hbm>> -> memref<16x3072xf32, #tpu.memory_space<hbm>>
      tpu.wait_dma2 semaphore(%run_scoped3A : memref<!tpu.dma_semaphore, #tpu.memory_space<semaphore_mem>>) src(%arg7 : memref<16x3072xf32, #tpu.memory_space<vmem>>) dst(%dma_wait3A_74 : memref<16x3072xf32, #tpu.memory_space<hbm>>)
      tpu.yield
    }) : () -> ()
    return
  }
}

module attributes {stable_mosaic.version = 14 : i64} {
  func.func @_l1_body(%arg0: i32, %arg1: memref<512x512xf32, #tpu.memory_space<vmem>>, %arg2: memref<32x96xf32, #tpu.memory_space<vmem>>, %arg3: memref<32x6xf32, #tpu.memory_space<vmem>>, %arg4: memref<32x6xf32, #tpu.memory_space<vmem>>, %arg5: memref<32x6xf32, #tpu.memory_space<vmem>>, %arg6: memref<192x512xf32, #tpu.memory_space<vmem>>) attributes {dimension_semantics = [#tpu.dimension_semantics<arbitrary>], iteration_bounds = array<i64: 32>, scalar_prefetch = 0 : i64, scratch_operands = 0 : i64, tpu.core_type = #tpu.core_type<tc>, window_params = [{transform_indices = @transform_0, window_bounds = array<i64: 512, 512>}, {transform_indices = @transform_1, window_bounds = array<i64: 32, 96>}, {transform_indices = @transform_2, window_bounds = array<i64: 32, 6>}, {transform_indices = @transform_3, window_bounds = array<i64: 32, 6>}, {transform_indices = @transform_4, window_bounds = array<i64: 32, 6>}, {transform_indices = @transform_5, window_bounds = array<i64: 192, 512>}]} {
    %get3A = arith.constant 0 : index
    %get3A_0 = arith.constant 0 : index
    %get3A_1 = vector.load %arg1[%get3A, %get3A_0] : memref<512x512xf32, #tpu.memory_space<vmem>>, vector<512x512xf32>
    %reshape3A = vector.shape_cast %get3A_1 : vector<512x512xf32> to vector<32x16x512xf32>
    %get3A_2 = arith.constant 0 : index
    %get3A_3 = arith.constant 0 : index
    %get3A_4 = vector.load %arg2[%get3A_2, %get3A_3] : memref<32x96xf32, #tpu.memory_space<vmem>>, vector<32x96xf32>
    %reshape3A_5 = vector.shape_cast %get3A_4 : vector<32x96xf32> to vector<32x16x6xf32>
    %get3A_6 = arith.constant 0 : index
    %get3A_7 = arith.constant 0 : index
    %get3A_8 = vector.load %arg3[%get3A_6, %get3A_7] : memref<32x6xf32, #tpu.memory_space<vmem>>, vector<32x6xf32>
    %broadcast_in_dim3A = vector.shape_cast %get3A_8 : vector<32x6xf32> to vector<32x6x1xf32>
    %broadcast_in_dim3A_9 = arith.constant 1.000000e+00 : f32
    %broadcast_in_dim3A_10 = vector.broadcast %broadcast_in_dim3A_9 : f32 to vector<32x6x512xf32>
    %mul3A = vector.broadcast %broadcast_in_dim3A : vector<32x6x1xf32> to vector<32x6x512xf32>
    %mul3A_11 = arith.mulf %mul3A, %broadcast_in_dim3A_10 : vector<32x6x512xf32>
    %slice3A = vector.extract_strided_slice %reshape3A_5 {offsets = [0, 0, 0], sizes = [32, 1, 6], strides = [1, 1, 1]} : vector<32x16x6xf32> to vector<32x1x6xf32>
    %squeeze3A = vector.shape_cast %slice3A : vector<32x1x6xf32> to vector<32x6xf32>
    %broadcast_in_dim3A_12 = vector.shape_cast %squeeze3A : vector<32x6xf32> to vector<32x6x1xf32>
    %slice3A_13 = vector.extract_strided_slice %reshape3A {offsets = [0, 0, 0], sizes = [32, 1, 512], strides = [1, 1, 1]} : vector<32x16x512xf32> to vector<32x1x512xf32>
    %squeeze3A_14 = vector.shape_cast %slice3A_13 : vector<32x1x512xf32> to vector<32x512xf32>
    %broadcast_in_dim3A_15 = vector.shape_cast %squeeze3A_14 : vector<32x512xf32> to vector<32x1x512xf32>
    %mul3A_16 = vector.broadcast %broadcast_in_dim3A_12 : vector<32x6x1xf32> to vector<32x6x512xf32>
    %mul3A_17 = vector.broadcast %broadcast_in_dim3A_15 : vector<32x1x512xf32> to vector<32x6x512xf32>
    %mul3A_18 = arith.mulf %mul3A_16, %mul3A_17 : vector<32x6x512xf32>
    %add3A = arith.addf %mul3A_11, %mul3A_18 : vector<32x6x512xf32>
    %slice3A_19 = vector.extract_strided_slice %reshape3A_5 {offsets = [0, 1, 0], sizes = [32, 1, 6], strides = [1, 1, 1]} : vector<32x16x6xf32> to vector<32x1x6xf32>
    %squeeze3A_20 = vector.shape_cast %slice3A_19 : vector<32x1x6xf32> to vector<32x6xf32>
    %broadcast_in_dim3A_21 = vector.shape_cast %squeeze3A_20 : vector<32x6xf32> to vector<32x6x1xf32>
    %slice3A_22 = vector.extract_strided_slice %reshape3A {offsets = [0, 1, 0], sizes = [32, 1, 512], strides = [1, 1, 1]} : vector<32x16x512xf32> to vector<32x1x512xf32>
    %squeeze3A_23 = vector.shape_cast %slice3A_22 : vector<32x1x512xf32> to vector<32x512xf32>
    %broadcast_in_dim3A_24 = vector.shape_cast %squeeze3A_23 : vector<32x512xf32> to vector<32x1x512xf32>
    %mul3A_25 = vector.broadcast %broadcast_in_dim3A_21 : vector<32x6x1xf32> to vector<32x6x512xf32>
    %mul3A_26 = vector.broadcast %broadcast_in_dim3A_24 : vector<32x1x512xf32> to vector<32x6x512xf32>
    %mul3A_27 = arith.mulf %mul3A_25, %mul3A_26 : vector<32x6x512xf32>
    %add3A_28 = arith.addf %add3A, %mul3A_27 : vector<32x6x512xf32>
    %slice3A_29 = vector.extract_strided_slice %reshape3A_5 {offsets = [0, 2, 0], sizes = [32, 1, 6], strides = [1, 1, 1]} : vector<32x16x6xf32> to vector<32x1x6xf32>
    %squeeze3A_30 = vector.shape_cast %slice3A_29 : vector<32x1x6xf32> to vector<32x6xf32>
    %broadcast_in_dim3A_31 = vector.shape_cast %squeeze3A_30 : vector<32x6xf32> to vector<32x6x1xf32>
    %slice3A_32 = vector.extract_strided_slice %reshape3A {offsets = [0, 2, 0], sizes = [32, 1, 512], strides = [1, 1, 1]} : vector<32x16x512xf32> to vector<32x1x512xf32>
    %squeeze3A_33 = vector.shape_cast %slice3A_32 : vector<32x1x512xf32> to vector<32x512xf32>
    %broadcast_in_dim3A_34 = vector.shape_cast %squeeze3A_33 : vector<32x512xf32> to vector<32x1x512xf32>
    %mul3A_35 = vector.broadcast %broadcast_in_dim3A_31 : vector<32x6x1xf32> to vector<32x6x512xf32>
    %mul3A_36 = vector.broadcast %broadcast_in_dim3A_34 : vector<32x1x512xf32> to vector<32x6x512xf32>
    %mul3A_37 = arith.mulf %mul3A_35, %mul3A_36 : vector<32x6x512xf32>
    %add3A_38 = arith.addf %add3A_28, %mul3A_37 : vector<32x6x512xf32>
    %slice3A_39 = vector.extract_strided_slice %reshape3A_5 {offsets = [0, 3, 0], sizes = [32, 1, 6], strides = [1, 1, 1]} : vector<32x16x6xf32> to vector<32x1x6xf32>
    %squeeze3A_40 = vector.shape_cast %slice3A_39 : vector<32x1x6xf32> to vector<32x6xf32>
    %broadcast_in_dim3A_41 = vector.shape_cast %squeeze3A_40 : vector<32x6xf32> to vector<32x6x1xf32>
    %slice3A_42 = vector.extract_strided_slice %reshape3A {offsets = [0, 3, 0], sizes = [32, 1, 512], strides = [1, 1, 1]} : vector<32x16x512xf32> to vector<32x1x512xf32>
    %squeeze3A_43 = vector.shape_cast %slice3A_42 : vector<32x1x512xf32> to vector<32x512xf32>
    %broadcast_in_dim3A_44 = vector.shape_cast %squeeze3A_43 : vector<32x512xf32> to vector<32x1x512xf32>
    %mul3A_45 = vector.broadcast %broadcast_in_dim3A_41 : vector<32x6x1xf32> to vector<32x6x512xf32>
    %mul3A_46 = vector.broadcast %broadcast_in_dim3A_44 : vector<32x1x512xf32> to vector<32x6x512xf32>
    %mul3A_47 = arith.mulf %mul3A_45, %mul3A_46 : vector<32x6x512xf32>
    %add3A_48 = arith.addf %add3A_38, %mul3A_47 : vector<32x6x512xf32>
    %slice3A_49 = vector.extract_strided_slice %reshape3A_5 {offsets = [0, 4, 0], sizes = [32, 1, 6], strides = [1, 1, 1]} : vector<32x16x6xf32> to vector<32x1x6xf32>
    %squeeze3A_50 = vector.shape_cast %slice3A_49 : vector<32x1x6xf32> to vector<32x6xf32>
    %broadcast_in_dim3A_51 = vector.shape_cast %squeeze3A_50 : vector<32x6xf32> to vector<32x6x1xf32>
    %slice3A_52 = vector.extract_strided_slice %reshape3A {offsets = [0, 4, 0], sizes = [32, 1, 512], strides = [1, 1, 1]} : vector<32x16x512xf32> to vector<32x1x512xf32>
    %squeeze3A_53 = vector.shape_cast %slice3A_52 : vector<32x1x512xf32> to vector<32x512xf32>
    %broadcast_in_dim3A_54 = vector.shape_cast %squeeze3A_53 : vector<32x512xf32> to vector<32x1x512xf32>
    %mul3A_55 = vector.broadcast %broadcast_in_dim3A_51 : vector<32x6x1xf32> to vector<32x6x512xf32>
    %mul3A_56 = vector.broadcast %broadcast_in_dim3A_54 : vector<32x1x512xf32> to vector<32x6x512xf32>
    %mul3A_57 = arith.mulf %mul3A_55, %mul3A_56 : vector<32x6x512xf32>
    %add3A_58 = arith.addf %add3A_48, %mul3A_57 : vector<32x6x512xf32>
    %slice3A_59 = vector.extract_strided_slice %reshape3A_5 {offsets = [0, 5, 0], sizes = [32, 1, 6], strides = [1, 1, 1]} : vector<32x16x6xf32> to vector<32x1x6xf32>
    %squeeze3A_60 = vector.shape_cast %slice3A_59 : vector<32x1x6xf32> to vector<32x6xf32>
    %broadcast_in_dim3A_61 = vector.shape_cast %squeeze3A_60 : vector<32x6xf32> to vector<32x6x1xf32>
    %slice3A_62 = vector.extract_strided_slice %reshape3A {offsets = [0, 5, 0], sizes = [32, 1, 512], strides = [1, 1, 1]} : vector<32x16x512xf32> to vector<32x1x512xf32>
    %squeeze3A_63 = vector.shape_cast %slice3A_62 : vector<32x1x512xf32> to vector<32x512xf32>
    %broadcast_in_dim3A_64 = vector.shape_cast %squeeze3A_63 : vector<32x512xf32> to vector<32x1x512xf32>
    %mul3A_65 = vector.broadcast %broadcast_in_dim3A_61 : vector<32x6x1xf32> to vector<32x6x512xf32>
    %mul3A_66 = vector.broadcast %broadcast_in_dim3A_64 : vector<32x1x512xf32> to vector<32x6x512xf32>
    %mul3A_67 = arith.mulf %mul3A_65, %mul3A_66 : vector<32x6x512xf32>
    %add3A_68 = arith.addf %add3A_58, %mul3A_67 : vector<32x6x512xf32>
    %slice3A_69 = vector.extract_strided_slice %reshape3A_5 {offsets = [0, 6, 0], sizes = [32, 1, 6], strides = [1, 1, 1]} : vector<32x16x6xf32> to vector<32x1x6xf32>
    %squeeze3A_70 = vector.shape_cast %slice3A_69 : vector<32x1x6xf32> to vector<32x6xf32>
    %broadcast_in_dim3A_71 = vector.shape_cast %squeeze3A_70 : vector<32x6xf32> to vector<32x6x1xf32>
    %slice3A_72 = vector.extract_strided_slice %reshape3A {offsets = [0, 6, 0], sizes = [32, 1, 512], strides = [1, 1, 1]} : vector<32x16x512xf32> to vector<32x1x512xf32>
    %squeeze3A_73 = vector.shape_cast %slice3A_72 : vector<32x1x512xf32> to vector<32x512xf32>
    %broadcast_in_dim3A_74 = vector.shape_cast %squeeze3A_73 : vector<32x512xf32> to vector<32x1x512xf32>
    %mul3A_75 = vector.broadcast %broadcast_in_dim3A_71 : vector<32x6x1xf32> to vector<32x6x512xf32>
    %mul3A_76 = vector.broadcast %broadcast_in_dim3A_74 : vector<32x1x512xf32> to vector<32x6x512xf32>
    %mul3A_77 = arith.mulf %mul3A_75, %mul3A_76 : vector<32x6x512xf32>
    %add3A_78 = arith.addf %add3A_68, %mul3A_77 : vector<32x6x512xf32>
    %slice3A_79 = vector.extract_strided_slice %reshape3A_5 {offsets = [0, 7, 0], sizes = [32, 1, 6], strides = [1, 1, 1]} : vector<32x16x6xf32> to vector<32x1x6xf32>
    %squeeze3A_80 = vector.shape_cast %slice3A_79 : vector<32x1x6xf32> to vector<32x6xf32>
    %broadcast_in_dim3A_81 = vector.shape_cast %squeeze3A_80 : vector<32x6xf32> to vector<32x6x1xf32>
    %slice3A_82 = vector.extract_strided_slice %reshape3A {offsets = [0, 7, 0], sizes = [32, 1, 512], strides = [1, 1, 1]} : vector<32x16x512xf32> to vector<32x1x512xf32>
    %squeeze3A_83 = vector.shape_cast %slice3A_82 : vector<32x1x512xf32> to vector<32x512xf32>
    %broadcast_in_dim3A_84 = vector.shape_cast %squeeze3A_83 : vector<32x512xf32> to vector<32x1x512xf32>
    %mul3A_85 = vector.broadcast %broadcast_in_dim3A_81 : vector<32x6x1xf32> to vector<32x6x512xf32>
    %mul3A_86 = vector.broadcast %broadcast_in_dim3A_84 : vector<32x1x512xf32> to vector<32x6x512xf32>
    %mul3A_87 = arith.mulf %mul3A_85, %mul3A_86 : vector<32x6x512xf32>
    %add3A_88 = arith.addf %add3A_78, %mul3A_87 : vector<32x6x512xf32>
    %slice3A_89 = vector.extract_strided_slice %reshape3A_5 {offsets = [0, 8, 0], sizes = [32, 1, 6], strides = [1, 1, 1]} : vector<32x16x6xf32> to vector<32x1x6xf32>
    %squeeze3A_90 = vector.shape_cast %slice3A_89 : vector<32x1x6xf32> to vector<32x6xf32>
    %broadcast_in_dim3A_91 = vector.shape_cast %squeeze3A_90 : vector<32x6xf32> to vector<32x6x1xf32>
    %slice3A_92 = vector.extract_strided_slice %reshape3A {offsets = [0, 8, 0], sizes = [32, 1, 512], strides = [1, 1, 1]} : vector<32x16x512xf32> to vector<32x1x512xf32>
    %squeeze3A_93 = vector.shape_cast %slice3A_92 : vector<32x1x512xf32> to vector<32x512xf32>
    %broadcast_in_dim3A_94 = vector.shape_cast %squeeze3A_93 : vector<32x512xf32> to vector<32x1x512xf32>
    %mul3A_95 = vector.broadcast %broadcast_in_dim3A_91 : vector<32x6x1xf32> to vector<32x6x512xf32>
    %mul3A_96 = vector.broadcast %broadcast_in_dim3A_94 : vector<32x1x512xf32> to vector<32x6x512xf32>
    %mul3A_97 = arith.mulf %mul3A_95, %mul3A_96 : vector<32x6x512xf32>
    %add3A_98 = arith.addf %add3A_88, %mul3A_97 : vector<32x6x512xf32>
    %slice3A_99 = vector.extract_strided_slice %reshape3A_5 {offsets = [0, 9, 0], sizes = [32, 1, 6], strides = [1, 1, 1]} : vector<32x16x6xf32> to vector<32x1x6xf32>
    %squeeze3A_100 = vector.shape_cast %slice3A_99 : vector<32x1x6xf32> to vector<32x6xf32>
    %broadcast_in_dim3A_101 = vector.shape_cast %squeeze3A_100 : vector<32x6xf32> to vector<32x6x1xf32>
    %slice3A_102 = vector.extract_strided_slice %reshape3A {offsets = [0, 9, 0], sizes = [32, 1, 512], strides = [1, 1, 1]} : vector<32x16x512xf32> to vector<32x1x512xf32>
    %squeeze3A_103 = vector.shape_cast %slice3A_102 : vector<32x1x512xf32> to vector<32x512xf32>
    %broadcast_in_dim3A_104 = vector.shape_cast %squeeze3A_103 : vector<32x512xf32> to vector<32x1x512xf32>
    %mul3A_105 = vector.broadcast %broadcast_in_dim3A_101 : vector<32x6x1xf32> to vector<32x6x512xf32>
    %mul3A_106 = vector.broadcast %broadcast_in_dim3A_104 : vector<32x1x512xf32> to vector<32x6x512xf32>
    %mul3A_107 = arith.mulf %mul3A_105, %mul3A_106 : vector<32x6x512xf32>
    %add3A_108 = arith.addf %add3A_98, %mul3A_107 : vector<32x6x512xf32>
    %slice3A_109 = vector.extract_strided_slice %reshape3A_5 {offsets = [0, 10, 0], sizes = [32, 1, 6], strides = [1, 1, 1]} : vector<32x16x6xf32> to vector<32x1x6xf32>
    %squeeze3A_110 = vector.shape_cast %slice3A_109 : vector<32x1x6xf32> to vector<32x6xf32>
    %broadcast_in_dim3A_111 = vector.shape_cast %squeeze3A_110 : vector<32x6xf32> to vector<32x6x1xf32>
    %slice3A_112 = vector.extract_strided_slice %reshape3A {offsets = [0, 10, 0], sizes = [32, 1, 512], strides = [1, 1, 1]} : vector<32x16x512xf32> to vector<32x1x512xf32>
    %squeeze3A_113 = vector.shape_cast %slice3A_112 : vector<32x1x512xf32> to vector<32x512xf32>
    %broadcast_in_dim3A_114 = vector.shape_cast %squeeze3A_113 : vector<32x512xf32> to vector<32x1x512xf32>
    %mul3A_115 = vector.broadcast %broadcast_in_dim3A_111 : vector<32x6x1xf32> to vector<32x6x512xf32>
    %mul3A_116 = vector.broadcast %broadcast_in_dim3A_114 : vector<32x1x512xf32> to vector<32x6x512xf32>
    %mul3A_117 = arith.mulf %mul3A_115, %mul3A_116 : vector<32x6x512xf32>
    %add3A_118 = arith.addf %add3A_108, %mul3A_117 : vector<32x6x512xf32>
    %slice3A_119 = vector.extract_strided_slice %reshape3A_5 {offsets = [0, 11, 0], sizes = [32, 1, 6], strides = [1, 1, 1]} : vector<32x16x6xf32> to vector<32x1x6xf32>
    %squeeze3A_120 = vector.shape_cast %slice3A_119 : vector<32x1x6xf32> to vector<32x6xf32>
    %broadcast_in_dim3A_121 = vector.shape_cast %squeeze3A_120 : vector<32x6xf32> to vector<32x6x1xf32>
    %slice3A_122 = vector.extract_strided_slice %reshape3A {offsets = [0, 11, 0], sizes = [32, 1, 512], strides = [1, 1, 1]} : vector<32x16x512xf32> to vector<32x1x512xf32>
    %squeeze3A_123 = vector.shape_cast %slice3A_122 : vector<32x1x512xf32> to vector<32x512xf32>
    %broadcast_in_dim3A_124 = vector.shape_cast %squeeze3A_123 : vector<32x512xf32> to vector<32x1x512xf32>
    %mul3A_125 = vector.broadcast %broadcast_in_dim3A_121 : vector<32x6x1xf32> to vector<32x6x512xf32>
    %mul3A_126 = vector.broadcast %broadcast_in_dim3A_124 : vector<32x1x512xf32> to vector<32x6x512xf32>
    %mul3A_127 = arith.mulf %mul3A_125, %mul3A_126 : vector<32x6x512xf32>
    %add3A_128 = arith.addf %add3A_118, %mul3A_127 : vector<32x6x512xf32>
    %slice3A_129 = vector.extract_strided_slice %reshape3A_5 {offsets = [0, 12, 0], sizes = [32, 1, 6], strides = [1, 1, 1]} : vector<32x16x6xf32> to vector<32x1x6xf32>
    %squeeze3A_130 = vector.shape_cast %slice3A_129 : vector<32x1x6xf32> to vector<32x6xf32>
    %broadcast_in_dim3A_131 = vector.shape_cast %squeeze3A_130 : vector<32x6xf32> to vector<32x6x1xf32>
    %slice3A_132 = vector.extract_strided_slice %reshape3A {offsets = [0, 12, 0], sizes = [32, 1, 512], strides = [1, 1, 1]} : vector<32x16x512xf32> to vector<32x1x512xf32>
    %squeeze3A_133 = vector.shape_cast %slice3A_132 : vector<32x1x512xf32> to vector<32x512xf32>
    %broadcast_in_dim3A_134 = vector.shape_cast %squeeze3A_133 : vector<32x512xf32> to vector<32x1x512xf32>
    %mul3A_135 = vector.broadcast %broadcast_in_dim3A_131 : vector<32x6x1xf32> to vector<32x6x512xf32>
    %mul3A_136 = vector.broadcast %broadcast_in_dim3A_134 : vector<32x1x512xf32> to vector<32x6x512xf32>
    %mul3A_137 = arith.mulf %mul3A_135, %mul3A_136 : vector<32x6x512xf32>
    %add3A_138 = arith.addf %add3A_128, %mul3A_137 : vector<32x6x512xf32>
    %slice3A_139 = vector.extract_strided_slice %reshape3A_5 {offsets = [0, 13, 0], sizes = [32, 1, 6], strides = [1, 1, 1]} : vector<32x16x6xf32> to vector<32x1x6xf32>
    %squeeze3A_140 = vector.shape_cast %slice3A_139 : vector<32x1x6xf32> to vector<32x6xf32>
    %broadcast_in_dim3A_141 = vector.shape_cast %squeeze3A_140 : vector<32x6xf32> to vector<32x6x1xf32>
    %slice3A_142 = vector.extract_strided_slice %reshape3A {offsets = [0, 13, 0], sizes = [32, 1, 512], strides = [1, 1, 1]} : vector<32x16x512xf32> to vector<32x1x512xf32>
    %squeeze3A_143 = vector.shape_cast %slice3A_142 : vector<32x1x512xf32> to vector<32x512xf32>
    %broadcast_in_dim3A_144 = vector.shape_cast %squeeze3A_143 : vector<32x512xf32> to vector<32x1x512xf32>
    %mul3A_145 = vector.broadcast %broadcast_in_dim3A_141 : vector<32x6x1xf32> to vector<32x6x512xf32>
    %mul3A_146 = vector.broadcast %broadcast_in_dim3A_144 : vector<32x1x512xf32> to vector<32x6x512xf32>
    %mul3A_147 = arith.mulf %mul3A_145, %mul3A_146 : vector<32x6x512xf32>
    %add3A_148 = arith.addf %add3A_138, %mul3A_147 : vector<32x6x512xf32>
    %slice3A_149 = vector.extract_strided_slice %reshape3A_5 {offsets = [0, 14, 0], sizes = [32, 1, 6], strides = [1, 1, 1]} : vector<32x16x6xf32> to vector<32x1x6xf32>
    %squeeze3A_150 = vector.shape_cast %slice3A_149 : vector<32x1x6xf32> to vector<32x6xf32>
    %broadcast_in_dim3A_151 = vector.shape_cast %squeeze3A_150 : vector<32x6xf32> to vector<32x6x1xf32>
    %slice3A_152 = vector.extract_strided_slice %reshape3A {offsets = [0, 14, 0], sizes = [32, 1, 512], strides = [1, 1, 1]} : vector<32x16x512xf32> to vector<32x1x512xf32>
    %squeeze3A_153 = vector.shape_cast %slice3A_152 : vector<32x1x512xf32> to vector<32x512xf32>
    %broadcast_in_dim3A_154 = vector.shape_cast %squeeze3A_153 : vector<32x512xf32> to vector<32x1x512xf32>
    %mul3A_155 = vector.broadcast %broadcast_in_dim3A_151 : vector<32x6x1xf32> to vector<32x6x512xf32>
    %mul3A_156 = vector.broadcast %broadcast_in_dim3A_154 : vector<32x1x512xf32> to vector<32x6x512xf32>
    %mul3A_157 = arith.mulf %mul3A_155, %mul3A_156 : vector<32x6x512xf32>
    %add3A_158 = arith.addf %add3A_148, %mul3A_157 : vector<32x6x512xf32>
    %slice3A_159 = vector.extract_strided_slice %reshape3A_5 {offsets = [0, 15, 0], sizes = [32, 1, 6], strides = [1, 1, 1]} : vector<32x16x6xf32> to vector<32x1x6xf32>
    %squeeze3A_160 = vector.shape_cast %slice3A_159 : vector<32x1x6xf32> to vector<32x6xf32>
    %broadcast_in_dim3A_161 = vector.shape_cast %squeeze3A_160 : vector<32x6xf32> to vector<32x6x1xf32>
    %slice3A_162 = vector.extract_strided_slice %reshape3A {offsets = [0, 15, 0], sizes = [32, 1, 512], strides = [1, 1, 1]} : vector<32x16x512xf32> to vector<32x1x512xf32>
    %squeeze3A_163 = vector.shape_cast %slice3A_162 : vector<32x1x512xf32> to vector<32x512xf32>
    %broadcast_in_dim3A_164 = vector.shape_cast %squeeze3A_163 : vector<32x512xf32> to vector<32x1x512xf32>
    %mul3A_165 = vector.broadcast %broadcast_in_dim3A_161 : vector<32x6x1xf32> to vector<32x6x512xf32>
    %mul3A_166 = vector.broadcast %broadcast_in_dim3A_164 : vector<32x1x512xf32> to vector<32x6x512xf32>
    %mul3A_167 = arith.mulf %mul3A_165, %mul3A_166 : vector<32x6x512xf32>
    %add3A_168 = arith.addf %add3A_158, %mul3A_167 : vector<32x6x512xf32>
    %tanh3A = math.tanh %add3A_168 : vector<32x6x512xf32>
    %get3A_169 = arith.constant 0 : index
    %get3A_170 = arith.constant 0 : index
    %get3A_171 = vector.load %arg4[%get3A_169, %get3A_170] : memref<32x6xf32, #tpu.memory_space<vmem>>, vector<32x6xf32>
    %broadcast_in_dim3A_172 = vector.shape_cast %get3A_171 : vector<32x6xf32> to vector<32x6x1xf32>
    %get3A_173 = arith.constant 0 : index
    %get3A_174 = arith.constant 0 : index
    %get3A_175 = vector.load %arg5[%get3A_173, %get3A_174] : memref<32x6xf32, #tpu.memory_space<vmem>>, vector<32x6xf32>
    %broadcast_in_dim3A_176 = vector.shape_cast %get3A_175 : vector<32x6xf32> to vector<32x6x1xf32>
    %reduce_sum3A = arith.constant dense<0.000000e+00> : vector<32x6xf32>
    %reduce_sum3A_177 = vector.multi_reduction <add>, %tanh3A, %reduce_sum3A [2] : vector<32x6x512xf32> to vector<32x6xf32>
    %broadcast_in_dim3A_178 = vector.shape_cast %reduce_sum3A_177 : vector<32x6xf32> to vector<32x6x1xf32>
    %div3A = arith.constant 5.120000e+02 : f32
    %div3A_179 = vector.broadcast %div3A : f32 to vector<32x6x1xf32>
    %div3A_180 = arith.divf %broadcast_in_dim3A_178, %div3A_179 : vector<32x6x1xf32>
    %sub3A = vector.broadcast %div3A_180 : vector<32x6x1xf32> to vector<32x6x512xf32>
    %sub3A_181 = arith.subf %tanh3A, %sub3A : vector<32x6x512xf32>
    %mul3A_182 = arith.mulf %sub3A_181, %sub3A_181 : vector<32x6x512xf32>
    %reduce_sum3A_183 = arith.constant dense<0.000000e+00> : vector<32x6xf32>
    %reduce_sum3A_184 = vector.multi_reduction <add>, %mul3A_182, %reduce_sum3A_183 [2] : vector<32x6x512xf32> to vector<32x6xf32>
    %broadcast_in_dim3A_185 = vector.shape_cast %reduce_sum3A_184 : vector<32x6xf32> to vector<32x6x1xf32>
    %div3A_186 = arith.constant 5.120000e+02 : f32
    %div3A_187 = vector.broadcast %div3A_186 : f32 to vector<32x6x1xf32>
    %div3A_188 = arith.divf %broadcast_in_dim3A_185, %div3A_187 : vector<32x6x1xf32>
    %mul3A_189 = vector.broadcast %broadcast_in_dim3A_172 : vector<32x6x1xf32> to vector<32x6x512xf32>
    %mul3A_190 = arith.mulf %mul3A_189, %sub3A_181 : vector<32x6x512xf32>
    %add3A_191 = arith.constant 9.99999974E-6 : f32
    %add3A_192 = vector.broadcast %add3A_191 : f32 to vector<32x6x1xf32>
    %add3A_193 = arith.addf %div3A_188, %add3A_192 : vector<32x6x1xf32>
    %rsqrt3A = math.rsqrt %add3A_193 : vector<32x6x1xf32>
    %mul3A_194 = vector.broadcast %rsqrt3A : vector<32x6x1xf32> to vector<32x6x512xf32>
    %mul3A_195 = arith.mulf %mul3A_190, %mul3A_194 : vector<32x6x512xf32>
    %add3A_196 = vector.broadcast %broadcast_in_dim3A_176 : vector<32x6x1xf32> to vector<32x6x512xf32>
    %add3A_197 = arith.addf %mul3A_195, %add3A_196 : vector<32x6x512xf32>
    %reshape3A_198 = vector.shape_cast %add3A_197 : vector<32x6x512xf32> to vector<192x512xf32>
    %swap3A = arith.constant 0 : index
    %swap3A_199 = arith.constant 0 : index
    %swap3A_200 = vector.load %arg6[%swap3A, %swap3A_199] : memref<192x512xf32, #tpu.memory_space<vmem>>, vector<192x512xf32>
    tpu.vector_store %arg6[%swap3A, %swap3A_199], %reshape3A_198 {strides = array<i32>} : memref<192x512xf32, #tpu.memory_space<vmem>>, vector<192x512xf32>,
    return
  }
  func.func @transform_0(%arg0: i32) -> (i32, i32) {
    %c0_i32 = arith.constant 0 : i32
    %c0_i32_0 = arith.constant 0 : i32
    return %arg0, %c0_i32 : i32, i32
  }
  func.func @transform_1(%arg0: i32) -> (i32, i32) {
    %c0_i32 = arith.constant 0 : i32
    %c0_i32_0 = arith.constant 0 : i32
    return %arg0, %c0_i32 : i32, i32
  }
  func.func @transform_2(%arg0: i32) -> (i32, i32) {
    %c0_i32 = arith.constant 0 : i32
    %c0_i32_0 = arith.constant 0 : i32
    return %arg0, %c0_i32 : i32, i32
  }
  func.func @transform_3(%arg0: i32) -> (i32, i32) {
    %c0_i32 = arith.constant 0 : i32
    %c0_i32_0 = arith.constant 0 : i32
    return %arg0, %c0_i32 : i32, i32
  }
  func.func @transform_4(%arg0: i32) -> (i32, i32) {
    %c0_i32 = arith.constant 0 : i32
    %c0_i32_0 = arith.constant 0 : i32
    return %arg0, %c0_i32 : i32, i32
  }
  func.func @transform_5(%arg0: i32) -> (i32, i32) {
    %c0_i32 = arith.constant 0 : i32
    %c0_i32_0 = arith.constant 0 : i32
    return %arg0, %c0_i32 : i32, i32
  }
}

module attributes {stable_mosaic.version = 14 : i64} {
  func.func @_l2_body(%arg0: i32, %arg1: memref<256x3072xf32, #tpu.memory_space<vmem>>, %arg2: memref<32x288xf32, #tpu.memory_space<vmem>>, %arg3: memref<32x6xf32, #tpu.memory_space<vmem>>, %arg4: memref<32x6xf32, #tpu.memory_space<vmem>>, %arg5: memref<32x6xf32, #tpu.memory_space<vmem>>, %arg6: memref<192x512xf32, #tpu.memory_space<vmem>>) attributes {dimension_semantics = [#tpu.dimension_semantics<arbitrary>], iteration_bounds = array<i64: 8>, scalar_prefetch = 0 : i64, scratch_operands = 0 : i64, tpu.core_type = #tpu.core_type<tc>, window_params = [{transform_indices = @transform_0, window_bounds = array<i64: 256, 3072>}, {transform_indices = @transform_1, window_bounds = array<i64: 32, 288>}, {transform_indices = @transform_2, window_bounds = array<i64: 32, 6>}, {transform_indices = @transform_3, window_bounds = array<i64: 32, 6>}, {transform_indices = @transform_4, window_bounds = array<i64: 32, 6>}, {transform_indices = @transform_5, window_bounds = array<i64: 192, 512>}]} {
    %get3A = arith.constant 0 : index
    %get3A_0 = arith.constant 0 : index
    %get3A_1 = vector.load %arg1[%get3A, %get3A_0] : memref<256x3072xf32, #tpu.memory_space<vmem>>, vector<256x3072xf32>
    %reshape3A = vector.shape_cast %get3A_1 : vector<256x3072xf32> to vector<32x8x3072xf32>
    %get3A_2 = arith.constant 0 : index
    %get3A_3 = arith.constant 0 : index
    %get3A_4 = vector.load %arg2[%get3A_2, %get3A_3] : memref<32x288xf32, #tpu.memory_space<vmem>>, vector<32x288xf32>
    %reshape3A_5 = vector.shape_cast %get3A_4 : vector<32x288xf32> to vector<32x8x6x6xf32>
    %get3A_6 = arith.constant 0 : index
    %get3A_7 = arith.constant 0 : index
    %get3A_8 = vector.load %arg3[%get3A_6, %get3A_7] : memref<32x6xf32, #tpu.memory_space<vmem>>, vector<32x6xf32>
    %broadcast_in_dim3A = vector.shape_cast %get3A_8 : vector<32x6xf32> to vector<32x6x1xf32>
    %broadcast_in_dim3A_9 = arith.constant 1.000000e+00 : f32
    %broadcast_in_dim3A_10 = vector.broadcast %broadcast_in_dim3A_9 : f32 to vector<32x6x512xf32>
    %mul3A = vector.broadcast %broadcast_in_dim3A : vector<32x6x1xf32> to vector<32x6x512xf32>
    %mul3A_11 = arith.mulf %mul3A, %broadcast_in_dim3A_10 : vector<32x6x512xf32>
    %slice3A = vector.extract_strided_slice %reshape3A_5 {offsets = [0, 0, 0, 0], sizes = [32, 1, 6, 1], strides = [1, 1, 1, 1]} : vector<32x8x6x6xf32> to vector<32x1x6x1xf32>
    %squeeze3A = vector.shape_cast %slice3A : vector<32x1x6x1xf32> to vector<32x6xf32>
    %broadcast_in_dim3A_12 = vector.shape_cast %squeeze3A : vector<32x6xf32> to vector<32x6x1xf32>
    %slice3A_13 = vector.extract_strided_slice %reshape3A {offsets = [0, 0, 0], sizes = [32, 1, 512], strides = [1, 1, 1]} : vector<32x8x3072xf32> to vector<32x1x512xf32>
    %squeeze3A_14 = vector.shape_cast %slice3A_13 : vector<32x1x512xf32> to vector<32x512xf32>
    %broadcast_in_dim3A_15 = vector.shape_cast %squeeze3A_14 : vector<32x512xf32> to vector<32x1x512xf32>
    %mul3A_16 = vector.broadcast %broadcast_in_dim3A_12 : vector<32x6x1xf32> to vector<32x6x512xf32>
    %mul3A_17 = vector.broadcast %broadcast_in_dim3A_15 : vector<32x1x512xf32> to vector<32x6x512xf32>
    %mul3A_18 = arith.mulf %mul3A_16, %mul3A_17 : vector<32x6x512xf32>
    %add3A = arith.addf %mul3A_11, %mul3A_18 : vector<32x6x512xf32>
    %slice3A_19 = vector.extract_strided_slice %reshape3A_5 {offsets = [0, 0, 0, 1], sizes = [32, 1, 6, 1], strides = [1, 1, 1, 1]} : vector<32x8x6x6xf32> to vector<32x1x6x1xf32>
    %squeeze3A_20 = vector.shape_cast %slice3A_19 : vector<32x1x6x1xf32> to vector<32x6xf32>
    %broadcast_in_dim3A_21 = vector.shape_cast %squeeze3A_20 : vector<32x6xf32> to vector<32x6x1xf32>
    %slice3A_22 = vector.extract_strided_slice %reshape3A {offsets = [0, 0, 512], sizes = [32, 1, 512], strides = [1, 1, 1]} : vector<32x8x3072xf32> to vector<32x1x512xf32>
    %squeeze3A_23 = vector.shape_cast %slice3A_22 : vector<32x1x512xf32> to vector<32x512xf32>
    %broadcast_in_dim3A_24 = vector.shape_cast %squeeze3A_23 : vector<32x512xf32> to vector<32x1x512xf32>
    %mul3A_25 = vector.broadcast %broadcast_in_dim3A_21 : vector<32x6x1xf32> to vector<32x6x512xf32>
    %mul3A_26 = vector.broadcast %broadcast_in_dim3A_24 : vector<32x1x512xf32> to vector<32x6x512xf32>
    %mul3A_27 = arith.mulf %mul3A_25, %mul3A_26 : vector<32x6x512xf32>
    %add3A_28 = arith.addf %add3A, %mul3A_27 : vector<32x6x512xf32>
    %slice3A_29 = vector.extract_strided_slice %reshape3A_5 {offsets = [0, 0, 0, 2], sizes = [32, 1, 6, 1], strides = [1, 1, 1, 1]} : vector<32x8x6x6xf32> to vector<32x1x6x1xf32>
    %squeeze3A_30 = vector.shape_cast %slice3A_29 : vector<32x1x6x1xf32> to vector<32x6xf32>
    %broadcast_in_dim3A_31 = vector.shape_cast %squeeze3A_30 : vector<32x6xf32> to vector<32x6x1xf32>
    %slice3A_32 = vector.extract_strided_slice %reshape3A {offsets = [0, 0, 1024], sizes = [32, 1, 512], strides = [1, 1, 1]} : vector<32x8x3072xf32> to vector<32x1x512xf32>
    %squeeze3A_33 = vector.shape_cast %slice3A_32 : vector<32x1x512xf32> to vector<32x512xf32>
    %broadcast_in_dim3A_34 = vector.shape_cast %squeeze3A_33 : vector<32x512xf32> to vector<32x1x512xf32>
    %mul3A_35 = vector.broadcast %broadcast_in_dim3A_31 : vector<32x6x1xf32> to vector<32x6x512xf32>
    %mul3A_36 = vector.broadcast %broadcast_in_dim3A_34 : vector<32x1x512xf32> to vector<32x6x512xf32>
    %mul3A_37 = arith.mulf %mul3A_35, %mul3A_36 : vector<32x6x512xf32>
    %add3A_38 = arith.addf %add3A_28, %mul3A_37 : vector<32x6x512xf32>
    %slice3A_39 = vector.extract_strided_slice %reshape3A_5 {offsets = [0, 0, 0, 3], sizes = [32, 1, 6, 1], strides = [1, 1, 1, 1]} : vector<32x8x6x6xf32> to vector<32x1x6x1xf32>
    %squeeze3A_40 = vector.shape_cast %slice3A_39 : vector<32x1x6x1xf32> to vector<32x6xf32>
    %broadcast_in_dim3A_41 = vector.shape_cast %squeeze3A_40 : vector<32x6xf32> to vector<32x6x1xf32>
    %slice3A_42 = vector.extract_strided_slice %reshape3A {offsets = [0, 0, 1536], sizes = [32, 1, 512], strides = [1, 1, 1]} : vector<32x8x3072xf32> to vector<32x1x512xf32>
    %squeeze3A_43 = vector.shape_cast %slice3A_42 : vector<32x1x512xf32> to vector<32x512xf32>
    %broadcast_in_dim3A_44 = vector.shape_cast %squeeze3A_43 : vector<32x512xf32> to vector<32x1x512xf32>
    %mul3A_45 = vector.broadcast %broadcast_in_dim3A_41 : vector<32x6x1xf32> to vector<32x6x512xf32>
    %mul3A_46 = vector.broadcast %broadcast_in_dim3A_44 : vector<32x1x512xf32> to vector<32x6x512xf32>
    %mul3A_47 = arith.mulf %mul3A_45, %mul3A_46 : vector<32x6x512xf32>
    %add3A_48 = arith.addf %add3A_38, %mul3A_47 : vector<32x6x512xf32>
    %slice3A_49 = vector.extract_strided_slice %reshape3A_5 {offsets = [0, 0, 0, 4], sizes = [32, 1, 6, 1], strides = [1, 1, 1, 1]} : vector<32x8x6x6xf32> to vector<32x1x6x1xf32>
    %squeeze3A_50 = vector.shape_cast %slice3A_49 : vector<32x1x6x1xf32> to vector<32x6xf32>
    %broadcast_in_dim3A_51 = vector.shape_cast %squeeze3A_50 : vector<32x6xf32> to vector<32x6x1xf32>
    %slice3A_52 = vector.extract_strided_slice %reshape3A {offsets = [0, 0, 2048], sizes = [32, 1, 512], strides = [1, 1, 1]} : vector<32x8x3072xf32> to vector<32x1x512xf32>
    %squeeze3A_53 = vector.shape_cast %slice3A_52 : vector<32x1x512xf32> to vector<32x512xf32>
    %broadcast_in_dim3A_54 = vector.shape_cast %squeeze3A_53 : vector<32x512xf32> to vector<32x1x512xf32>
    %mul3A_55 = vector.broadcast %broadcast_in_dim3A_51 : vector<32x6x1xf32> to vector<32x6x512xf32>
    %mul3A_56 = vector.broadcast %broadcast_in_dim3A_54 : vector<32x1x512xf32> to vector<32x6x512xf32>
    %mul3A_57 = arith.mulf %mul3A_55, %mul3A_56 : vector<32x6x512xf32>
    %add3A_58 = arith.addf %add3A_48, %mul3A_57 : vector<32x6x512xf32>
    %slice3A_59 = vector.extract_strided_slice %reshape3A_5 {offsets = [0, 0, 0, 5], sizes = [32, 1, 6, 1], strides = [1, 1, 1, 1]} : vector<32x8x6x6xf32> to vector<32x1x6x1xf32>
    %squeeze3A_60 = vector.shape_cast %slice3A_59 : vector<32x1x6x1xf32> to vector<32x6xf32>
    %broadcast_in_dim3A_61 = vector.shape_cast %squeeze3A_60 : vector<32x6xf32> to vector<32x6x1xf32>
    %slice3A_62 = vector.extract_strided_slice %reshape3A {offsets = [0, 0, 2560], sizes = [32, 1, 512], strides = [1, 1, 1]} : vector<32x8x3072xf32> to vector<32x1x512xf32>
    %squeeze3A_63 = vector.shape_cast %slice3A_62 : vector<32x1x512xf32> to vector<32x512xf32>
    %broadcast_in_dim3A_64 = vector.shape_cast %squeeze3A_63 : vector<32x512xf32> to vector<32x1x512xf32>
    %mul3A_65 = vector.broadcast %broadcast_in_dim3A_61 : vector<32x6x1xf32> to vector<32x6x512xf32>
    %mul3A_66 = vector.broadcast %broadcast_in_dim3A_64 : vector<32x1x512xf32> to vector<32x6x512xf32>
    %mul3A_67 = arith.mulf %mul3A_65, %mul3A_66 : vector<32x6x512xf32>
    %add3A_68 = arith.addf %add3A_58, %mul3A_67 : vector<32x6x512xf32>
    %slice3A_69 = vector.extract_strided_slice %reshape3A_5 {offsets = [0, 1, 0, 0], sizes = [32, 1, 6, 1], strides = [1, 1, 1, 1]} : vector<32x8x6x6xf32> to vector<32x1x6x1xf32>
    %squeeze3A_70 = vector.shape_cast %slice3A_69 : vector<32x1x6x1xf32> to vector<32x6xf32>
    %broadcast_in_dim3A_71 = vector.shape_cast %squeeze3A_70 : vector<32x6xf32> to vector<32x6x1xf32>
    %slice3A_72 = vector.extract_strided_slice %reshape3A {offsets = [0, 1, 0], sizes = [32, 1, 512], strides = [1, 1, 1]} : vector<32x8x3072xf32> to vector<32x1x512xf32>
    %squeeze3A_73 = vector.shape_cast %slice3A_72 : vector<32x1x512xf32> to vector<32x512xf32>
    %broadcast_in_dim3A_74 = vector.shape_cast %squeeze3A_73 : vector<32x512xf32> to vector<32x1x512xf32>
    %mul3A_75 = vector.broadcast %broadcast_in_dim3A_71 : vector<32x6x1xf32> to vector<32x6x512xf32>
    %mul3A_76 = vector.broadcast %broadcast_in_dim3A_74 : vector<32x1x512xf32> to vector<32x6x512xf32>
    %mul3A_77 = arith.mulf %mul3A_75, %mul3A_76 : vector<32x6x512xf32>
    %add3A_78 = arith.addf %add3A_68, %mul3A_77 : vector<32x6x512xf32>
    %slice3A_79 = vector.extract_strided_slice %reshape3A_5 {offsets = [0, 1, 0, 1], sizes = [32, 1, 6, 1], strides = [1, 1, 1, 1]} : vector<32x8x6x6xf32> to vector<32x1x6x1xf32>
    %squeeze3A_80 = vector.shape_cast %slice3A_79 : vector<32x1x6x1xf32> to vector<32x6xf32>
    %broadcast_in_dim3A_81 = vector.shape_cast %squeeze3A_80 : vector<32x6xf32> to vector<32x6x1xf32>
    %slice3A_82 = vector.extract_strided_slice %reshape3A {offsets = [0, 1, 512], sizes = [32, 1, 512], strides = [1, 1, 1]} : vector<32x8x3072xf32> to vector<32x1x512xf32>
    %squeeze3A_83 = vector.shape_cast %slice3A_82 : vector<32x1x512xf32> to vector<32x512xf32>
    %broadcast_in_dim3A_84 = vector.shape_cast %squeeze3A_83 : vector<32x512xf32> to vector<32x1x512xf32>
    %mul3A_85 = vector.broadcast %broadcast_in_dim3A_81 : vector<32x6x1xf32> to vector<32x6x512xf32>
    %mul3A_86 = vector.broadcast %broadcast_in_dim3A_84 : vector<32x1x512xf32> to vector<32x6x512xf32>
    %mul3A_87 = arith.mulf %mul3A_85, %mul3A_86 : vector<32x6x512xf32>
    %add3A_88 = arith.addf %add3A_78, %mul3A_87 : vector<32x6x512xf32>
    %slice3A_89 = vector.extract_strided_slice %reshape3A_5 {offsets = [0, 1, 0, 2], sizes = [32, 1, 6, 1], strides = [1, 1, 1, 1]} : vector<32x8x6x6xf32> to vector<32x1x6x1xf32>
    %squeeze3A_90 = vector.shape_cast %slice3A_89 : vector<32x1x6x1xf32> to vector<32x6xf32>
    %broadcast_in_dim3A_91 = vector.shape_cast %squeeze3A_90 : vector<32x6xf32> to vector<32x6x1xf32>
    %slice3A_92 = vector.extract_strided_slice %reshape3A {offsets = [0, 1, 1024], sizes = [32, 1, 512], strides = [1, 1, 1]} : vector<32x8x3072xf32> to vector<32x1x512xf32>
    %squeeze3A_93 = vector.shape_cast %slice3A_92 : vector<32x1x512xf32> to vector<32x512xf32>
    %broadcast_in_dim3A_94 = vector.shape_cast %squeeze3A_93 : vector<32x512xf32> to vector<32x1x512xf32>
    %mul3A_95 = vector.broadcast %broadcast_in_dim3A_91 : vector<32x6x1xf32> to vector<32x6x512xf32>
    %mul3A_96 = vector.broadcast %broadcast_in_dim3A_94 : vector<32x1x512xf32> to vector<32x6x512xf32>
    %mul3A_97 = arith.mulf %mul3A_95, %mul3A_96 : vector<32x6x512xf32>
    %add3A_98 = arith.addf %add3A_88, %mul3A_97 : vector<32x6x512xf32>
    %slice3A_99 = vector.extract_strided_slice %reshape3A_5 {offsets = [0, 1, 0, 3], sizes = [32, 1, 6, 1], strides = [1, 1, 1, 1]} : vector<32x8x6x6xf32> to vector<32x1x6x1xf32>
    %squeeze3A_100 = vector.shape_cast %slice3A_99 : vector<32x1x6x1xf32> to vector<32x6xf32>
    %broadcast_in_dim3A_101 = vector.shape_cast %squeeze3A_100 : vector<32x6xf32> to vector<32x6x1xf32>
    %slice3A_102 = vector.extract_strided_slice %reshape3A {offsets = [0, 1, 1536], sizes = [32, 1, 512], strides = [1, 1, 1]} : vector<32x8x3072xf32> to vector<32x1x512xf32>
    %squeeze3A_103 = vector.shape_cast %slice3A_102 : vector<32x1x512xf32> to vector<32x512xf32>
    %broadcast_in_dim3A_104 = vector.shape_cast %squeeze3A_103 : vector<32x512xf32> to vector<32x1x512xf32>
    %mul3A_105 = vector.broadcast %broadcast_in_dim3A_101 : vector<32x6x1xf32> to vector<32x6x512xf32>
    %mul3A_106 = vector.broadcast %broadcast_in_dim3A_104 : vector<32x1x512xf32> to vector<32x6x512xf32>
    %mul3A_107 = arith.mulf %mul3A_105, %mul3A_106 : vector<32x6x512xf32>
    %add3A_108 = arith.addf %add3A_98, %mul3A_107 : vector<32x6x512xf32>
    %slice3A_109 = vector.extract_strided_slice %reshape3A_5 {offsets = [0, 1, 0, 4], sizes = [32, 1, 6, 1], strides = [1, 1, 1, 1]} : vector<32x8x6x6xf32> to vector<32x1x6x1xf32>
    %squeeze3A_110 = vector.shape_cast %slice3A_109 : vector<32x1x6x1xf32> to vector<32x6xf32>
    %broadcast_in_dim3A_111 = vector.shape_cast %squeeze3A_110 : vector<32x6xf32> to vector<32x6x1xf32>
    %slice3A_112 = vector.extract_strided_slice %reshape3A {offsets = [0, 1, 2048], sizes = [32, 1, 512], strides = [1, 1, 1]} : vector<32x8x3072xf32> to vector<32x1x512xf32>
    %squeeze3A_113 = vector.shape_cast %slice3A_112 : vector<32x1x512xf32> to vector<32x512xf32>
    %broadcast_in_dim3A_114 = vector.shape_cast %squeeze3A_113 : vector<32x512xf32> to vector<32x1x512xf32>
    %mul3A_115 = vector.broadcast %broadcast_in_dim3A_111 : vector<32x6x1xf32> to vector<32x6x512xf32>
    %mul3A_116 = vector.broadcast %broadcast_in_dim3A_114 : vector<32x1x512xf32> to vector<32x6x512xf32>
    %mul3A_117 = arith.mulf %mul3A_115, %mul3A_116 : vector<32x6x512xf32>
    %add3A_118 = arith.addf %add3A_108, %mul3A_117 : vector<32x6x512xf32>
    %slice3A_119 = vector.extract_strided_slice %reshape3A_5 {offsets = [0, 1, 0, 5], sizes = [32, 1, 6, 1], strides = [1, 1, 1, 1]} : vector<32x8x6x6xf32> to vector<32x1x6x1xf32>
    %squeeze3A_120 = vector.shape_cast %slice3A_119 : vector<32x1x6x1xf32> to vector<32x6xf32>
    %broadcast_in_dim3A_121 = vector.shape_cast %squeeze3A_120 : vector<32x6xf32> to vector<32x6x1xf32>
    %slice3A_122 = vector.extract_strided_slice %reshape3A {offsets = [0, 1, 2560], sizes = [32, 1, 512], strides = [1, 1, 1]} : vector<32x8x3072xf32> to vector<32x1x512xf32>
    %squeeze3A_123 = vector.shape_cast %slice3A_122 : vector<32x1x512xf32> to vector<32x512xf32>
    %broadcast_in_dim3A_124 = vector.shape_cast %squeeze3A_123 : vector<32x512xf32> to vector<32x1x512xf32>
    %mul3A_125 = vector.broadcast %broadcast_in_dim3A_121 : vector<32x6x1xf32> to vector<32x6x512xf32>
    %mul3A_126 = vector.broadcast %broadcast_in_dim3A_124 : vector<32x1x512xf32> to vector<32x6x512xf32>
    %mul3A_127 = arith.mulf %mul3A_125, %mul3A_126 : vector<32x6x512xf32>
    %add3A_128 = arith.addf %add3A_118, %mul3A_127 : vector<32x6x512xf32>
    %slice3A_129 = vector.extract_strided_slice %reshape3A_5 {offsets = [0, 2, 0, 0], sizes = [32, 1, 6, 1], strides = [1, 1, 1, 1]} : vector<32x8x6x6xf32> to vector<32x1x6x1xf32>
    %squeeze3A_130 = vector.shape_cast %slice3A_129 : vector<32x1x6x1xf32> to vector<32x6xf32>
    %broadcast_in_dim3A_131 = vector.shape_cast %squeeze3A_130 : vector<32x6xf32> to vector<32x6x1xf32>
    %slice3A_132 = vector.extract_strided_slice %reshape3A {offsets = [0, 2, 0], sizes = [32, 1, 512], strides = [1, 1, 1]} : vector<32x8x3072xf32> to vector<32x1x512xf32>
    %squeeze3A_133 = vector.shape_cast %slice3A_132 : vector<32x1x512xf32> to vector<32x512xf32>
    %broadcast_in_dim3A_134 = vector.shape_cast %squeeze3A_133 : vector<32x512xf32> to vector<32x1x512xf32>
    %mul3A_135 = vector.broadcast %broadcast_in_dim3A_131 : vector<32x6x1xf32> to vector<32x6x512xf32>
    %mul3A_136 = vector.broadcast %broadcast_in_dim3A_134 : vector<32x1x512xf32> to vector<32x6x512xf32>
    %mul3A_137 = arith.mulf %mul3A_135, %mul3A_136 : vector<32x6x512xf32>
    %add3A_138 = arith.addf %add3A_128, %mul3A_137 : vector<32x6x512xf32>
    %slice3A_139 = vector.extract_strided_slice %reshape3A_5 {offsets = [0, 2, 0, 1], sizes = [32, 1, 6, 1], strides = [1, 1, 1, 1]} : vector<32x8x6x6xf32> to vector<32x1x6x1xf32>
    %squeeze3A_140 = vector.shape_cast %slice3A_139 : vector<32x1x6x1xf32> to vector<32x6xf32>
    %broadcast_in_dim3A_141 = vector.shape_cast %squeeze3A_140 : vector<32x6xf32> to vector<32x6x1xf32>
    %slice3A_142 = vector.extract_strided_slice %reshape3A {offsets = [0, 2, 512], sizes = [32, 1, 512], strides = [1, 1, 1]} : vector<32x8x3072xf32> to vector<32x1x512xf32>
    %squeeze3A_143 = vector.shape_cast %slice3A_142 : vector<32x1x512xf32> to vector<32x512xf32>
    %broadcast_in_dim3A_144 = vector.shape_cast %squeeze3A_143 : vector<32x512xf32> to vector<32x1x512xf32>
    %mul3A_145 = vector.broadcast %broadcast_in_dim3A_141 : vector<32x6x1xf32> to vector<32x6x512xf32>
    %mul3A_146 = vector.broadcast %broadcast_in_dim3A_144 : vector<32x1x512xf32> to vector<32x6x512xf32>
    %mul3A_147 = arith.mulf %mul3A_145, %mul3A_146 : vector<32x6x512xf32>
    %add3A_148 = arith.addf %add3A_138, %mul3A_147 : vector<32x6x512xf32>
    %slice3A_149 = vector.extract_strided_slice %reshape3A_5 {offsets = [0, 2, 0, 2], sizes = [32, 1, 6, 1], strides = [1, 1, 1, 1]} : vector<32x8x6x6xf32> to vector<32x1x6x1xf32>
    %squeeze3A_150 = vector.shape_cast %slice3A_149 : vector<32x1x6x1xf32> to vector<32x6xf32>
    %broadcast_in_dim3A_151 = vector.shape_cast %squeeze3A_150 : vector<32x6xf32> to vector<32x6x1xf32>
    %slice3A_152 = vector.extract_strided_slice %reshape3A {offsets = [0, 2, 1024], sizes = [32, 1, 512], strides = [1, 1, 1]} : vector<32x8x3072xf32> to vector<32x1x512xf32>
    %squeeze3A_153 = vector.shape_cast %slice3A_152 : vector<32x1x512xf32> to vector<32x512xf32>
    %broadcast_in_dim3A_154 = vector.shape_cast %squeeze3A_153 : vector<32x512xf32> to vector<32x1x512xf32>
    %mul3A_155 = vector.broadcast %broadcast_in_dim3A_151 : vector<32x6x1xf32> to vector<32x6x512xf32>
    %mul3A_156 = vector.broadcast %broadcast_in_dim3A_154 : vector<32x1x512xf32> to vector<32x6x512xf32>
    %mul3A_157 = arith.mulf %mul3A_155, %mul3A_156 : vector<32x6x512xf32>
    %add3A_158 = arith.addf %add3A_148, %mul3A_157 : vector<32x6x512xf32>
    %slice3A_159 = vector.extract_strided_slice %reshape3A_5 {offsets = [0, 2, 0, 3], sizes = [32, 1, 6, 1], strides = [1, 1, 1, 1]} : vector<32x8x6x6xf32> to vector<32x1x6x1xf32>
    %squeeze3A_160 = vector.shape_cast %slice3A_159 : vector<32x1x6x1xf32> to vector<32x6xf32>
    %broadcast_in_dim3A_161 = vector.shape_cast %squeeze3A_160 : vector<32x6xf32> to vector<32x6x1xf32>
    %slice3A_162 = vector.extract_strided_slice %reshape3A {offsets = [0, 2, 1536], sizes = [32, 1, 512], strides = [1, 1, 1]} : vector<32x8x3072xf32> to vector<32x1x512xf32>
    %squeeze3A_163 = vector.shape_cast %slice3A_162 : vector<32x1x512xf32> to vector<32x512xf32>
    %broadcast_in_dim3A_164 = vector.shape_cast %squeeze3A_163 : vector<32x512xf32> to vector<32x1x512xf32>
    %mul3A_165 = vector.broadcast %broadcast_in_dim3A_161 : vector<32x6x1xf32> to vector<32x6x512xf32>
    %mul3A_166 = vector.broadcast %broadcast_in_dim3A_164 : vector<32x1x512xf32> to vector<32x6x512xf32>
    %mul3A_167 = arith.mulf %mul3A_165, %mul3A_166 : vector<32x6x512xf32>
    %add3A_168 = arith.addf %add3A_158, %mul3A_167 : vector<32x6x512xf32>
    %slice3A_169 = vector.extract_strided_slice %reshape3A_5 {offsets = [0, 2, 0, 4], sizes = [32, 1, 6, 1], strides = [1, 1, 1, 1]} : vector<32x8x6x6xf32> to vector<32x1x6x1xf32>
    %squeeze3A_170 = vector.shape_cast %slice3A_169 : vector<32x1x6x1xf32> to vector<32x6xf32>
    %broadcast_in_dim3A_171 = vector.shape_cast %squeeze3A_170 : vector<32x6xf32> to vector<32x6x1xf32>
    %slice3A_172 = vector.extract_strided_slice %reshape3A {offsets = [0, 2, 2048], sizes = [32, 1, 512], strides = [1, 1, 1]} : vector<32x8x3072xf32> to vector<32x1x512xf32>
    %squeeze3A_173 = vector.shape_cast %slice3A_172 : vector<32x1x512xf32> to vector<32x512xf32>
    %broadcast_in_dim3A_174 = vector.shape_cast %squeeze3A_173 : vector<32x512xf32> to vector<32x1x512xf32>
    %mul3A_175 = vector.broadcast %broadcast_in_dim3A_171 : vector<32x6x1xf32> to vector<32x6x512xf32>
    %mul3A_176 = vector.broadcast %broadcast_in_dim3A_174 : vector<32x1x512xf32> to vector<32x6x512xf32>
    %mul3A_177 = arith.mulf %mul3A_175, %mul3A_176 : vector<32x6x512xf32>
    %add3A_178 = arith.addf %add3A_168, %mul3A_177 : vector<32x6x512xf32>
    %slice3A_179 = vector.extract_strided_slice %reshape3A_5 {offsets = [0, 2, 0, 5], sizes = [32, 1, 6, 1], strides = [1, 1, 1, 1]} : vector<32x8x6x6xf32> to vector<32x1x6x1xf32>
    %squeeze3A_180 = vector.shape_cast %slice3A_179 : vector<32x1x6x1xf32> to vector<32x6xf32>
    %broadcast_in_dim3A_181 = vector.shape_cast %squeeze3A_180 : vector<32x6xf32> to vector<32x6x1xf32>
    %slice3A_182 = vector.extract_strided_slice %reshape3A {offsets = [0, 2, 2560], sizes = [32, 1, 512], strides = [1, 1, 1]} : vector<32x8x3072xf32> to vector<32x1x512xf32>
    %squeeze3A_183 = vector.shape_cast %slice3A_182 : vector<32x1x512xf32> to vector<32x512xf32>
    %broadcast_in_dim3A_184 = vector.shape_cast %squeeze3A_183 : vector<32x512xf32> to vector<32x1x512xf32>
    %mul3A_185 = vector.broadcast %broadcast_in_dim3A_181 : vector<32x6x1xf32> to vector<32x6x512xf32>
    %mul3A_186 = vector.broadcast %broadcast_in_dim3A_184 : vector<32x1x512xf32> to vector<32x6x512xf32>
    %mul3A_187 = arith.mulf %mul3A_185, %mul3A_186 : vector<32x6x512xf32>
    %add3A_188 = arith.addf %add3A_178, %mul3A_187 : vector<32x6x512xf32>
    %slice3A_189 = vector.extract_strided_slice %reshape3A_5 {offsets = [0, 3, 0, 0], sizes = [32, 1, 6, 1], strides = [1, 1, 1, 1]} : vector<32x8x6x6xf32> to vector<32x1x6x1xf32>
    %squeeze3A_190 = vector.shape_cast %slice3A_189 : vector<32x1x6x1xf32> to vector<32x6xf32>
    %broadcast_in_dim3A_191 = vector.shape_cast %squeeze3A_190 : vector<32x6xf32> to vector<32x6x1xf32>
    %slice3A_192 = vector.extract_strided_slice %reshape3A {offsets = [0, 3, 0], sizes = [32, 1, 512], strides = [1, 1, 1]} : vector<32x8x3072xf32> to vector<32x1x512xf32>
    %squeeze3A_193 = vector.shape_cast %slice3A_192 : vector<32x1x512xf32> to vector<32x512xf32>
    %broadcast_in_dim3A_194 = vector.shape_cast %squeeze3A_193 : vector<32x512xf32> to vector<32x1x512xf32>
    %mul3A_195 = vector.broadcast %broadcast_in_dim3A_191 : vector<32x6x1xf32> to vector<32x6x512xf32>
    %mul3A_196 = vector.broadcast %broadcast_in_dim3A_194 : vector<32x1x512xf32> to vector<32x6x512xf32>
    %mul3A_197 = arith.mulf %mul3A_195, %mul3A_196 : vector<32x6x512xf32>
    %add3A_198 = arith.addf %add3A_188, %mul3A_197 : vector<32x6x512xf32>
    %slice3A_199 = vector.extract_strided_slice %reshape3A_5 {offsets = [0, 3, 0, 1], sizes = [32, 1, 6, 1], strides = [1, 1, 1, 1]} : vector<32x8x6x6xf32> to vector<32x1x6x1xf32>
    %squeeze3A_200 = vector.shape_cast %slice3A_199 : vector<32x1x6x1xf32> to vector<32x6xf32>
    %broadcast_in_dim3A_201 = vector.shape_cast %squeeze3A_200 : vector<32x6xf32> to vector<32x6x1xf32>
    %slice3A_202 = vector.extract_strided_slice %reshape3A {offsets = [0, 3, 512], sizes = [32, 1, 512], strides = [1, 1, 1]} : vector<32x8x3072xf32> to vector<32x1x512xf32>
    %squeeze3A_203 = vector.shape_cast %slice3A_202 : vector<32x1x512xf32> to vector<32x512xf32>
    %broadcast_in_dim3A_204 = vector.shape_cast %squeeze3A_203 : vector<32x512xf32> to vector<32x1x512xf32>
    %mul3A_205 = vector.broadcast %broadcast_in_dim3A_201 : vector<32x6x1xf32> to vector<32x6x512xf32>
    %mul3A_206 = vector.broadcast %broadcast_in_dim3A_204 : vector<32x1x512xf32> to vector<32x6x512xf32>
    %mul3A_207 = arith.mulf %mul3A_205, %mul3A_206 : vector<32x6x512xf32>
    %add3A_208 = arith.addf %add3A_198, %mul3A_207 : vector<32x6x512xf32>
    %slice3A_209 = vector.extract_strided_slice %reshape3A_5 {offsets = [0, 3, 0, 2], sizes = [32, 1, 6, 1], strides = [1, 1, 1, 1]} : vector<32x8x6x6xf32> to vector<32x1x6x1xf32>
    %squeeze3A_210 = vector.shape_cast %slice3A_209 : vector<32x1x6x1xf32> to vector<32x6xf32>
    %broadcast_in_dim3A_211 = vector.shape_cast %squeeze3A_210 : vector<32x6xf32> to vector<32x6x1xf32>
    %slice3A_212 = vector.extract_strided_slice %reshape3A {offsets = [0, 3, 1024], sizes = [32, 1, 512], strides = [1, 1, 1]} : vector<32x8x3072xf32> to vector<32x1x512xf32>
    %squeeze3A_213 = vector.shape_cast %slice3A_212 : vector<32x1x512xf32> to vector<32x512xf32>
    %broadcast_in_dim3A_214 = vector.shape_cast %squeeze3A_213 : vector<32x512xf32> to vector<32x1x512xf32>
    %mul3A_215 = vector.broadcast %broadcast_in_dim3A_211 : vector<32x6x1xf32> to vector<32x6x512xf32>
    %mul3A_216 = vector.broadcast %broadcast_in_dim3A_214 : vector<32x1x512xf32> to vector<32x6x512xf32>
    %mul3A_217 = arith.mulf %mul3A_215, %mul3A_216 : vector<32x6x512xf32>
    %add3A_218 = arith.addf %add3A_208, %mul3A_217 : vector<32x6x512xf32>
    %slice3A_219 = vector.extract_strided_slice %reshape3A_5 {offsets = [0, 3, 0, 3], sizes = [32, 1, 6, 1], strides = [1, 1, 1, 1]} : vector<32x8x6x6xf32> to vector<32x1x6x1xf32>
    %squeeze3A_220 = vector.shape_cast %slice3A_219 : vector<32x1x6x1xf32> to vector<32x6xf32>
    %broadcast_in_dim3A_221 = vector.shape_cast %squeeze3A_220 : vector<32x6xf32> to vector<32x6x1xf32>
    %slice3A_222 = vector.extract_strided_slice %reshape3A {offsets = [0, 3, 1536], sizes = [32, 1, 512], strides = [1, 1, 1]} : vector<32x8x3072xf32> to vector<32x1x512xf32>
    %squeeze3A_223 = vector.shape_cast %slice3A_222 : vector<32x1x512xf32> to vector<32x512xf32>
    %broadcast_in_dim3A_224 = vector.shape_cast %squeeze3A_223 : vector<32x512xf32> to vector<32x1x512xf32>
    %mul3A_225 = vector.broadcast %broadcast_in_dim3A_221 : vector<32x6x1xf32> to vector<32x6x512xf32>
    %mul3A_226 = vector.broadcast %broadcast_in_dim3A_224 : vector<32x1x512xf32> to vector<32x6x512xf32>
    %mul3A_227 = arith.mulf %mul3A_225, %mul3A_226 : vector<32x6x512xf32>
    %add3A_228 = arith.addf %add3A_218, %mul3A_227 : vector<32x6x512xf32>
    %slice3A_229 = vector.extract_strided_slice %reshape3A_5 {offsets = [0, 3, 0, 4], sizes = [32, 1, 6, 1], strides = [1, 1, 1, 1]} : vector<32x8x6x6xf32> to vector<32x1x6x1xf32>
    %squeeze3A_230 = vector.shape_cast %slice3A_229 : vector<32x1x6x1xf32> to vector<32x6xf32>
    %broadcast_in_dim3A_231 = vector.shape_cast %squeeze3A_230 : vector<32x6xf32> to vector<32x6x1xf32>
    %slice3A_232 = vector.extract_strided_slice %reshape3A {offsets = [0, 3, 2048], sizes = [32, 1, 512], strides = [1, 1, 1]} : vector<32x8x3072xf32> to vector<32x1x512xf32>
    %squeeze3A_233 = vector.shape_cast %slice3A_232 : vector<32x1x512xf32> to vector<32x512xf32>
    %broadcast_in_dim3A_234 = vector.shape_cast %squeeze3A_233 : vector<32x512xf32> to vector<32x1x512xf32>
    %mul3A_235 = vector.broadcast %broadcast_in_dim3A_231 : vector<32x6x1xf32> to vector<32x6x512xf32>
    %mul3A_236 = vector.broadcast %broadcast_in_dim3A_234 : vector<32x1x512xf32> to vector<32x6x512xf32>
    %mul3A_237 = arith.mulf %mul3A_235, %mul3A_236 : vector<32x6x512xf32>
    %add3A_238 = arith.addf %add3A_228, %mul3A_237 : vector<32x6x512xf32>
    %slice3A_239 = vector.extract_strided_slice %reshape3A_5 {offsets = [0, 3, 0, 5], sizes = [32, 1, 6, 1], strides = [1, 1, 1, 1]} : vector<32x8x6x6xf32> to vector<32x1x6x1xf32>
    %squeeze3A_240 = vector.shape_cast %slice3A_239 : vector<32x1x6x1xf32> to vector<32x6xf32>
    %broadcast_in_dim3A_241 = vector.shape_cast %squeeze3A_240 : vector<32x6xf32> to vector<32x6x1xf32>
    %slice3A_242 = vector.extract_strided_slice %reshape3A {offsets = [0, 3, 2560], sizes = [32, 1, 512], strides = [1, 1, 1]} : vector<32x8x3072xf32> to vector<32x1x512xf32>
    %squeeze3A_243 = vector.shape_cast %slice3A_242 : vector<32x1x512xf32> to vector<32x512xf32>
    %broadcast_in_dim3A_244 = vector.shape_cast %squeeze3A_243 : vector<32x512xf32> to vector<32x1x512xf32>
    %mul3A_245 = vector.broadcast %broadcast_in_dim3A_241 : vector<32x6x1xf32> to vector<32x6x512xf32>
    %mul3A_246 = vector.broadcast %broadcast_in_dim3A_244 : vector<32x1x512xf32> to vector<32x6x512xf32>
    %mul3A_247 = arith.mulf %mul3A_245, %mul3A_246 : vector<32x6x512xf32>
    %add3A_248 = arith.addf %add3A_238, %mul3A_247 : vector<32x6x512xf32>
    %slice3A_249 = vector.extract_strided_slice %reshape3A_5 {offsets = [0, 4, 0, 0], sizes = [32, 1, 6, 1], strides = [1, 1, 1, 1]} : vector<32x8x6x6xf32> to vector<32x1x6x1xf32>
    %squeeze3A_250 = vector.shape_cast %slice3A_249 : vector<32x1x6x1xf32> to vector<32x6xf32>
    %broadcast_in_dim3A_251 = vector.shape_cast %squeeze3A_250 : vector<32x6xf32> to vector<32x6x1xf32>
    %slice3A_252 = vector.extract_strided_slice %reshape3A {offsets = [0, 4, 0], sizes = [32, 1, 512], strides = [1, 1, 1]} : vector<32x8x3072xf32> to vector<32x1x512xf32>
    %squeeze3A_253 = vector.shape_cast %slice3A_252 : vector<32x1x512xf32> to vector<32x512xf32>
    %broadcast_in_dim3A_254 = vector.shape_cast %squeeze3A_253 : vector<32x512xf32> to vector<32x1x512xf32>
    %mul3A_255 = vector.broadcast %broadcast_in_dim3A_251 : vector<32x6x1xf32> to vector<32x6x512xf32>
    %mul3A_256 = vector.broadcast %broadcast_in_dim3A_254 : vector<32x1x512xf32> to vector<32x6x512xf32>
    %mul3A_257 = arith.mulf %mul3A_255, %mul3A_256 : vector<32x6x512xf32>
    %add3A_258 = arith.addf %add3A_248, %mul3A_257 : vector<32x6x512xf32>
    %slice3A_259 = vector.extract_strided_slice %reshape3A_5 {offsets = [0, 4, 0, 1], sizes = [32, 1, 6, 1], strides = [1, 1, 1, 1]} : vector<32x8x6x6xf32> to vector<32x1x6x1xf32>
    %squeeze3A_260 = vector.shape_cast %slice3A_259 : vector<32x1x6x1xf32> to vector<32x6xf32>
    %broadcast_in_dim3A_261 = vector.shape_cast %squeeze3A_260 : vector<32x6xf32> to vector<32x6x1xf32>
    %slice3A_262 = vector.extract_strided_slice %reshape3A {offsets = [0, 4, 512], sizes = [32, 1, 512], strides = [1, 1, 1]} : vector<32x8x3072xf32> to vector<32x1x512xf32>
    %squeeze3A_263 = vector.shape_cast %slice3A_262 : vector<32x1x512xf32> to vector<32x512xf32>
    %broadcast_in_dim3A_264 = vector.shape_cast %squeeze3A_263 : vector<32x512xf32> to vector<32x1x512xf32>
    %mul3A_265 = vector.broadcast %broadcast_in_dim3A_261 : vector<32x6x1xf32> to vector<32x6x512xf32>
    %mul3A_266 = vector.broadcast %broadcast_in_dim3A_264 : vector<32x1x512xf32> to vector<32x6x512xf32>
    %mul3A_267 = arith.mulf %mul3A_265, %mul3A_266 : vector<32x6x512xf32>
    %add3A_268 = arith.addf %add3A_258, %mul3A_267 : vector<32x6x512xf32>
    %slice3A_269 = vector.extract_strided_slice %reshape3A_5 {offsets = [0, 4, 0, 2], sizes = [32, 1, 6, 1], strides = [1, 1, 1, 1]} : vector<32x8x6x6xf32> to vector<32x1x6x1xf32>
    %squeeze3A_270 = vector.shape_cast %slice3A_269 : vector<32x1x6x1xf32> to vector<32x6xf32>
    %broadcast_in_dim3A_271 = vector.shape_cast %squeeze3A_270 : vector<32x6xf32> to vector<32x6x1xf32>
    %slice3A_272 = vector.extract_strided_slice %reshape3A {offsets = [0, 4, 1024], sizes = [32, 1, 512], strides = [1, 1, 1]} : vector<32x8x3072xf32> to vector<32x1x512xf32>
    %squeeze3A_273 = vector.shape_cast %slice3A_272 : vector<32x1x512xf32> to vector<32x512xf32>
    %broadcast_in_dim3A_274 = vector.shape_cast %squeeze3A_273 : vector<32x512xf32> to vector<32x1x512xf32>
    %mul3A_275 = vector.broadcast %broadcast_in_dim3A_271 : vector<32x6x1xf32> to vector<32x6x512xf32>
    %mul3A_276 = vector.broadcast %broadcast_in_dim3A_274 : vector<32x1x512xf32> to vector<32x6x512xf32>
    %mul3A_277 = arith.mulf %mul3A_275, %mul3A_276 : vector<32x6x512xf32>
    %add3A_278 = arith.addf %add3A_268, %mul3A_277 : vector<32x6x512xf32>
    %slice3A_279 = vector.extract_strided_slice %reshape3A_5 {offsets = [0, 4, 0, 3], sizes = [32, 1, 6, 1], strides = [1, 1, 1, 1]} : vector<32x8x6x6xf32> to vector<32x1x6x1xf32>
    %squeeze3A_280 = vector.shape_cast %slice3A_279 : vector<32x1x6x1xf32> to vector<32x6xf32>
    %broadcast_in_dim3A_281 = vector.shape_cast %squeeze3A_280 : vector<32x6xf32> to vector<32x6x1xf32>
    %slice3A_282 = vector.extract_strided_slice %reshape3A {offsets = [0, 4, 1536], sizes = [32, 1, 512], strides = [1, 1, 1]} : vector<32x8x3072xf32> to vector<32x1x512xf32>
    %squeeze3A_283 = vector.shape_cast %slice3A_282 : vector<32x1x512xf32> to vector<32x512xf32>
    %broadcast_in_dim3A_284 = vector.shape_cast %squeeze3A_283 : vector<32x512xf32> to vector<32x1x512xf32>
    %mul3A_285 = vector.broadcast %broadcast_in_dim3A_281 : vector<32x6x1xf32> to vector<32x6x512xf32>
    %mul3A_286 = vector.broadcast %broadcast_in_dim3A_284 : vector<32x1x512xf32> to vector<32x6x512xf32>
    %mul3A_287 = arith.mulf %mul3A_285, %mul3A_286 : vector<32x6x512xf32>
    %add3A_288 = arith.addf %add3A_278, %mul3A_287 : vector<32x6x512xf32>
    %slice3A_289 = vector.extract_strided_slice %reshape3A_5 {offsets = [0, 4, 0, 4], sizes = [32, 1, 6, 1], strides = [1, 1, 1, 1]} : vector<32x8x6x6xf32> to vector<32x1x6x1xf32>
    %squeeze3A_290 = vector.shape_cast %slice3A_289 : vector<32x1x6x1xf32> to vector<32x6xf32>
    %broadcast_in_dim3A_291 = vector.shape_cast %squeeze3A_290 : vector<32x6xf32> to vector<32x6x1xf32>
    %slice3A_292 = vector.extract_strided_slice %reshape3A {offsets = [0, 4, 2048], sizes = [32, 1, 512], strides = [1, 1, 1]} : vector<32x8x3072xf32> to vector<32x1x512xf32>
    %squeeze3A_293 = vector.shape_cast %slice3A_292 : vector<32x1x512xf32> to vector<32x512xf32>
    %broadcast_in_dim3A_294 = vector.shape_cast %squeeze3A_293 : vector<32x512xf32> to vector<32x1x512xf32>
    %mul3A_295 = vector.broadcast %broadcast_in_dim3A_291 : vector<32x6x1xf32> to vector<32x6x512xf32>
    %mul3A_296 = vector.broadcast %broadcast_in_dim3A_294 : vector<32x1x512xf32> to vector<32x6x512xf32>
    %mul3A_297 = arith.mulf %mul3A_295, %mul3A_296 : vector<32x6x512xf32>
    %add3A_298 = arith.addf %add3A_288, %mul3A_297 : vector<32x6x512xf32>
    %slice3A_299 = vector.extract_strided_slice %reshape3A_5 {offsets = [0, 4, 0, 5], sizes = [32, 1, 6, 1], strides = [1, 1, 1, 1]} : vector<32x8x6x6xf32> to vector<32x1x6x1xf32>
    %squeeze3A_300 = vector.shape_cast %slice3A_299 : vector<32x1x6x1xf32> to vector<32x6xf32>
    %broadcast_in_dim3A_301 = vector.shape_cast %squeeze3A_300 : vector<32x6xf32> to vector<32x6x1xf32>
    %slice3A_302 = vector.extract_strided_slice %reshape3A {offsets = [0, 4, 2560], sizes = [32, 1, 512], strides = [1, 1, 1]} : vector<32x8x3072xf32> to vector<32x1x512xf32>
    %squeeze3A_303 = vector.shape_cast %slice3A_302 : vector<32x1x512xf32> to vector<32x512xf32>
    %broadcast_in_dim3A_304 = vector.shape_cast %squeeze3A_303 : vector<32x512xf32> to vector<32x1x512xf32>
    %mul3A_305 = vector.broadcast %broadcast_in_dim3A_301 : vector<32x6x1xf32> to vector<32x6x512xf32>
    %mul3A_306 = vector.broadcast %broadcast_in_dim3A_304 : vector<32x1x512xf32> to vector<32x6x512xf32>
    %mul3A_307 = arith.mulf %mul3A_305, %mul3A_306 : vector<32x6x512xf32>
    %add3A_308 = arith.addf %add3A_298, %mul3A_307 : vector<32x6x512xf32>
    %slice3A_309 = vector.extract_strided_slice %reshape3A_5 {offsets = [0, 5, 0, 0], sizes = [32, 1, 6, 1], strides = [1, 1, 1, 1]} : vector<32x8x6x6xf32> to vector<32x1x6x1xf32>
    %squeeze3A_310 = vector.shape_cast %slice3A_309 : vector<32x1x6x1xf32> to vector<32x6xf32>
    %broadcast_in_dim3A_311 = vector.shape_cast %squeeze3A_310 : vector<32x6xf32> to vector<32x6x1xf32>
    %slice3A_312 = vector.extract_strided_slice %reshape3A {offsets = [0, 5, 0], sizes = [32, 1, 512], strides = [1, 1, 1]} : vector<32x8x3072xf32> to vector<32x1x512xf32>
    %squeeze3A_313 = vector.shape_cast %slice3A_312 : vector<32x1x512xf32> to vector<32x512xf32>
    %broadcast_in_dim3A_314 = vector.shape_cast %squeeze3A_313 : vector<32x512xf32> to vector<32x1x512xf32>
    %mul3A_315 = vector.broadcast %broadcast_in_dim3A_311 : vector<32x6x1xf32> to vector<32x6x512xf32>
    %mul3A_316 = vector.broadcast %broadcast_in_dim3A_314 : vector<32x1x512xf32> to vector<32x6x512xf32>
    %mul3A_317 = arith.mulf %mul3A_315, %mul3A_316 : vector<32x6x512xf32>
    %add3A_318 = arith.addf %add3A_308, %mul3A_317 : vector<32x6x512xf32>
    %slice3A_319 = vector.extract_strided_slice %reshape3A_5 {offsets = [0, 5, 0, 1], sizes = [32, 1, 6, 1], strides = [1, 1, 1, 1]} : vector<32x8x6x6xf32> to vector<32x1x6x1xf32>
    %squeeze3A_320 = vector.shape_cast %slice3A_319 : vector<32x1x6x1xf32> to vector<32x6xf32>
    %broadcast_in_dim3A_321 = vector.shape_cast %squeeze3A_320 : vector<32x6xf32> to vector<32x6x1xf32>
    %slice3A_322 = vector.extract_strided_slice %reshape3A {offsets = [0, 5, 512], sizes = [32, 1, 512], strides = [1, 1, 1]} : vector<32x8x3072xf32> to vector<32x1x512xf32>
    %squeeze3A_323 = vector.shape_cast %slice3A_322 : vector<32x1x512xf32> to vector<32x512xf32>
    %broadcast_in_dim3A_324 = vector.shape_cast %squeeze3A_323 : vector<32x512xf32> to vector<32x1x512xf32>
    %mul3A_325 = vector.broadcast %broadcast_in_dim3A_321 : vector<32x6x1xf32> to vector<32x6x512xf32>
    %mul3A_326 = vector.broadcast %broadcast_in_dim3A_324 : vector<32x1x512xf32> to vector<32x6x512xf32>
    %mul3A_327 = arith.mulf %mul3A_325, %mul3A_326 : vector<32x6x512xf32>
    %add3A_328 = arith.addf %add3A_318, %mul3A_327 : vector<32x6x512xf32>
    %slice3A_329 = vector.extract_strided_slice %reshape3A_5 {offsets = [0, 5, 0, 2], sizes = [32, 1, 6, 1], strides = [1, 1, 1, 1]} : vector<32x8x6x6xf32> to vector<32x1x6x1xf32>
    %squeeze3A_330 = vector.shape_cast %slice3A_329 : vector<32x1x6x1xf32> to vector<32x6xf32>
    %broadcast_in_dim3A_331 = vector.shape_cast %squeeze3A_330 : vector<32x6xf32> to vector<32x6x1xf32>
    %slice3A_332 = vector.extract_strided_slice %reshape3A {offsets = [0, 5, 1024], sizes = [32, 1, 512], strides = [1, 1, 1]} : vector<32x8x3072xf32> to vector<32x1x512xf32>
    %squeeze3A_333 = vector.shape_cast %slice3A_332 : vector<32x1x512xf32> to vector<32x512xf32>
    %broadcast_in_dim3A_334 = vector.shape_cast %squeeze3A_333 : vector<32x512xf32> to vector<32x1x512xf32>
    %mul3A_335 = vector.broadcast %broadcast_in_dim3A_331 : vector<32x6x1xf32> to vector<32x6x512xf32>
    %mul3A_336 = vector.broadcast %broadcast_in_dim3A_334 : vector<32x1x512xf32> to vector<32x6x512xf32>
    %mul3A_337 = arith.mulf %mul3A_335, %mul3A_336 : vector<32x6x512xf32>
    %add3A_338 = arith.addf %add3A_328, %mul3A_337 : vector<32x6x512xf32>
    %slice3A_339 = vector.extract_strided_slice %reshape3A_5 {offsets = [0, 5, 0, 3], sizes = [32, 1, 6, 1], strides = [1, 1, 1, 1]} : vector<32x8x6x6xf32> to vector<32x1x6x1xf32>
    %squeeze3A_340 = vector.shape_cast %slice3A_339 : vector<32x1x6x1xf32> to vector<32x6xf32>
    %broadcast_in_dim3A_341 = vector.shape_cast %squeeze3A_340 : vector<32x6xf32> to vector<32x6x1xf32>
    %slice3A_342 = vector.extract_strided_slice %reshape3A {offsets = [0, 5, 1536], sizes = [32, 1, 512], strides = [1, 1, 1]} : vector<32x8x3072xf32> to vector<32x1x512xf32>
    %squeeze3A_343 = vector.shape_cast %slice3A_342 : vector<32x1x512xf32> to vector<32x512xf32>
    %broadcast_in_dim3A_344 = vector.shape_cast %squeeze3A_343 : vector<32x512xf32> to vector<32x1x512xf32>
    %mul3A_345 = vector.broadcast %broadcast_in_dim3A_341 : vector<32x6x1xf32> to vector<32x6x512xf32>
    %mul3A_346 = vector.broadcast %broadcast_in_dim3A_344 : vector<32x1x512xf32> to vector<32x6x512xf32>
    %mul3A_347 = arith.mulf %mul3A_345, %mul3A_346 : vector<32x6x512xf32>
    %add3A_348 = arith.addf %add3A_338, %mul3A_347 : vector<32x6x512xf32>
    %slice3A_349 = vector.extract_strided_slice %reshape3A_5 {offsets = [0, 5, 0, 4], sizes = [32, 1, 6, 1], strides = [1, 1, 1, 1]} : vector<32x8x6x6xf32> to vector<32x1x6x1xf32>
    %squeeze3A_350 = vector.shape_cast %slice3A_349 : vector<32x1x6x1xf32> to vector<32x6xf32>
    %broadcast_in_dim3A_351 = vector.shape_cast %squeeze3A_350 : vector<32x6xf32> to vector<32x6x1xf32>
    %slice3A_352 = vector.extract_strided_slice %reshape3A {offsets = [0, 5, 2048], sizes = [32, 1, 512], strides = [1, 1, 1]} : vector<32x8x3072xf32> to vector<32x1x512xf32>
    %squeeze3A_353 = vector.shape_cast %slice3A_352 : vector<32x1x512xf32> to vector<32x512xf32>
    %broadcast_in_dim3A_354 = vector.shape_cast %squeeze3A_353 : vector<32x512xf32> to vector<32x1x512xf32>
    %mul3A_355 = vector.broadcast %broadcast_in_dim3A_351 : vector<32x6x1xf32> to vector<32x6x512xf32>
    %mul3A_356 = vector.broadcast %broadcast_in_dim3A_354 : vector<32x1x512xf32> to vector<32x6x512xf32>
    %mul3A_357 = arith.mulf %mul3A_355, %mul3A_356 : vector<32x6x512xf32>
    %add3A_358 = arith.addf %add3A_348, %mul3A_357 : vector<32x6x512xf32>
    %slice3A_359 = vector.extract_strided_slice %reshape3A_5 {offsets = [0, 5, 0, 5], sizes = [32, 1, 6, 1], strides = [1, 1, 1, 1]} : vector<32x8x6x6xf32> to vector<32x1x6x1xf32>
    %squeeze3A_360 = vector.shape_cast %slice3A_359 : vector<32x1x6x1xf32> to vector<32x6xf32>
    %broadcast_in_dim3A_361 = vector.shape_cast %squeeze3A_360 : vector<32x6xf32> to vector<32x6x1xf32>
    %slice3A_362 = vector.extract_strided_slice %reshape3A {offsets = [0, 5, 2560], sizes = [32, 1, 512], strides = [1, 1, 1]} : vector<32x8x3072xf32> to vector<32x1x512xf32>
    %squeeze3A_363 = vector.shape_cast %slice3A_362 : vector<32x1x512xf32> to vector<32x512xf32>
    %broadcast_in_dim3A_364 = vector.shape_cast %squeeze3A_363 : vector<32x512xf32> to vector<32x1x512xf32>
    %mul3A_365 = vector.broadcast %broadcast_in_dim3A_361 : vector<32x6x1xf32> to vector<32x6x512xf32>
    %mul3A_366 = vector.broadcast %broadcast_in_dim3A_364 : vector<32x1x512xf32> to vector<32x6x512xf32>
    %mul3A_367 = arith.mulf %mul3A_365, %mul3A_366 : vector<32x6x512xf32>
    %add3A_368 = arith.addf %add3A_358, %mul3A_367 : vector<32x6x512xf32>
    %slice3A_369 = vector.extract_strided_slice %reshape3A_5 {offsets = [0, 6, 0, 0], sizes = [32, 1, 6, 1], strides = [1, 1, 1, 1]} : vector<32x8x6x6xf32> to vector<32x1x6x1xf32>
    %squeeze3A_370 = vector.shape_cast %slice3A_369 : vector<32x1x6x1xf32> to vector<32x6xf32>
    %broadcast_in_dim3A_371 = vector.shape_cast %squeeze3A_370 : vector<32x6xf32> to vector<32x6x1xf32>
    %slice3A_372 = vector.extract_strided_slice %reshape3A {offsets = [0, 6, 0], sizes = [32, 1, 512], strides = [1, 1, 1]} : vector<32x8x3072xf32> to vector<32x1x512xf32>
    %squeeze3A_373 = vector.shape_cast %slice3A_372 : vector<32x1x512xf32> to vector<32x512xf32>
    %broadcast_in_dim3A_374 = vector.shape_cast %squeeze3A_373 : vector<32x512xf32> to vector<32x1x512xf32>
    %mul3A_375 = vector.broadcast %broadcast_in_dim3A_371 : vector<32x6x1xf32> to vector<32x6x512xf32>
    %mul3A_376 = vector.broadcast %broadcast_in_dim3A_374 : vector<32x1x512xf32> to vector<32x6x512xf32>
    %mul3A_377 = arith.mulf %mul3A_375, %mul3A_376 : vector<32x6x512xf32>
    %add3A_378 = arith.addf %add3A_368, %mul3A_377 : vector<32x6x512xf32>
    %slice3A_379 = vector.extract_strided_slice %reshape3A_5 {offsets = [0, 6, 0, 1], sizes = [32, 1, 6, 1], strides = [1, 1, 1, 1]} : vector<32x8x6x6xf32> to vector<32x1x6x1xf32>
    %squeeze3A_380 = vector.shape_cast %slice3A_379 : vector<32x1x6x1xf32> to vector<32x6xf32>
    %broadcast_in_dim3A_381 = vector.shape_cast %squeeze3A_380 : vector<32x6xf32> to vector<32x6x1xf32>
    %slice3A_382 = vector.extract_strided_slice %reshape3A {offsets = [0, 6, 512], sizes = [32, 1, 512], strides = [1, 1, 1]} : vector<32x8x3072xf32> to vector<32x1x512xf32>
    %squeeze3A_383 = vector.shape_cast %slice3A_382 : vector<32x1x512xf32> to vector<32x512xf32>
    %broadcast_in_dim3A_384 = vector.shape_cast %squeeze3A_383 : vector<32x512xf32> to vector<32x1x512xf32>
    %mul3A_385 = vector.broadcast %broadcast_in_dim3A_381 : vector<32x6x1xf32> to vector<32x6x512xf32>
    %mul3A_386 = vector.broadcast %broadcast_in_dim3A_384 : vector<32x1x512xf32> to vector<32x6x512xf32>
    %mul3A_387 = arith.mulf %mul3A_385, %mul3A_386 : vector<32x6x512xf32>
    %add3A_388 = arith.addf %add3A_378, %mul3A_387 : vector<32x6x512xf32>
    %slice3A_389 = vector.extract_strided_slice %reshape3A_5 {offsets = [0, 6, 0, 2], sizes = [32, 1, 6, 1], strides = [1, 1, 1, 1]} : vector<32x8x6x6xf32> to vector<32x1x6x1xf32>
    %squeeze3A_390 = vector.shape_cast %slice3A_389 : vector<32x1x6x1xf32> to vector<32x6xf32>
    %broadcast_in_dim3A_391 = vector.shape_cast %squeeze3A_390 : vector<32x6xf32> to vector<32x6x1xf32>
    %slice3A_392 = vector.extract_strided_slice %reshape3A {offsets = [0, 6, 1024], sizes = [32, 1, 512], strides = [1, 1, 1]} : vector<32x8x3072xf32> to vector<32x1x512xf32>
    %squeeze3A_393 = vector.shape_cast %slice3A_392 : vector<32x1x512xf32> to vector<32x512xf32>
    %broadcast_in_dim3A_394 = vector.shape_cast %squeeze3A_393 : vector<32x512xf32> to vector<32x1x512xf32>
    %mul3A_395 = vector.broadcast %broadcast_in_dim3A_391 : vector<32x6x1xf32> to vector<32x6x512xf32>
    %mul3A_396 = vector.broadcast %broadcast_in_dim3A_394 : vector<32x1x512xf32> to vector<32x6x512xf32>
    %mul3A_397 = arith.mulf %mul3A_395, %mul3A_396 : vector<32x6x512xf32>
    %add3A_398 = arith.addf %add3A_388, %mul3A_397 : vector<32x6x512xf32>
    %slice3A_399 = vector.extract_strided_slice %reshape3A_5 {offsets = [0, 6, 0, 3], sizes = [32, 1, 6, 1], strides = [1, 1, 1, 1]} : vector<32x8x6x6xf32> to vector<32x1x6x1xf32>
    %squeeze3A_400 = vector.shape_cast %slice3A_399 : vector<32x1x6x1xf32> to vector<32x6xf32>
    %broadcast_in_dim3A_401 = vector.shape_cast %squeeze3A_400 : vector<32x6xf32> to vector<32x6x1xf32>
    %slice3A_402 = vector.extract_strided_slice %reshape3A {offsets = [0, 6, 1536], sizes = [32, 1, 512], strides = [1, 1, 1]} : vector<32x8x3072xf32> to vector<32x1x512xf32>
    %squeeze3A_403 = vector.shape_cast %slice3A_402 : vector<32x1x512xf32> to vector<32x512xf32>
    %broadcast_in_dim3A_404 = vector.shape_cast %squeeze3A_403 : vector<32x512xf32> to vector<32x1x512xf32>
    %mul3A_405 = vector.broadcast %broadcast_in_dim3A_401 : vector<32x6x1xf32> to vector<32x6x512xf32>
    %mul3A_406 = vector.broadcast %broadcast_in_dim3A_404 : vector<32x1x512xf32> to vector<32x6x512xf32>
    %mul3A_407 = arith.mulf %mul3A_405, %mul3A_406 : vector<32x6x512xf32>
    %add3A_408 = arith.addf %add3A_398, %mul3A_407 : vector<32x6x512xf32>
    %slice3A_409 = vector.extract_strided_slice %reshape3A_5 {offsets = [0, 6, 0, 4], sizes = [32, 1, 6, 1], strides = [1, 1, 1, 1]} : vector<32x8x6x6xf32> to vector<32x1x6x1xf32>
    %squeeze3A_410 = vector.shape_cast %slice3A_409 : vector<32x1x6x1xf32> to vector<32x6xf32>
    %broadcast_in_dim3A_411 = vector.shape_cast %squeeze3A_410 : vector<32x6xf32> to vector<32x6x1xf32>
    %slice3A_412 = vector.extract_strided_slice %reshape3A {offsets = [0, 6, 2048], sizes = [32, 1, 512], strides = [1, 1, 1]} : vector<32x8x3072xf32> to vector<32x1x512xf32>
    %squeeze3A_413 = vector.shape_cast %slice3A_412 : vector<32x1x512xf32> to vector<32x512xf32>
    %broadcast_in_dim3A_414 = vector.shape_cast %squeeze3A_413 : vector<32x512xf32> to vector<32x1x512xf32>
    %mul3A_415 = vector.broadcast %broadcast_in_dim3A_411 : vector<32x6x1xf32> to vector<32x6x512xf32>
    %mul3A_416 = vector.broadcast %broadcast_in_dim3A_414 : vector<32x1x512xf32> to vector<32x6x512xf32>
    %mul3A_417 = arith.mulf %mul3A_415, %mul3A_416 : vector<32x6x512xf32>
    %add3A_418 = arith.addf %add3A_408, %mul3A_417 : vector<32x6x512xf32>
    %slice3A_419 = vector.extract_strided_slice %reshape3A_5 {offsets = [0, 6, 0, 5], sizes = [32, 1, 6, 1], strides = [1, 1, 1, 1]} : vector<32x8x6x6xf32> to vector<32x1x6x1xf32>
    %squeeze3A_420 = vector.shape_cast %slice3A_419 : vector<32x1x6x1xf32> to vector<32x6xf32>
    %broadcast_in_dim3A_421 = vector.shape_cast %squeeze3A_420 : vector<32x6xf32> to vector<32x6x1xf32>
    %slice3A_422 = vector.extract_strided_slice %reshape3A {offsets = [0, 6, 2560], sizes = [32, 1, 512], strides = [1, 1, 1]} : vector<32x8x3072xf32> to vector<32x1x512xf32>
    %squeeze3A_423 = vector.shape_cast %slice3A_422 : vector<32x1x512xf32> to vector<32x512xf32>
    %broadcast_in_dim3A_424 = vector.shape_cast %squeeze3A_423 : vector<32x512xf32> to vector<32x1x512xf32>
    %mul3A_425 = vector.broadcast %broadcast_in_dim3A_421 : vector<32x6x1xf32> to vector<32x6x512xf32>
    %mul3A_426 = vector.broadcast %broadcast_in_dim3A_424 : vector<32x1x512xf32> to vector<32x6x512xf32>
    %mul3A_427 = arith.mulf %mul3A_425, %mul3A_426 : vector<32x6x512xf32>
    %add3A_428 = arith.addf %add3A_418, %mul3A_427 : vector<32x6x512xf32>
    %slice3A_429 = vector.extract_strided_slice %reshape3A_5 {offsets = [0, 7, 0, 0], sizes = [32, 1, 6, 1], strides = [1, 1, 1, 1]} : vector<32x8x6x6xf32> to vector<32x1x6x1xf32>
    %squeeze3A_430 = vector.shape_cast %slice3A_429 : vector<32x1x6x1xf32> to vector<32x6xf32>
    %broadcast_in_dim3A_431 = vector.shape_cast %squeeze3A_430 : vector<32x6xf32> to vector<32x6x1xf32>
    %slice3A_432 = vector.extract_strided_slice %reshape3A {offsets = [0, 7, 0], sizes = [32, 1, 512], strides = [1, 1, 1]} : vector<32x8x3072xf32> to vector<32x1x512xf32>
    %squeeze3A_433 = vector.shape_cast %slice3A_432 : vector<32x1x512xf32> to vector<32x512xf32>
    %broadcast_in_dim3A_434 = vector.shape_cast %squeeze3A_433 : vector<32x512xf32> to vector<32x1x512xf32>
    %mul3A_435 = vector.broadcast %broadcast_in_dim3A_431 : vector<32x6x1xf32> to vector<32x6x512xf32>
    %mul3A_436 = vector.broadcast %broadcast_in_dim3A_434 : vector<32x1x512xf32> to vector<32x6x512xf32>
    %mul3A_437 = arith.mulf %mul3A_435, %mul3A_436 : vector<32x6x512xf32>
    %add3A_438 = arith.addf %add3A_428, %mul3A_437 : vector<32x6x512xf32>
    %slice3A_439 = vector.extract_strided_slice %reshape3A_5 {offsets = [0, 7, 0, 1], sizes = [32, 1, 6, 1], strides = [1, 1, 1, 1]} : vector<32x8x6x6xf32> to vector<32x1x6x1xf32>
    %squeeze3A_440 = vector.shape_cast %slice3A_439 : vector<32x1x6x1xf32> to vector<32x6xf32>
    %broadcast_in_dim3A_441 = vector.shape_cast %squeeze3A_440 : vector<32x6xf32> to vector<32x6x1xf32>
    %slice3A_442 = vector.extract_strided_slice %reshape3A {offsets = [0, 7, 512], sizes = [32, 1, 512], strides = [1, 1, 1]} : vector<32x8x3072xf32> to vector<32x1x512xf32>
    %squeeze3A_443 = vector.shape_cast %slice3A_442 : vector<32x1x512xf32> to vector<32x512xf32>
    %broadcast_in_dim3A_444 = vector.shape_cast %squeeze3A_443 : vector<32x512xf32> to vector<32x1x512xf32>
    %mul3A_445 = vector.broadcast %broadcast_in_dim3A_441 : vector<32x6x1xf32> to vector<32x6x512xf32>
    %mul3A_446 = vector.broadcast %broadcast_in_dim3A_444 : vector<32x1x512xf32> to vector<32x6x512xf32>
    %mul3A_447 = arith.mulf %mul3A_445, %mul3A_446 : vector<32x6x512xf32>
    %add3A_448 = arith.addf %add3A_438, %mul3A_447 : vector<32x6x512xf32>
    %slice3A_449 = vector.extract_strided_slice %reshape3A_5 {offsets = [0, 7, 0, 2], sizes = [32, 1, 6, 1], strides = [1, 1, 1, 1]} : vector<32x8x6x6xf32> to vector<32x1x6x1xf32>
    %squeeze3A_450 = vector.shape_cast %slice3A_449 : vector<32x1x6x1xf32> to vector<32x6xf32>
    %broadcast_in_dim3A_451 = vector.shape_cast %squeeze3A_450 : vector<32x6xf32> to vector<32x6x1xf32>
    %slice3A_452 = vector.extract_strided_slice %reshape3A {offsets = [0, 7, 1024], sizes = [32, 1, 512], strides = [1, 1, 1]} : vector<32x8x3072xf32> to vector<32x1x512xf32>
    %squeeze3A_453 = vector.shape_cast %slice3A_452 : vector<32x1x512xf32> to vector<32x512xf32>
    %broadcast_in_dim3A_454 = vector.shape_cast %squeeze3A_453 : vector<32x512xf32> to vector<32x1x512xf32>
    %mul3A_455 = vector.broadcast %broadcast_in_dim3A_451 : vector<32x6x1xf32> to vector<32x6x512xf32>
    %mul3A_456 = vector.broadcast %broadcast_in_dim3A_454 : vector<32x1x512xf32> to vector<32x6x512xf32>
    %mul3A_457 = arith.mulf %mul3A_455, %mul3A_456 : vector<32x6x512xf32>
    %add3A_458 = arith.addf %add3A_448, %mul3A_457 : vector<32x6x512xf32>
    %slice3A_459 = vector.extract_strided_slice %reshape3A_5 {offsets = [0, 7, 0, 3], sizes = [32, 1, 6, 1], strides = [1, 1, 1, 1]} : vector<32x8x6x6xf32> to vector<32x1x6x1xf32>
    %squeeze3A_460 = vector.shape_cast %slice3A_459 : vector<32x1x6x1xf32> to vector<32x6xf32>
    %broadcast_in_dim3A_461 = vector.shape_cast %squeeze3A_460 : vector<32x6xf32> to vector<32x6x1xf32>
    %slice3A_462 = vector.extract_strided_slice %reshape3A {offsets = [0, 7, 1536], sizes = [32, 1, 512], strides = [1, 1, 1]} : vector<32x8x3072xf32> to vector<32x1x512xf32>
    %squeeze3A_463 = vector.shape_cast %slice3A_462 : vector<32x1x512xf32> to vector<32x512xf32>
    %broadcast_in_dim3A_464 = vector.shape_cast %squeeze3A_463 : vector<32x512xf32> to vector<32x1x512xf32>
    %mul3A_465 = vector.broadcast %broadcast_in_dim3A_461 : vector<32x6x1xf32> to vector<32x6x512xf32>
    %mul3A_466 = vector.broadcast %broadcast_in_dim3A_464 : vector<32x1x512xf32> to vector<32x6x512xf32>
    %mul3A_467 = arith.mulf %mul3A_465, %mul3A_466 : vector<32x6x512xf32>
    %add3A_468 = arith.addf %add3A_458, %mul3A_467 : vector<32x6x512xf32>
    %slice3A_469 = vector.extract_strided_slice %reshape3A_5 {offsets = [0, 7, 0, 4], sizes = [32, 1, 6, 1], strides = [1, 1, 1, 1]} : vector<32x8x6x6xf32> to vector<32x1x6x1xf32>
    %squeeze3A_470 = vector.shape_cast %slice3A_469 : vector<32x1x6x1xf32> to vector<32x6xf32>
    %broadcast_in_dim3A_471 = vector.shape_cast %squeeze3A_470 : vector<32x6xf32> to vector<32x6x1xf32>
    %slice3A_472 = vector.extract_strided_slice %reshape3A {offsets = [0, 7, 2048], sizes = [32, 1, 512], strides = [1, 1, 1]} : vector<32x8x3072xf32> to vector<32x1x512xf32>
    %squeeze3A_473 = vector.shape_cast %slice3A_472 : vector<32x1x512xf32> to vector<32x512xf32>
    %broadcast_in_dim3A_474 = vector.shape_cast %squeeze3A_473 : vector<32x512xf32> to vector<32x1x512xf32>
    %mul3A_475 = vector.broadcast %broadcast_in_dim3A_471 : vector<32x6x1xf32> to vector<32x6x512xf32>
    %mul3A_476 = vector.broadcast %broadcast_in_dim3A_474 : vector<32x1x512xf32> to vector<32x6x512xf32>
    %mul3A_477 = arith.mulf %mul3A_475, %mul3A_476 : vector<32x6x512xf32>
    %add3A_478 = arith.addf %add3A_468, %mul3A_477 : vector<32x6x512xf32>
    %slice3A_479 = vector.extract_strided_slice %reshape3A_5 {offsets = [0, 7, 0, 5], sizes = [32, 1, 6, 1], strides = [1, 1, 1, 1]} : vector<32x8x6x6xf32> to vector<32x1x6x1xf32>
    %squeeze3A_480 = vector.shape_cast %slice3A_479 : vector<32x1x6x1xf32> to vector<32x6xf32>
    %broadcast_in_dim3A_481 = vector.shape_cast %squeeze3A_480 : vector<32x6xf32> to vector<32x6x1xf32>
    %slice3A_482 = vector.extract_strided_slice %reshape3A {offsets = [0, 7, 2560], sizes = [32, 1, 512], strides = [1, 1, 1]} : vector<32x8x3072xf32> to vector<32x1x512xf32>
    %squeeze3A_483 = vector.shape_cast %slice3A_482 : vector<32x1x512xf32> to vector<32x512xf32>
    %broadcast_in_dim3A_484 = vector.shape_cast %squeeze3A_483 : vector<32x512xf32> to vector<32x1x512xf32>
    %mul3A_485 = vector.broadcast %broadcast_in_dim3A_481 : vector<32x6x1xf32> to vector<32x6x512xf32>
    %mul3A_486 = vector.broadcast %broadcast_in_dim3A_484 : vector<32x1x512xf32> to vector<32x6x512xf32>
    %mul3A_487 = arith.mulf %mul3A_485, %mul3A_486 : vector<32x6x512xf32>
    %add3A_488 = arith.addf %add3A_478, %mul3A_487 : vector<32x6x512xf32>
    %tanh3A = math.tanh %add3A_488 : vector<32x6x512xf32>
    %get3A_489 = arith.constant 0 : index
    %get3A_490 = arith.constant 0 : index
    %get3A_491 = vector.load %arg4[%get3A_489, %get3A_490] : memref<32x6xf32, #tpu.memory_space<vmem>>, vector<32x6xf32>
    %broadcast_in_dim3A_492 = vector.shape_cast %get3A_491 : vector<32x6xf32> to vector<32x6x1xf32>
    %get3A_493 = arith.constant 0 : index
    %get3A_494 = arith.constant 0 : index
    %get3A_495 = vector.load %arg5[%get3A_493, %get3A_494] : memref<32x6xf32, #tpu.memory_space<vmem>>, vector<32x6xf32>
    %broadcast_in_dim3A_496 = vector.shape_cast %get3A_495 : vector<32x6xf32> to vector<32x6x1xf32>
    %reduce_sum3A = arith.constant dense<0.000000e+00> : vector<32x6xf32>
    %reduce_sum3A_497 = vector.multi_reduction <add>, %tanh3A, %reduce_sum3A [2] : vector<32x6x512xf32> to vector<32x6xf32>
    %broadcast_in_dim3A_498 = vector.shape_cast %reduce_sum3A_497 : vector<32x6xf32> to vector<32x6x1xf32>
    %div3A = arith.constant 5.120000e+02 : f32
    %div3A_499 = vector.broadcast %div3A : f32 to vector<32x6x1xf32>
    %div3A_500 = arith.divf %broadcast_in_dim3A_498, %div3A_499 : vector<32x6x1xf32>
    %sub3A = vector.broadcast %div3A_500 : vector<32x6x1xf32> to vector<32x6x512xf32>
    %sub3A_501 = arith.subf %tanh3A, %sub3A : vector<32x6x512xf32>
    %mul3A_502 = arith.mulf %sub3A_501, %sub3A_501 : vector<32x6x512xf32>
    %reduce_sum3A_503 = arith.constant dense<0.000000e+00> : vector<32x6xf32>
    %reduce_sum3A_504 = vector.multi_reduction <add>, %mul3A_502, %reduce_sum3A_503 [2] : vector<32x6x512xf32> to vector<32x6xf32>
    %broadcast_in_dim3A_505 = vector.shape_cast %reduce_sum3A_504 : vector<32x6xf32> to vector<32x6x1xf32>
    %div3A_506 = arith.constant 5.120000e+02 : f32
    %div3A_507 = vector.broadcast %div3A_506 : f32 to vector<32x6x1xf32>
    %div3A_508 = arith.divf %broadcast_in_dim3A_505, %div3A_507 : vector<32x6x1xf32>
    %mul3A_509 = vector.broadcast %broadcast_in_dim3A_492 : vector<32x6x1xf32> to vector<32x6x512xf32>
    %mul3A_510 = arith.mulf %mul3A_509, %sub3A_501 : vector<32x6x512xf32>
    %add3A_511 = arith.constant 9.99999974E-6 : f32
    %add3A_512 = vector.broadcast %add3A_511 : f32 to vector<32x6x1xf32>
    %add3A_513 = arith.addf %div3A_508, %add3A_512 : vector<32x6x1xf32>
    %rsqrt3A = math.rsqrt %add3A_513 : vector<32x6x1xf32>
    %mul3A_514 = vector.broadcast %rsqrt3A : vector<32x6x1xf32> to vector<32x6x512xf32>
    %mul3A_515 = arith.mulf %mul3A_510, %mul3A_514 : vector<32x6x512xf32>
    %add3A_516 = vector.broadcast %broadcast_in_dim3A_496 : vector<32x6x1xf32> to vector<32x6x512xf32>
    %add3A_517 = arith.addf %mul3A_515, %add3A_516 : vector<32x6x512xf32>
    %reshape3A_518 = vector.shape_cast %add3A_517 : vector<32x6x512xf32> to vector<192x512xf32>
    %swap3A = arith.constant 0 : index
    %swap3A_519 = arith.constant 0 : index
    %swap3A_520 = vector.load %arg6[%swap3A, %swap3A_519] : memref<192x512xf32, #tpu.memory_space<vmem>>, vector<192x512xf32>
    tpu.vector_store %arg6[%swap3A, %swap3A_519], %reshape3A_518 {strides = array<i32>} : memref<192x512xf32, #tpu.memory_space<vmem>>, vector<192x512xf32>,
    return
  }
  func.func @transform_0(%arg0: i32) -> (i32, i32) {
    %c0_i32 = arith.constant 0 : i32
    %c0_i32_0 = arith.constant 0 : i32
    return %arg0, %c0_i32 : i32, i32
  }
  func.func @transform_1(%arg0: i32) -> (i32, i32) {
    %c0_i32 = arith.constant 0 : i32
    %c0_i32_0 = arith.constant 0 : i32
    return %arg0, %c0_i32 : i32, i32
  }
  func.func @transform_2(%arg0: i32) -> (i32, i32) {
    %c0_i32 = arith.constant 0 : i32
    %c0_i32_0 = arith.constant 0 : i32
    return %arg0, %c0_i32 : i32, i32
  }
  func.func @transform_3(%arg0: i32) -> (i32, i32) {
    %c0_i32 = arith.constant 0 : i32
    %c0_i32_0 = arith.constant 0 : i32
    return %arg0, %c0_i32 : i32, i32
  }
  func.func @transform_4(%arg0: i32) -> (i32, i32) {
    %c0_i32 = arith.constant 0 : i32
    %c0_i32_0 = arith.constant 0 : i32
    return %arg0, %c0_i32 : i32, i32
  }
  func.func @transform_5(%arg0: i32) -> (i32, i32) {
    %c0_i32 = arith.constant 0 : i32
    %c0_i32_0 = arith.constant 0 : i32
    return %arg0, %c0_i32 : i32, i32
  }
}

module attributes {stable_mosaic.version = 14 : i64} {
  func.func @_head_body(%arg0: memref<1536x512xf32, #tpu.memory_space<vmem>>, %arg1: memref<2048x512xf32, #tpu.memory_space<vmem>>, %arg2: memref<6x1536xf32, #tpu.memory_space<vmem>>, %arg3: memref<6x1xf32, #tpu.memory_space<vmem>>, %arg4: memref<6x1xf32, #tpu.memory_space<vmem>>, %arg5: memref<6x1xf32, #tpu.memory_space<vmem>>, %arg6: memref<100x2048xf32, #tpu.memory_space<vmem>>, %arg7: memref<100x1xf32, #tpu.memory_space<vmem>>, %arg8: memref<100x1xf32, #tpu.memory_space<vmem>>, %arg9: memref<100x1xf32, #tpu.memory_space<vmem>>, %arg10: memref<50x100xf32, #tpu.memory_space<vmem>>, %arg11: memref<50x1xf32, #tpu.memory_space<vmem>>, %arg12: memref<50x1xf32, #tpu.memory_space<vmem>>, %arg13: memref<50x1xf32, #tpu.memory_space<vmem>>, %arg14: memref<6x50xf32, #tpu.memory_space<vmem>>, %arg15: memref<6x1xf32, #tpu.memory_space<vmem>>, %arg16: memref<6x1xf32, #tpu.memory_space<vmem>>, %arg17: memref<6x1xf32, #tpu.memory_space<vmem>>, %arg18: memref<6x12xf32, #tpu.memory_space<vmem>>, %arg19: memref<6x1xf32, #tpu.memory_space<vmem>>, %arg20: memref<6x1xf32, #tpu.memory_space<vmem>>, %arg21: memref<6x1xf32, #tpu.memory_space<vmem>>, %arg22: memref<1x6xf32, #tpu.memory_space<vmem>>, %arg23: memref<1x1xf32, #tpu.memory_space<vmem>>, %arg24: memref<1x1xf32, #tpu.memory_space<vmem>>, %arg25: memref<1x1xf32, #tpu.memory_space<vmem>>, %arg26: memref<1x512xf32, #tpu.memory_space<vmem>>) attributes {dimension_semantics = [], scalar_prefetch = 0 : i64, scratch_operands = 0 : i64, tpu.core_type = #tpu.core_type<tc>} {
    %get3A = arith.constant 0 : index
    %get3A_0 = arith.constant 0 : index
    %get3A_1 = vector.load %arg2[%get3A, %get3A_0] : memref<6x1536xf32, #tpu.memory_space<vmem>>, vector<6x1536xf32>
    %get3A_2 = arith.constant 0 : index
    %get3A_3 = arith.constant 0 : index
    %get3A_4 = vector.load %arg0[%get3A_2, %get3A_3] : memref<1536x512xf32, #tpu.memory_space<vmem>>, vector<1536x512xf32>
    %dot_general3A = arith.constant dense<0.000000e+00> : vector<6x512xf32>
    %dot_general3A_5 = tpu.matmul %get3A_1, %get3A_4, %dot_general3A {dimension_numbers = #tpu.dot_dimension_numbers<[1], [0], [0], [1], [0, 0, 1, 1], [], []>, precision = #tpu.contract_precision<fp32>, transpose_lhs_hint = false} : vector<6x1536xf32>, vector<1536x512xf32>, vector<6x512xf32> -> vector<6x512xf32>
    %get3A_6 = arith.constant 0 : index
    %get3A_7 = arith.constant 0 : index
    %get3A_8 = vector.load %arg3[%get3A_6, %get3A_7] : memref<6x1xf32, #tpu.memory_space<vmem>>, vector<6x1xf32>
    %add3A = vector.broadcast %get3A_8 : vector<6x1xf32> to vector<6x512xf32>
    %add3A_9 = arith.addf %dot_general3A_5, %add3A : vector<6x512xf32>
    %tanh3A = math.tanh %add3A_9 : vector<6x512xf32>
    %get3A_10 = arith.constant 0 : index
    %get3A_11 = arith.constant 0 : index
    %get3A_12 = vector.load %arg4[%get3A_10, %get3A_11] : memref<6x1xf32, #tpu.memory_space<vmem>>, vector<6x1xf32>
    %get3A_13 = arith.constant 0 : index
    %get3A_14 = arith.constant 0 : index
    %get3A_15 = vector.load %arg5[%get3A_13, %get3A_14] : memref<6x1xf32, #tpu.memory_space<vmem>>, vector<6x1xf32>
    %reduce_sum3A = arith.constant dense<0.000000e+00> : vector<6xf32>
    %reduce_sum3A_16 = vector.multi_reduction <add>, %tanh3A, %reduce_sum3A [1] : vector<6x512xf32> to vector<6xf32>
    %broadcast_in_dim3A = vector.shape_cast %reduce_sum3A_16 : vector<6xf32> to vector<6x1xf32>
    %div3A = arith.constant 5.120000e+02 : f32
    %div3A_17 = vector.broadcast %div3A : f32 to vector<6x1xf32>
    %div3A_18 = arith.divf %broadcast_in_dim3A, %div3A_17 : vector<6x1xf32>
    %sub3A = vector.broadcast %div3A_18 : vector<6x1xf32> to vector<6x512xf32>
    %sub3A_19 = arith.subf %tanh3A, %sub3A : vector<6x512xf32>
    %mul3A = arith.mulf %sub3A_19, %sub3A_19 : vector<6x512xf32>
    %reduce_sum3A_20 = arith.constant dense<0.000000e+00> : vector<6xf32>
    %reduce_sum3A_21 = vector.multi_reduction <add>, %mul3A, %reduce_sum3A_20 [1] : vector<6x512xf32> to vector<6xf32>
    %broadcast_in_dim3A_22 = vector.shape_cast %reduce_sum3A_21 : vector<6xf32> to vector<6x1xf32>
    %div3A_23 = arith.constant 5.120000e+02 : f32
    %div3A_24 = vector.broadcast %div3A_23 : f32 to vector<6x1xf32>
    %div3A_25 = arith.divf %broadcast_in_dim3A_22, %div3A_24 : vector<6x1xf32>
    %mul3A_26 = vector.broadcast %get3A_12 : vector<6x1xf32> to vector<6x512xf32>
    %mul3A_27 = arith.mulf %mul3A_26, %sub3A_19 : vector<6x512xf32>
    %add3A_28 = arith.constant 9.99999974E-6 : f32
    %add3A_29 = vector.broadcast %add3A_28 : f32 to vector<6x1xf32>
    %add3A_30 = arith.addf %div3A_25, %add3A_29 : vector<6x1xf32>
    %rsqrt3A = math.rsqrt %add3A_30 : vector<6x1xf32>
    %mul3A_31 = vector.broadcast %rsqrt3A : vector<6x1xf32> to vector<6x512xf32>
    %mul3A_32 = arith.mulf %mul3A_27, %mul3A_31 : vector<6x512xf32>
    %add3A_33 = vector.broadcast %get3A_15 : vector<6x1xf32> to vector<6x512xf32>
    %add3A_34 = arith.addf %mul3A_32, %add3A_33 : vector<6x512xf32>
    %get3A_35 = arith.constant 0 : index
    %get3A_36 = arith.constant 0 : index
    %get3A_37 = vector.load %arg1[%get3A_35, %get3A_36] : memref<2048x512xf32, #tpu.memory_space<vmem>>, vector<2048x512xf32>
    %get3A_38 = arith.constant 0 : index
    %get3A_39 = arith.constant 0 : index
    %get3A_40 = vector.load %arg6[%get3A_38, %get3A_39] : memref<100x2048xf32, #tpu.memory_space<vmem>>, vector<100x2048xf32>
    %dot_general3A_41 = arith.constant dense<0.000000e+00> : vector<100x512xf32>
    %dot_general3A_42 = tpu.matmul %get3A_40, %get3A_37, %dot_general3A_41 {dimension_numbers = #tpu.dot_dimension_numbers<[1], [0], [0], [1], [0, 0, 1, 1], [], []>, precision = #tpu.contract_precision<fp32>, transpose_lhs_hint = false} : vector<100x2048xf32>, vector<2048x512xf32>, vector<100x512xf32> -> vector<100x512xf32>
    %get3A_43 = arith.constant 0 : index
    %get3A_44 = arith.constant 0 : index
    %get3A_45 = vector.load %arg7[%get3A_43, %get3A_44] : memref<100x1xf32, #tpu.memory_space<vmem>>, vector<100x1xf32>
    %add3A_46 = vector.broadcast %get3A_45 : vector<100x1xf32> to vector<100x512xf32>
    %add3A_47 = arith.addf %dot_general3A_42, %add3A_46 : vector<100x512xf32>
    %tanh3A_48 = math.tanh %add3A_47 : vector<100x512xf32>
    %get3A_49 = arith.constant 0 : index
    %get3A_50 = arith.constant 0 : index
    %get3A_51 = vector.load %arg8[%get3A_49, %get3A_50] : memref<100x1xf32, #tpu.memory_space<vmem>>, vector<100x1xf32>
    %get3A_52 = arith.constant 0 : index
    %get3A_53 = arith.constant 0 : index
    %get3A_54 = vector.load %arg9[%get3A_52, %get3A_53] : memref<100x1xf32, #tpu.memory_space<vmem>>, vector<100x1xf32>
    %reduce_sum3A_55 = arith.constant dense<0.000000e+00> : vector<100xf32>
    %reduce_sum3A_56 = vector.multi_reduction <add>, %tanh3A_48, %reduce_sum3A_55 [1] : vector<100x512xf32> to vector<100xf32>
    %broadcast_in_dim3A_57 = vector.shape_cast %reduce_sum3A_56 : vector<100xf32> to vector<100x1xf32>
    %div3A_58 = arith.constant 5.120000e+02 : f32
    %div3A_59 = vector.broadcast %div3A_58 : f32 to vector<100x1xf32>
    %div3A_60 = arith.divf %broadcast_in_dim3A_57, %div3A_59 : vector<100x1xf32>
    %sub3A_61 = vector.broadcast %div3A_60 : vector<100x1xf32> to vector<100x512xf32>
    %sub3A_62 = arith.subf %tanh3A_48, %sub3A_61 : vector<100x512xf32>
    %mul3A_63 = arith.mulf %sub3A_62, %sub3A_62 : vector<100x512xf32>
    %reduce_sum3A_64 = arith.constant dense<0.000000e+00> : vector<100xf32>
    %reduce_sum3A_65 = vector.multi_reduction <add>, %mul3A_63, %reduce_sum3A_64 [1] : vector<100x512xf32> to vector<100xf32>
    %broadcast_in_dim3A_66 = vector.shape_cast %reduce_sum3A_65 : vector<100xf32> to vector<100x1xf32>
    %div3A_67 = arith.constant 5.120000e+02 : f32
    %div3A_68 = vector.broadcast %div3A_67 : f32 to vector<100x1xf32>
    %div3A_69 = arith.divf %broadcast_in_dim3A_66, %div3A_68 : vector<100x1xf32>
    %mul3A_70 = vector.broadcast %get3A_51 : vector<100x1xf32> to vector<100x512xf32>
    %mul3A_71 = arith.mulf %mul3A_70, %sub3A_62 : vector<100x512xf32>
    %add3A_72 = arith.constant 9.99999974E-6 : f32
    %add3A_73 = vector.broadcast %add3A_72 : f32 to vector<100x1xf32>
    %add3A_74 = arith.addf %div3A_69, %add3A_73 : vector<100x1xf32>
    %rsqrt3A_75 = math.rsqrt %add3A_74 : vector<100x1xf32>
    %mul3A_76 = vector.broadcast %rsqrt3A_75 : vector<100x1xf32> to vector<100x512xf32>
    %mul3A_77 = arith.mulf %mul3A_71, %mul3A_76 : vector<100x512xf32>
    %add3A_78 = vector.broadcast %get3A_54 : vector<100x1xf32> to vector<100x512xf32>
    %add3A_79 = arith.addf %mul3A_77, %add3A_78 : vector<100x512xf32>
    %get3A_80 = arith.constant 0 : index
    %get3A_81 = arith.constant 0 : index
    %get3A_82 = vector.load %arg10[%get3A_80, %get3A_81] : memref<50x100xf32, #tpu.memory_space<vmem>>, vector<50x100xf32>
    %dot_general3A_83 = arith.constant dense<0.000000e+00> : vector<50x512xf32>
    %dot_general3A_84 = tpu.matmul %get3A_82, %add3A_79, %dot_general3A_83 {dimension_numbers = #tpu.dot_dimension_numbers<[1], [0], [0], [1], [0, 0, 1, 1], [], []>, precision = #tpu.contract_precision<fp32>, transpose_lhs_hint = false} : vector<50x100xf32>, vector<100x512xf32>, vector<50x512xf32> -> vector<50x512xf32>
    %get3A_85 = arith.constant 0 : index
    %get3A_86 = arith.constant 0 : index
    %get3A_87 = vector.load %arg11[%get3A_85, %get3A_86] : memref<50x1xf32, #tpu.memory_space<vmem>>, vector<50x1xf32>
    %add3A_88 = vector.broadcast %get3A_87 : vector<50x1xf32> to vector<50x512xf32>
    %add3A_89 = arith.addf %dot_general3A_84, %add3A_88 : vector<50x512xf32>
    %tanh3A_90 = math.tanh %add3A_89 : vector<50x512xf32>
    %get3A_91 = arith.constant 0 : index
    %get3A_92 = arith.constant 0 : index
    %get3A_93 = vector.load %arg12[%get3A_91, %get3A_92] : memref<50x1xf32, #tpu.memory_space<vmem>>, vector<50x1xf32>
    %get3A_94 = arith.constant 0 : index
    %get3A_95 = arith.constant 0 : index
    %get3A_96 = vector.load %arg13[%get3A_94, %get3A_95] : memref<50x1xf32, #tpu.memory_space<vmem>>, vector<50x1xf32>
    %reduce_sum3A_97 = arith.constant dense<0.000000e+00> : vector<50xf32>
    %reduce_sum3A_98 = vector.multi_reduction <add>, %tanh3A_90, %reduce_sum3A_97 [1] : vector<50x512xf32> to vector<50xf32>
    %broadcast_in_dim3A_99 = vector.shape_cast %reduce_sum3A_98 : vector<50xf32> to vector<50x1xf32>
    %div3A_100 = arith.constant 5.120000e+02 : f32
    %div3A_101 = vector.broadcast %div3A_100 : f32 to vector<50x1xf32>
    %div3A_102 = arith.divf %broadcast_in_dim3A_99, %div3A_101 : vector<50x1xf32>
    %sub3A_103 = vector.broadcast %div3A_102 : vector<50x1xf32> to vector<50x512xf32>
    %sub3A_104 = arith.subf %tanh3A_90, %sub3A_103 : vector<50x512xf32>
    %mul3A_105 = arith.mulf %sub3A_104, %sub3A_104 : vector<50x512xf32>
    %reduce_sum3A_106 = arith.constant dense<0.000000e+00> : vector<50xf32>
    %reduce_sum3A_107 = vector.multi_reduction <add>, %mul3A_105, %reduce_sum3A_106 [1] : vector<50x512xf32> to vector<50xf32>
    %broadcast_in_dim3A_108 = vector.shape_cast %reduce_sum3A_107 : vector<50xf32> to vector<50x1xf32>
    %div3A_109 = arith.constant 5.120000e+02 : f32
    %div3A_110 = vector.broadcast %div3A_109 : f32 to vector<50x1xf32>
    %div3A_111 = arith.divf %broadcast_in_dim3A_108, %div3A_110 : vector<50x1xf32>
    %mul3A_112 = vector.broadcast %get3A_93 : vector<50x1xf32> to vector<50x512xf32>
    %mul3A_113 = arith.mulf %mul3A_112, %sub3A_104 : vector<50x512xf32>
    %add3A_114 = arith.constant 9.99999974E-6 : f32
    %add3A_115 = vector.broadcast %add3A_114 : f32 to vector<50x1xf32>
    %add3A_116 = arith.addf %div3A_111, %add3A_115 : vector<50x1xf32>
    %rsqrt3A_117 = math.rsqrt %add3A_116 : vector<50x1xf32>
    %mul3A_118 = vector.broadcast %rsqrt3A_117 : vector<50x1xf32> to vector<50x512xf32>
    %mul3A_119 = arith.mulf %mul3A_113, %mul3A_118 : vector<50x512xf32>
    %add3A_120 = vector.broadcast %get3A_96 : vector<50x1xf32> to vector<50x512xf32>
    %add3A_121 = arith.addf %mul3A_119, %add3A_120 : vector<50x512xf32>
    %get3A_122 = arith.constant 0 : index
    %get3A_123 = arith.constant 0 : index
    %get3A_124 = vector.load %arg14[%get3A_122, %get3A_123] : memref<6x50xf32, #tpu.memory_space<vmem>>, vector<6x50xf32>
    %dot_general3A_125 = arith.constant dense<0.000000e+00> : vector<6x512xf32>
    %dot_general3A_126 = tpu.matmul %get3A_124, %add3A_121, %dot_general3A_125 {dimension_numbers = #tpu.dot_dimension_numbers<[1], [0], [0], [1], [0, 0, 1, 1], [], []>, precision = #tpu.contract_precision<fp32>, transpose_lhs_hint = false} : vector<6x50xf32>, vector<50x512xf32>, vector<6x512xf32> -> vector<6x512xf32>
    %get3A_127 = arith.constant 0 : index
    %get3A_128 = arith.constant 0 : index
    %get3A_129 = vector.load %arg15[%get3A_127, %get3A_128] : memref<6x1xf32, #tpu.memory_space<vmem>>, vector<6x1xf32>
    %add3A_130 = vector.broadcast %get3A_129 : vector<6x1xf32> to vector<6x512xf32>
    %add3A_131 = arith.addf %dot_general3A_126, %add3A_130 : vector<6x512xf32>
    %tanh3A_132 = math.tanh %add3A_131 : vector<6x512xf32>
    %get3A_133 = arith.constant 0 : index
    %get3A_134 = arith.constant 0 : index
    %get3A_135 = vector.load %arg16[%get3A_133, %get3A_134] : memref<6x1xf32, #tpu.memory_space<vmem>>, vector<6x1xf32>
    %get3A_136 = arith.constant 0 : index
    %get3A_137 = arith.constant 0 : index
    %get3A_138 = vector.load %arg17[%get3A_136, %get3A_137] : memref<6x1xf32, #tpu.memory_space<vmem>>, vector<6x1xf32>
    %reduce_sum3A_139 = arith.constant dense<0.000000e+00> : vector<6xf32>
    %reduce_sum3A_140 = vector.multi_reduction <add>, %tanh3A_132, %reduce_sum3A_139 [1] : vector<6x512xf32> to vector<6xf32>
    %broadcast_in_dim3A_141 = vector.shape_cast %reduce_sum3A_140 : vector<6xf32> to vector<6x1xf32>
    %div3A_142 = arith.constant 5.120000e+02 : f32
    %div3A_143 = vector.broadcast %div3A_142 : f32 to vector<6x1xf32>
    %div3A_144 = arith.divf %broadcast_in_dim3A_141, %div3A_143 : vector<6x1xf32>
    %sub3A_145 = vector.broadcast %div3A_144 : vector<6x1xf32> to vector<6x512xf32>
    %sub3A_146 = arith.subf %tanh3A_132, %sub3A_145 : vector<6x512xf32>
    %mul3A_147 = arith.mulf %sub3A_146, %sub3A_146 : vector<6x512xf32>
    %reduce_sum3A_148 = arith.constant dense<0.000000e+00> : vector<6xf32>
    %reduce_sum3A_149 = vector.multi_reduction <add>, %mul3A_147, %reduce_sum3A_148 [1] : vector<6x512xf32> to vector<6xf32>
    %broadcast_in_dim3A_150 = vector.shape_cast %reduce_sum3A_149 : vector<6xf32> to vector<6x1xf32>
    %div3A_151 = arith.constant 5.120000e+02 : f32
    %div3A_152 = vector.broadcast %div3A_151 : f32 to vector<6x1xf32>
    %div3A_153 = arith.divf %broadcast_in_dim3A_150, %div3A_152 : vector<6x1xf32>
    %mul3A_154 = vector.broadcast %get3A_135 : vector<6x1xf32> to vector<6x512xf32>
    %mul3A_155 = arith.mulf %mul3A_154, %sub3A_146 : vector<6x512xf32>
    %add3A_156 = arith.constant 9.99999974E-6 : f32
    %add3A_157 = vector.broadcast %add3A_156 : f32 to vector<6x1xf32>
    %add3A_158 = arith.addf %div3A_153, %add3A_157 : vector<6x1xf32>
    %rsqrt3A_159 = math.rsqrt %add3A_158 : vector<6x1xf32>
    %mul3A_160 = vector.broadcast %rsqrt3A_159 : vector<6x1xf32> to vector<6x512xf32>
    %mul3A_161 = arith.mulf %mul3A_155, %mul3A_160 : vector<6x512xf32>
    %add3A_162 = vector.broadcast %get3A_138 : vector<6x1xf32> to vector<6x512xf32>
    %add3A_163 = arith.addf %mul3A_161, %add3A_162 : vector<6x512xf32>
    %concatenate3A = tpu.concatenate %add3A_34, %add3A_163 in 0 : vector<6x512xf32>, vector<6x512xf32> -> vector<12x512xf32>
    %get3A_164 = arith.constant 0 : index
    %get3A_165 = arith.constant 0 : index
    %get3A_166 = vector.load %arg18[%get3A_164, %get3A_165] : memref<6x12xf32, #tpu.memory_space<vmem>>, vector<6x12xf32>
    %dot_general3A_167 = arith.constant dense<0.000000e+00> : vector<6x512xf32>
    %dot_general3A_168 = tpu.matmul %get3A_166, %concatenate3A, %dot_general3A_167 {dimension_numbers = #tpu.dot_dimension_numbers<[1], [0], [0], [1], [0, 0, 1, 1], [], []>, precision = #tpu.contract_precision<fp32>, transpose_lhs_hint = false} : vector<6x12xf32>, vector<12x512xf32>, vector<6x512xf32> -> vector<6x512xf32>
    %get3A_169 = arith.constant 0 : index
    %get3A_170 = arith.constant 0 : index
    %get3A_171 = vector.load %arg19[%get3A_169, %get3A_170] : memref<6x1xf32, #tpu.memory_space<vmem>>, vector<6x1xf32>
    %add3A_172 = vector.broadcast %get3A_171 : vector<6x1xf32> to vector<6x512xf32>
    %add3A_173 = arith.addf %dot_general3A_168, %add3A_172 : vector<6x512xf32>
    %tanh3A_174 = math.tanh %add3A_173 : vector<6x512xf32>
    %get3A_175 = arith.constant 0 : index
    %get3A_176 = arith.constant 0 : index
    %get3A_177 = vector.load %arg20[%get3A_175, %get3A_176] : memref<6x1xf32, #tpu.memory_space<vmem>>, vector<6x1xf32>
    %get3A_178 = arith.constant 0 : index
    %get3A_179 = arith.constant 0 : index
    %get3A_180 = vector.load %arg21[%get3A_178, %get3A_179] : memref<6x1xf32, #tpu.memory_space<vmem>>, vector<6x1xf32>
    %reduce_sum3A_181 = arith.constant dense<0.000000e+00> : vector<6xf32>
    %reduce_sum3A_182 = vector.multi_reduction <add>, %tanh3A_174, %reduce_sum3A_181 [1] : vector<6x512xf32> to vector<6xf32>
    %broadcast_in_dim3A_183 = vector.shape_cast %reduce_sum3A_182 : vector<6xf32> to vector<6x1xf32>
    %div3A_184 = arith.constant 5.120000e+02 : f32
    %div3A_185 = vector.broadcast %div3A_184 : f32 to vector<6x1xf32>
    %div3A_186 = arith.divf %broadcast_in_dim3A_183, %div3A_185 : vector<6x1xf32>
    %sub3A_187 = vector.broadcast %div3A_186 : vector<6x1xf32> to vector<6x512xf32>
    %sub3A_188 = arith.subf %tanh3A_174, %sub3A_187 : vector<6x512xf32>
    %mul3A_189 = arith.mulf %sub3A_188, %sub3A_188 : vector<6x512xf32>
    %reduce_sum3A_190 = arith.constant dense<0.000000e+00> : vector<6xf32>
    %reduce_sum3A_191 = vector.multi_reduction <add>, %mul3A_189, %reduce_sum3A_190 [1] : vector<6x512xf32> to vector<6xf32>
    %broadcast_in_dim3A_192 = vector.shape_cast %reduce_sum3A_191 : vector<6xf32> to vector<6x1xf32>
    %div3A_193 = arith.constant 5.120000e+02 : f32
    %div3A_194 = vector.broadcast %div3A_193 : f32 to vector<6x1xf32>
    %div3A_195 = arith.divf %broadcast_in_dim3A_192, %div3A_194 : vector<6x1xf32>
    %mul3A_196 = vector.broadcast %get3A_177 : vector<6x1xf32> to vector<6x512xf32>
    %mul3A_197 = arith.mulf %mul3A_196, %sub3A_188 : vector<6x512xf32>
    %add3A_198 = arith.constant 9.99999974E-6 : f32
    %add3A_199 = vector.broadcast %add3A_198 : f32 to vector<6x1xf32>
    %add3A_200 = arith.addf %div3A_195, %add3A_199 : vector<6x1xf32>
    %rsqrt3A_201 = math.rsqrt %add3A_200 : vector<6x1xf32>
    %mul3A_202 = vector.broadcast %rsqrt3A_201 : vector<6x1xf32> to vector<6x512xf32>
    %mul3A_203 = arith.mulf %mul3A_197, %mul3A_202 : vector<6x512xf32>
    %add3A_204 = vector.broadcast %get3A_180 : vector<6x1xf32> to vector<6x512xf32>
    %add3A_205 = arith.addf %mul3A_203, %add3A_204 : vector<6x512xf32>
    %get3A_206 = arith.constant 0 : index
    %get3A_207 = arith.constant 0 : index
    %get3A_208 = vector.load %arg22[%get3A_206, %get3A_207] : memref<1x6xf32, #tpu.memory_space<vmem>>, vector<1x6xf32>
    %dot_general3A_209 = arith.constant dense<0.000000e+00> : vector<1x512xf32>
    %dot_general3A_210 = tpu.matmul %get3A_208, %add3A_205, %dot_general3A_209 {dimension_numbers = #tpu.dot_dimension_numbers<[1], [0], [0], [1], [0, 0, 1, 1], [], []>, precision = #tpu.contract_precision<fp32>, transpose_lhs_hint = false} : vector<1x6xf32>, vector<6x512xf32>, vector<1x512xf32> -> vector<1x512xf32>
    %get3A_211 = arith.constant 0 : index
    %get3A_212 = arith.constant 0 : index
    %get3A_213 = vector.load %arg23[%get3A_211, %get3A_212] : memref<1x1xf32, #tpu.memory_space<vmem>>, vector<1x1xf32>
    %add3A_214 = vector.broadcast %get3A_213 : vector<1x1xf32> to vector<1x512xf32>
    %add3A_215 = arith.addf %dot_general3A_210, %add3A_214 : vector<1x512xf32>
    %tanh3A_216 = math.tanh %add3A_215 : vector<1x512xf32>
    %get3A_217 = arith.constant 0 : index
    %get3A_218 = arith.constant 0 : index
    %get3A_219 = vector.load %arg24[%get3A_217, %get3A_218] : memref<1x1xf32, #tpu.memory_space<vmem>>, vector<1x1xf32>
    %get3A_220 = vector.extract %get3A_219[0, 0] : f32 from vector<1x1xf32>
    %mul3A_221 = vector.broadcast %get3A_220 : f32 to vector<1x512xf32>
    %mul3A_222 = arith.mulf %mul3A_221, %tanh3A_216 : vector<1x512xf32>
    %get3A_223 = arith.constant 0 : index
    %get3A_224 = arith.constant 0 : index
    %get3A_225 = vector.load %arg25[%get3A_223, %get3A_224] : memref<1x1xf32, #tpu.memory_space<vmem>>, vector<1x1xf32>
    %get3A_226 = vector.extract %get3A_225[0, 0] : f32 from vector<1x1xf32>
    %add3A_227 = vector.broadcast %get3A_226 : f32 to vector<1x512xf32>
    %add3A_228 = arith.addf %mul3A_222, %add3A_227 : vector<1x512xf32>
    %swap3A = arith.constant 0 : index
    %swap3A_229 = arith.constant 0 : index
    %swap3A_230 = vector.load %arg26[%swap3A, %swap3A_229] : memref<1x512xf32, #tpu.memory_space<vmem>>, vector<1x512xf32>
    tpu.vector_store %arg26[%swap3A, %swap3A_229], %add3A_228 {strides = array<i32>} : memref<1x512xf32, #tpu.memory_space<vmem>>, vector<1x512xf32>,
    return
  }
}

</mosaic_0001>

<sc_bundles>
// kernel: kernel.10.cloned.1.call-start
scs
__scs_entry_jumppad:
0x0: {  	(pc) =	sbr.rel $0x88, $3  }
0x1: {  	(tag) =	ssettag $0x0;
	lr =	simm.s32 $0x1  }
0x2: {  	[smem:$0x3F7E] =	sst lr;
	_ =	strace $0xD0000000  }
0x3: {  	_ = 	snop  }
0x4: {  	_ = 	snop  }
0x5: {  	_ = 	snop  }
0x6: {  	_ = 	snop  }
0x7: {  	_ = 	snop  }
__scs_overlays_trampoline_lowered:
0x8: {  	[smem:$0x3F8D] =	sst s0  }
0x9: {  	[smem:$0x3F8E] =	sst s1  }
0xa: {  	[smem:$0x3F8F] =	sst s2  }
0xb: {  	[smem:$0x3F90] =	sst s3  }
0xc: {  	[smem:$0x3F91] =	sst s4  }
0xd: {  	[smem:$0x3F92] =	sst s5  }
0xe: {  	[smem:$0x3F93] =	sst s6  }
0xf: {  	[smem:$0x3F94] =	sst s7  }
0x10: {  	[smem:$0x3F95] =	sst s8  }
0x11: {  	[smem:$0x3F96] =	sst s9;
	s0 =	simm.s32 @!p0 $0x0  }
0x12: {  	s1 =	sld [smem:$0x3F7C];
	s0 =	simm.s32 @p0 $0x1  }
0x13: {  	[smem:$0x3F97] =	sst s0;
	s0 =	simm.s32 @!p1 $0x0  }
0x14: {  	s2 =	sld [smem:$0x3F7B];
	s0 =	simm.s32 @p1 $0x1  }
0x15: {  	[smem:$0x3F98] =	sst s0;
	s0 =	simm.s32 @!p2 $0x0  }
0x16: {  	s3 =	sld [smem:$0x3FDB];
	s0 =	simm.s32 @p2 $0x1  }
0x17: {  	s4 =	simm.s32 $0x1BF5;
	[smem:$0x3F9A] =	sst s0  }
0x18: {  	s0 =	sld [smem:$0x3F7D];
	_ =	swait.ge [sflag:s4], $0x0  }
0x19: {  	s7 =	sld [smem:$0x3F7E]  }
0x1a: {  	s8 =	sadd.s32 $0xFFFFE003, lr  }
0x1b: {  	s9 =	sadd.s32 $0xFFFFFEF7, lr;
	s5 =	simm.s32 $0xFFFFFFFF;
	p2 =	slt.u32 s8, $0xFFFFF086  }
0x1c: {  	p1 =	slt.u32 s9, $0xF7A;
	s5 =	simm.s32 @!p2 $0x0  }
0x1d: {  	s5 =	simm.s32 @p1 $0x1;
	p0 =	seq.s32 s7, s2  }
0x1e: {  	s7 =	smul.u32 @!p0 $0xF7A, s2;
	p2 =	seq.s32 @!p0 s5, $0x0  }
0x1f: {  	s9 =	smul.u32 $0xF7A, s1;
	s8 =	simm.s32 @!p0 $0x1BF5;
	p2 =	por !p2, p0  }
0x20: {  	[sflag:s8] =	ssyncset.s32 @!p0 $0xFFFFF086;
	s6 =	sadd.s32 @!p0 s3, s7;
	s7 =	simm.s32 @!p0 $0x108  }
0x21: {  	s3 =	sadd.s32 s3, s9;
	s6 =	sadd.s32 @!p0 $0x88, s6;
	s7 =	simm.s32 @p2 $0x1082  }
0x22: {  	[simem:s7], [sflag:s8] =	dma.local @!p0 [hbm:s6], $0xF7A  }
0x23: {  	s9 =	sor.u32 $0xD0000000, s2;
	s6 =	simm.s32 $0x108;
	_ =	swait.ge @!p0 [sflag:s8], $0x0  }
0x24: {  	s3 =	sadd.s32 $0x88, s3;
	s6 =	simm.s32 @!p1 $0x1082;
	[sflag:s4] =	ssyncset.s32 $0xFFFFF086  }
0x25: {  	[simem:s6], [sflag:s4] =	dma.local [hbm:s3], $0xF7A  }
0x26: {  	[smem:$0x3F7E] =	sst s1;
	(tag) =	ssettag s2;
	_ =	strace s9  }
0x27: {  	s1 =	sld [smem:$0x3F8E]  }
0x28: {  	s2 =	sld [smem:$0x3F8F]  }
0x29: {  	s4 =	sld [smem:$0x3F91]  }
0x2a: {  	p0 =	seq.s32 s5, $0x0;
	s5 =	sld [smem:$0x3F92]  }
0x2b: {  	s6 =	sld [smem:$0x3F93]  }
0x2c: {  	s7 =	sld [smem:$0x3F94]  }
0x2d: {  	s3 =	simm.s32 $0x108;
	s8 =	sld [smem:$0x3F95]  }
0x2e: {  	s3 =	simm.s32 @!p0 $0x1082;
	s9 =	sld [smem:$0x3F96]  }
0x2f: {  	lr =	sadd.s32 s0, s3;
	s0 =	sld [smem:$0x3F8D]  }
0x30: {  	s3 =	sld [smem:$0x3F90]  }
0x31: {  	[smem:$0x3F99] =	sst s10  }
0x32: {  	s10 =	sld [smem:$0x3F97];
	_ =	sdelay $0x3  }
0x33: {  	p0 =	seq.s32 s10, $0x1;
	s10 =	sld [smem:$0x3F99];
	_ =	sdelay $0x3  }
0x34: {  	[smem:$0x3F99] =	sst s10  }
0x35: {  	s10 =	sld [smem:$0x3F98];
	_ =	sdelay $0x3  }
0x36: {  	p1 =	seq.s32 s10, $0x1;
	s10 =	sld [smem:$0x3F99];
	_ =	sdelay $0x3  }
0x37: {  	[smem:$0x3F99] =	sst s10  }
0x38: {  	s10 =	sld [smem:$0x3F9A]  }
0x39: {  	_ = 	snop;
	(pc) =	sbr.ind lr, $3  }
0x3a: {  	_ = 	snop  }
0x3b: {  	_ = 	snop  }
0x3c: {  	p2 =	seq.s32 s10, $0x1;
	s10 =	sld [smem:$0x3F99]  }
0x3d: {  	_ =	shalt  }
0x3e: {  	_ =	shalt  }
0x3f: {  	_ =	shalt  }
0x40: {  	_ =	shalt  }
0x41: {  	_ =	shalt  }
0x42: {  	_ =	shalt  }
0x43: {  	_ =	shalt  }
0x44: {  	_ =	shalt  }
0x45: {  	_ =	shalt  }
0x46: {  	_ =	shalt  }
0x47: {  	_ =	shalt  }
0x48: {  	_ =	shalt  }
0x49: {  	_ =	shalt  }
0x4a: {  	_ =	shalt  }
0x4b: {  	_ =	shalt  }
0x4c: {  	_ =	shalt  }
0x4d: {  	_ =	shalt  }
0x4e: {  	_ =	shalt  }
0x4f: {  	_ =	shalt  }
0x50: {  	_ =	shalt  }
0x51: {  	_ =	shalt  }
0x52: {  	_ =	shalt  }
0x53: {  	_ =	shalt  }
0x54: {  	_ =	shalt  }
0x55: {  	_ =	shalt  }
0x56: {  	_ =	shalt  }
0x57: {  	_ =	shalt  }
0x58: {  	_ =	shalt  }
0x59: {  	_ =	shalt  }
0x5a: {  	_ =	shalt  }
0x5b: {  	_ =	shalt  }
0x5c: {  	_ =	shalt  }
0x5d: {  	_ =	shalt  }
0x5e: {  	_ =	shalt  }
0x5f: {  	_ =	shalt  }
0x60: {  	_ =	shalt  }
0x61: {  	_ =	shalt  }
0x62: {  	_ =	shalt  }
0x63: {  	_ =	shalt  }
0x64: {  	_ =	shalt  }
0x65: {  	_ =	shalt  }
0x66: {  	_ =	shalt  }
0x67: {  	_ =	shalt  }
0x68: {  	_ =	shalt  }
0x69: {  	_ =	shalt  }
0x6a: {  	_ =	shalt  }
0x6b: {  	_ =	shalt  }
0x6c: {  	_ =	shalt  }
0x6d: {  	_ =	shalt  }
0x6e: {  	_ =	shalt  }
0x6f: {  	_ =	shalt  }
0x70: {  	_ =	shalt  }
0x71: {  	_ =	shalt  }
0x72: {  	_ =	shalt  }
0x73: {  	_ =	shalt  }
0x74: {  	_ =	shalt  }
0x75: {  	_ =	shalt  }
0x76: {  	_ =	shalt  }
0x77: {  	_ =	shalt  }
0x78: {  	_ =	shalt  }
0x79: {  	_ =	shalt  }
0x7a: {  	_ =	shalt  }
0x7b: {  	_ =	shalt  }
0x7c: {  	_ =	shalt  }
0x7d: {  	_ =	shalt  }
0x7e: {  	_ =	shalt  }
0x7f: {  	_ =	shalt  }
0x80: {  	_ =	shalt  }
0x81: {  	_ =	shalt  }
0x82: {  	_ =	shalt  }
0x83: {  	_ =	shalt  }
0x84: {  	_ =	shalt  }
0x85: {  	_ =	shalt  }
0x86: {  	_ =	shalt  }
0x87: {  	_ =	shalt  }
.Lfunc_end0:
.L_simem_size_0:
called_computation.1_lowered:
.L_overlay_start_0:
0x88: {  	s2 =	sld [smem:$0x3FD9]  }
0x89: {  	s3 =	sld [smem:$0x3FFE];
	_ =	sdelay $0x1  }
0x8a: {  	s1 =	srdreg.scid  }
0x8b: {  	s0 =	sand.u32 $0x1, s1  }
0x8c: {  	s16 =	sshll.u32 s0, $0xA;
	s2 =	sadd.s32 s3, s2  }
0x8d: {  	s2 =	sadd.s32 s2, s16  }
0x8e: {  	[smem:$0x3FA5] =	sst s2  }
0x8f: {  	_ = 	snop  }
0x90: {  	(tm) =	ssettm $0x1  }
0x91: {  	s17 =	sld [smem:$0x3FFB];
	_ =	sdelay $0x3  }
0x92: {  	_ =	strace s17  }
0x93: {  	s2 =	sld [smem:$0x3FFC];
	_ =	sdelay $0x3  }
0x94: {  	_ =	strace s2  }
0x95: {  	s2 =	sld [smem:$0x3FFD];
	_ =	sdelay $0x3  }
0x96: {  	_ =	strace s2  }
0x97: {  	_ =	strace $0x8FFFFFFF  }
0x98: {  	s18 =	sld [smem:$0x3FDB];
	_ =	sdelay $0x1  }
0x99: {  	s19 =	simm.s32 $_scs_section_size  }
0x9a: {  	s4 =	simm.s32 $_size__tile_overlayer_lowered;
	s5 =	simm.s32 $_tile_overlayer_lowered  }
0x9b: {  	s22 =	simm.s32 $0x1BFF;
	s21 =	sshll.u32 s5, $0x1;
	s2 =	sadd.s32 s19, s18  }
0x9c: {  	s6 =	simm.s32 $0x0;
	s20 =	sshll.u32 s4, $0x1;
	s4 =	sadd.s32 s21, s2  }
0x9d: {  	[timem:s6], [sflag:s22] =	dma.local [hbm:s4], s20  }
0x9e: {  	_ =	swait.ge [sflag:s22], s20  }
0x9f: {  	s3 =	ssub.s32 $0x0, s20;
	[sflag:s22] =	ssyncset.done $0x0  }
0xa0: {  	[sflag:s22] =	ssyncadd.s32 s3;
	_ =	sdelay $0x1  }
0xa1: {  	s23 =	simm.s32 $0x1B8B  }
0xa2: {  	_ =	swait.ge [sflag:s23], $0x1  }
0xa3: {  	[sflag:s23] =	ssyncset.done $0x0  }
0xa4: {  	s25 =	simm.s32 $0x1B8E;
	s24 =	sld [smem:$0x3FFE];
	[sflag:s23] =	ssyncadd.s32 $0xFFFFFFFF  }
0xa5: {  	s26 =	simm.s32 $execute0_lowered;
	[smem:$0x3FD2] =	sst s25  }
0xa6: {  	s4 =	sshll.u32 s26, $0x1;
	_ =	strace $0x80000049;
	[dreg:$0x1] =	wrdreg $0xFFFFFFFF  }
0xa7: {  	s28 =	simm.s32 $_size_execute0_lowered;
	s2 =	sadd.s32 s2, s4;
	[dreg:$0x0] =	wrdreg $0x0  }
0xa8: {  	s4 =	sshll.u32 s28, $0x1;
	[dreg:$0x2] =	wrdreg s2  }
0xa9: {  	[dreg:$0x3] =	wrdreg s4  }
0xaa: {  	[dreg:$0x4] =	wrdreg $0xC0  }
0xab: {  	_ =	task [dreg:s6], $0x5FFFF  }
0xac: {  	[dreg:$0x1] =	wrdreg $0xFFFFFFFF  }
0xad: {  	[dreg:$0x0] =	wrdreg $0x60  }
0xae: {  	[dreg:$0x2] =	wrdreg s24  }
0xaf: {  	[dreg:$0x3] =	wrdreg $0x9  }
0xb0: {  	_ =	task.clear_ibuf [dreg:s6], $0x4FFFF;
	_ =	strace $0x90000049  }
0xb1: {  	s29 =	simm.s32 $0x9;
	_ =	strace $0x8000004B  }
0xb2: {  	_ =	swait.ge [sflag:s29], $0x1  }
0xb3: {  	[sflag:s29] =	ssyncadd.s32 $0xFFFFFFFF  }
0xb4: {  	_ =	strace $0x9000004B  }
0xb5: {  	_ =	sfence  }
0xb6: {  	s30 =	sld [smem:$0x0];
	_ =	sdelay $0x2  }
0xb7: {  	s31 =	sshll.u32 s1, $0xD;
	s1 =	sshrl.u32 s1, $0x2  }
0xb8: {  	s3 =	sand.u32 $0x4000, s31;
	s1 =	sadd.s32 s1, s30  }
0xb9: {  	s0 =	sor.u32 s3, s0;
	s1 =	sshll.u32 s1, $0x11  }
0xba: {  	s0 =	sor.u32 s1, s0  }
0xbb: {  	s0 =	sadd.s32 $0x8F2B, s0  }
0xbc: {  	[sflag:s0] =	ssyncadd.remote.s32 $0x1  }
0xbd: {  	_ =	sfence.sel $0xFFFF  }
0xbe: {  	[dreg:$0x0] =	wrdreg $0xFFFFFFFF;
	(pc) =	sbr.abs _section_cstart, $3  }
0xbf: {  	[dreg:$0x1] =	wrdreg $0xFFFFFFFF  }
0xc0: {  	_ =	task.clear_ibuf [dreg:s6], $0x2FFFF;
	_ =	strace $0x9FFFFFFF  }
0xc1: {  	(tm) =	ssettm $0x7FFFFFFF  }
tec
execute0_lowered:
.L_overlay_start_1:
0x0: {  	(tag) =	ssettag $0x1  }
0x1: {  	s0 =	rddreg [dreg:$0x0];
	s1 =	simm.s32 $0x0;
	s2 =	srdreg.scid  }
0x2: {  	s8 =	stileid.u32;
	s17 =	simm.s32 $0x3;
	s25 =	simm.s32 $0xA00  }
0x3: {  	s26 =	simm.s32 $0x1200;
	s29 =	simm.s32 $0x1A00;
	s30 =	simm.s32 $0x2200  }
0x4: {  	s31 =	simm.s32 $0x2A00;
	s19 =	simm.s32 $0x4A00;
	s20 =	simm.s32 $0x5200  }
0x5: {  	s21 =	simm.s32 $0x5A00;
	s22 =	simm.s32 $0x6A00;
	s28 =	simm.s32 $0x7200  }
0x6: {  	s23 =	simm.s32 $0x7A00;
	[smem:$0x7FF] =	sst s1;
	s2 =	sand.u32 $0x1, s2  }
0x7: {  	s3 =	sadd.s32 $0x3E00, s0;
	s11 =	sadd.s32 $0x63E00, s0;
	s6 =	sshll.u32 s8, $0x7  }
0x8: {  	s8 =	sshll.u32 s8, $0x1;
	s9 =	sadd.s32 $0x4400, s0;
	s10 =	sadd.s32 $0x4500, s0  }
0x9: {  	s15 =	sadd.s32 $0x4900, s0;
	_ =	strace $0x8000004A;
	s4 =	sshll.u32 s2, $0x6  }
0xa: {  	s5 =	ssub.s32 $0x2, s2;
	s2 =	sor.u32 s2, s8;
	s8 =	sadd.s32 $0x4300, s0  }
0xb: {  	s4 =	sadd.s32 s4, s0;
	s7 =	sshrl.u32 s5, $0x1;
	s12 =	smul.u32 $0x6000, s2  }
0xc: {  	s2 =	smul.u32 $0x30000, s2;
	s4 =	sadd.s32 s6, s4;
	s16 =	ssub.s32 s5, s7  }
0xd: {  	s5 =	sadd.s32 $0x4000, s0;
	s6 =	sadd.s32 $0x4100, s0;
	s7 =	sadd.s32 $0x4200, s0  }
0xe: {  	s4 =	sadd.s32 $0x133E00, s4;
	s13 =	sadd.s32 s11, s12;
	s2 =	sshrl.u32 s2, $0x3  }
0xf: {  	s12 =	sadd.s32 $0x4600, s0;
	s16 =	smax.u32 s16, $0x1;
	[dreg:$0x2] =	wrdreg s4  }
0x10: {  	[dreg:$0x6] =	wrdreg s13;
	s14 =	sadd.s32 $0x1800, s13;
	s2 =	sadd.s32 s11, s2  }
0x11: {  	v2 =	vlaneseq.u32;
	s4 =	sadd.s32 $0x3F00, s0;
	[dreg:$0x3] =	wrdreg s14;
	s11 =	sadd.s32 $0x3000, s2  }
0x12: {  	vm0 =	vmmov $0xffff;
	v1 =	vshrl.u32 v2, $0x3;
	s13 =	sadd.s32 $0x4700, s0;
	s2 =	sadd.s32 $0x4800, s2;
	[dreg:$0x4] =	wrdreg s11  }
0x13: {  	v0 =	vand.u32 $0x7, v2;
	v2 =	vor.u32 $0x8, v2;
	v1 =	vmul.u32 $0x8, v1;
	s14 =	sadd.s32 $0x4800, s0;
	[dreg:$0x5] =	wrdreg s2;
	s2 =	simm.s32 $0xC200  }
.LBB2_1:
0x14: {  	s24 =	rddreg [dreg:$0x2]  }
0x15: {  	[tilespmem:s1], [sflag:$0x3] =	stream.linear.gather [hbm4b:s24+s1], $0x200, $0x38;
	[tilespmem:$0x18200] =	vst v63  }
0x16: {  	_ =	swait.ge [sflag:s17], $0x200  }
0x17: {  	[sflag:s17] =	ssyncset.done $0x0  }
0x18: {  	[sflag:s17] =	ssyncadd.s32 $0xFFFFFE00  }
0x19: {  	v3 =	vld [tilespmem:$0x0];
	_ =	sdelay $0x4  }
0x1a: {  	v4 =	vshrl.u32 v3, $0x3  }
0x1b: {  	v4 =	vmul.u32 $0xC0, v4  }
0x1c: {  	v3 =	vand.u32 $0x7, v3  }
0x1d: {  	v3 =	vor.u32 v3, v4  }
0x1e: {  	v4 =	vperm.xlane v3, v0;
	_ =	sdelay $0x1  }
0x1f: {  	v4 =	vadd.s32 v1, v4;
	_ =	sdelay $0x3  }
0x20: {  	s0 =	simm.s32 $0x200  }
0x21: {  	[tilespmem:s0], [sflag:$0x1] =	stream.indirect_vreg.gather [hbm4b:s3+s1], $0x80, v4, vm0, $0xb8;
	[tilespmem:$0x18200] =	vst v63  }
0x22: {  	_ = 	snop  }
0x23: {  	[tilespmem:s25], [sflag:$0x1] =	stream.indirect_vreg.gather [hbm4b:s4+s1], $0x80, v4, vm0, $0xb8;
	[tilespmem:$0x18200] =	vst v63  }
0x24: {  	_ = 	snop  }
0x25: {  	[tilespmem:s26], [sflag:$0x1] =	stream.indirect_vreg.gather [hbm4b:s5+s1], $0x80, v4, vm0, $0xb8;
	[tilespmem:$0x18200] =	vst v63  }
0x26: {  	_ = 	snop  }
0x27: {  	[tilespmem:s29], [sflag:$0x1] =	stream.indirect_vreg.gather [hbm4b:s6+s1], $0x80, v4, vm0, $0xb8;
	[tilespmem:$0x18200] =	vst v63  }
0x28: {  	_ = 	snop  }
0x29: {  	[tilespmem:s30], [sflag:$0x1] =	stream.indirect_vreg.gather [hbm4b:s7+s1], $0x80, v4, vm0, $0xb8;
	[tilespmem:$0x18200] =	vst v63  }
0x2a: {  	_ = 	snop  }
0x2b: {  	[tilespmem:s31], [sflag:$0x1] =	stream.indirect_vreg.gather [hbm4b:s8+s1], $0x80, v4, vm0, $0xb8;
	[tilespmem:$0x18200] =	vst v63  }
0x2c: {  	s18 =	simm.s32 $0x3200  }
0x2d: {  	[tilespmem:s18], [sflag:$0x1] =	stream.indirect_vreg.gather [hbm4b:s9+s1], $0x80, v4, vm0, $0xb8;
	[tilespmem:$0x18200] =	vst v63  }
0x2e: {  	s24 =	simm.s32 $0x3A00  }
0x2f: {  	[tilespmem:s24], [sflag:$0x1] =	stream.indirect_vreg.gather [hbm4b:s10+s1], $0x80, v4, vm0, $0xb8;
	[tilespmem:$0x18200] =	vst v63  }
0x30: {  	s18 =	simm.s32 $0x4200  }
0x31: {  	[tilespmem:s18], [sflag:$0x1] =	stream.indirect_vreg.gather [hbm4b:s12+s1], $0x80, v4, vm0, $0xb8;
	[tilespmem:$0x18200] =	vst v63  }
0x32: {  	v3 =	vperm.xlane v3, v2  }
0x33: {  	[tilespmem:s19], [sflag:$0x1] =	stream.indirect_vreg.gather [hbm4b:s13+s1], $0x80, v4, vm0, $0xb8;
	[tilespmem:$0x18200] =	vst v63  }
0x34: {  	v3 =	vadd.s32 v1, v3  }
0x35: {  	[tilespmem:s20], [sflag:$0x1] =	stream.indirect_vreg.gather [hbm4b:s14+s1], $0x80, v4, vm0, $0xb8;
	[tilespmem:$0x18200] =	vst v63  }
0x36: {  	_ = 	snop  }
0x37: {  	[tilespmem:s21], [sflag:$0x1] =	stream.indirect_vreg.gather [hbm4b:s15+s1], $0x80, v4, vm0, $0xb8;
	[tilespmem:$0x18200] =	vst v63  }
0x38: {  	s18 =	simm.s32 $0x6200  }
0x39: {  	[tilespmem:s18], [sflag:$0x1] =	stream.indirect_vreg.gather [hbm4b:s3+s1], $0x80, v3, vm0, $0xb8;
	[tilespmem:$0x18200] =	vst v63  }
0x3a: {  	_ = 	snop  }
0x3b: {  	[tilespmem:s22], [sflag:$0x1] =	stream.indirect_vreg.gather [hbm4b:s4+s1], $0x80, v3, vm0, $0xb8;
	[tilespmem:$0x18200] =	vst v63  }
0x3c: {  	_ = 	snop  }
0x3d: {  	[tilespmem:s28], [sflag:$0x1] =	stream.indirect_vreg.gather [hbm4b:s5+s1], $0x80, v3, vm0, $0xb8;
	[tilespmem:$0x18200] =	vst v63  }
0x3e: {  	_ = 	snop  }
0x3f: {  	[tilespmem:s23], [sflag:$0x1] =	stream.indirect_vreg.gather [hbm4b:s6+s1], $0x80, v3, vm0, $0xb8;
	[tilespmem:$0x18200] =	vst v63  }
0x40: {  	s24 =	simm.s32 $0x8200  }
0x41: {  	[tilespmem:s24], [sflag:$0x1] =	stream.indirect_vreg.gather [hbm4b:s7+s1], $0x80, v3, vm0, $0xb8;
	[tilespmem:$0x18200] =	vst v63  }
0x42: {  	s24 =	simm.s32 $0x8A00  }
0x43: {  	[tilespmem:s24], [sflag:$0x1] =	stream.indirect_vreg.gather [hbm4b:s8+s1], $0x80, v3, vm0, $0xb8;
	[tilespmem:$0x18200] =	vst v63  }
0x44: {  	s24 =	simm.s32 $0x9200  }
0x45: {  	[tilespmem:s24], [sflag:$0x1] =	stream.indirect_vreg.gather [hbm4b:s9+s1], $0x80, v3, vm0, $0xb8;
	[tilespmem:$0x18200] =	vst v63  }
0x46: {  	s24 =	simm.s32 $0x9A00  }
0x47: {  	[tilespmem:s24], [sflag:$0x1] =	stream.indirect_vreg.gather [hbm4b:s10+s1], $0x80, v3, vm0, $0xb8;
	[tilespmem:$0x18200] =	vst v63  }
0x48: {  	s24 =	simm.s32 $0xA200  }
0x49: {  	[tilespmem:s24], [sflag:$0x1] =	stream.indirect_vreg.gather [hbm4b:s12+s1], $0x80, v3, vm0, $0xb8;
	[tilespmem:$0x18200] =	vst v63  }
0x4a: {  	s24 =	simm.s32 $0xAA00  }
0x4b: {  	[tilespmem:s24], [sflag:$0x1] =	stream.indirect_vreg.gather [hbm4b:s13+s1], $0x80, v3, vm0, $0xb8;
	[tilespmem:$0x18200] =	vst v63  }
0x4c: {  	s24 =	simm.s32 $0xB200  }
0x4d: {  	[tilespmem:s24], [sflag:$0x1] =	stream.indirect_vreg.gather [hbm4b:s14+s1], $0x80, v3, vm0, $0xb8;
	[tilespmem:$0x18200] =	vst v63  }
0x4e: {  	s24 =	simm.s32 $0xBA00  }
0x4f: {  	[tilespmem:s24], [sflag:$0x1] =	stream.indirect_vreg.gather [hbm4b:s15+s1], $0x80, v3, vm0, $0xb8;
	[tilespmem:$0x18200] =	vst v63  }
0x50: {  	v3 =	vld [tilespmem:$0x80];
	_ =	sdelay $0x4  }
0x51: {  	v61 =	vshrl.u32 v3, $0x3  }
0x52: {  	v4 =	vmul.u32 $0xC0, v61  }
0x53: {  	v3 =	vand.u32 $0x7, v3  }
0x54: {  	v3 =	vor.u32 v3, v4  }
0x55: {  	v4 =	vperm.xlane v3, v0;
	_ =	sdelay $0x1  }
0x56: {  	v4 =	vadd.s32 v1, v4;
	_ =	sdelay $0x4  }
0x57: {  	[tilespmem:s2], [sflag:$0x2] =	stream.indirect_vreg.gather [hbm4b:s3+s1], $0x80, v4, vm0, $0xb8;
	[tilespmem:$0x18200] =	vst v63  }
0x58: {  	s24 =	simm.s32 $0xCA00  }
0x59: {  	[tilespmem:s24], [sflag:$0x2] =	stream.indirect_vreg.gather [hbm4b:s4+s1], $0x80, v4, vm0, $0xb8;
	[tilespmem:$0x18200] =	vst v63  }
0x5a: {  	s24 =	simm.s32 $0xD200  }
0x5b: {  	[tilespmem:s24], [sflag:$0x2] =	stream.indirect_vreg.gather [hbm4b:s5+s1], $0x80, v4, vm0, $0xb8;
	[tilespmem:$0x18200] =	vst v63  }
0x5c: {  	s24 =	simm.s32 $0xDA00  }
0x5d: {  	[tilespmem:s24], [sflag:$0x2] =	stream.indirect_vreg.gather [hbm4b:s6+s1], $0x80, v4, vm0, $0xb8;
	[tilespmem:$0x18200] =	vst v63  }
0x5e: {  	s24 =	simm.s32 $0xE200  }
0x5f: {  	[tilespmem:s24], [sflag:$0x2] =	stream.indirect_vreg.gather [hbm4b:s7+s1], $0x80, v4, vm0, $0xb8;
	[tilespmem:$0x18200] =	vst v63  }
0x60: {  	s24 =	simm.s32 $0xEA00  }
0x61: {  	[tilespmem:s24], [sflag:$0x2] =	stream.indirect_vreg.gather [hbm4b:s8+s1], $0x80, v4, vm0, $0xb8;
	[tilespmem:$0x18200] =	vst v63  }
0x62: {  	s24 =	simm.s32 $0xF200  }
0x63: {  	[tilespmem:s24], [sflag:$0x2] =	stream.indirect_vreg.gather [hbm4b:s9+s1], $0x80, v4, vm0, $0xb8;
	[tilespmem:$0x18200] =	vst v63  }
0x64: {  	s24 =	simm.s32 $0xFA00  }
0x65: {  	[tilespmem:s24], [sflag:$0x2] =	stream.indirect_vreg.gather [hbm4b:s10+s1], $0x80, v4, vm0, $0xb8;
	[tilespmem:$0x18200] =	vst v63  }
0x66: {  	s24 =	simm.s32 $0x10200  }
0x67: {  	[tilespmem:s24], [sflag:$0x2] =	stream.indirect_vreg.gather [hbm4b:s12+s1], $0x80, v4, vm0, $0xb8;
	[tilespmem:$0x18200] =	vst v63  }
0x68: {  	v3 =	vperm.xlane v3, v2;
	s24 =	simm.s32 $0x10A00  }
0x69: {  	[tilespmem:s24], [sflag:$0x2] =	stream.indirect_vreg.gather [hbm4b:s13+s1], $0x80, v4, vm0, $0xb8;
	[tilespmem:$0x18200] =	vst v63  }
0x6a: {  	v3 =	vadd.s32 v1, v3;
	s24 =	simm.s32 $0x11200  }
0x6b: {  	[tilespmem:s24], [sflag:$0x2] =	stream.indirect_vreg.gather [hbm4b:s14+s1], $0x80, v4, vm0, $0xb8;
	[tilespmem:$0x18200] =	vst v63  }
0x6c: {  	s24 =	simm.s32 $0x11A00  }
0x6d: {  	[tilespmem:s24], [sflag:$0x2] =	stream.indirect_vreg.gather [hbm4b:s15+s1], $0x80, v4, vm0, $0xb8;
	[tilespmem:$0x18200] =	vst v63  }
0x6e: {  	s24 =	simm.s32 $0x12200  }
0x6f: {  	[tilespmem:s24], [sflag:$0x2] =	stream.indirect_vreg.gather [hbm4b:s3+s1], $0x80, v3, vm0, $0xb8;
	[tilespmem:$0x18200] =	vst v63  }
0x70: {  	s24 =	simm.s32 $0x12A00  }
0x71: {  	[tilespmem:s24], [sflag:$0x2] =	stream.indirect_vreg.gather [hbm4b:s4+s1], $0x80, v3, vm0, $0xb8;
	[tilespmem:$0x18200] =	vst v63  }
0x72: {  	s24 =	simm.s32 $0x13200  }
0x73: {  	[tilespmem:s24], [sflag:$0x2] =	stream.indirect_vreg.gather [hbm4b:s5+s1], $0x80, v3, vm0, $0xb8;
	[tilespmem:$0x18200] =	vst v63  }
0x74: {  	s24 =	simm.s32 $0x13A00  }
0x75: {  	[tilespmem:s24], [sflag:$0x2] =	stream.indirect_vreg.gather [hbm4b:s6+s1], $0x80, v3, vm0, $0xb8;
	[tilespmem:$0x18200] =	vst v63  }
0x76: {  	s24 =	simm.s32 $0x14200  }
0x77: {  	[tilespmem:s24], [sflag:$0x2] =	stream.indirect_vreg.gather [hbm4b:s7+s1], $0x80, v3, vm0, $0xb8;
	[tilespmem:$0x18200] =	vst v63  }
0x78: {  	s24 =	simm.s32 $0x14A00  }
0x79: {  	[tilespmem:s24], [sflag:$0x2] =	stream.indirect_vreg.gather [hbm4b:s8+s1], $0x80, v3, vm0, $0xb8;
	[tilespmem:$0x18200] =	vst v63  }
0x7a: {  	s24 =	simm.s32 $0x15200  }
0x7b: {  	[tilespmem:s24], [sflag:$0x2] =	stream.indirect_vreg.gather [hbm4b:s9+s1], $0x80, v3, vm0, $0xb8;
	[tilespmem:$0x18200] =	vst v63  }
0x7c: {  	s24 =	simm.s32 $0x15A00  }
0x7d: {  	[tilespmem:s24], [sflag:$0x2] =	stream.indirect_vreg.gather [hbm4b:s10+s1], $0x80, v3, vm0, $0xb8;
	[tilespmem:$0x18200] =	vst v63  }
0x7e: {  	s24 =	simm.s32 $0x16200  }
0x7f: {  	[tilespmem:s24], [sflag:$0x2] =	stream.indirect_vreg.gather [hbm4b:s12+s1], $0x80, v3, vm0, $0xb8;
	[tilespmem:$0x18200] =	vst v63  }
0x80: {  	s24 =	simm.s32 $0x16A00  }
0x81: {  	[tilespmem:s24], [sflag:$0x2] =	stream.indirect_vreg.gather [hbm4b:s13+s1], $0x80, v3, vm0, $0xb8;
	[tilespmem:$0x18200] =	vst v63  }
0x82: {  	s24 =	simm.s32 $0x17200  }
0x83: {  	[tilespmem:s24], [sflag:$0x2] =	stream.indirect_vreg.gather [hbm4b:s14+s1], $0x80, v3, vm0, $0xb8;
	[tilespmem:$0x18200] =	vst v63  }
0x84: {  	s0 =	simm.s32 $0x1;
	s24 =	simm.s32 $0x17A00  }
0x85: {  	[tilespmem:s24], [sflag:$0x2] =	stream.indirect_vreg.gather [hbm4b:s15+s1], $0x80, v3, vm0, $0xb8;
	[tilespmem:$0x18200] =	vst v63  }
0x86: {  	_ =	swait.ge [sflag:s0], $0xC000  }
0x87: {  	[sflag:s0] =	ssyncset.done $0x0  }
0x88: {  	s11 =	simm.s32 $0x200;
	s24 =	rddreg [dreg:$0x6];
	[sflag:s0] =	ssyncadd.s32 $0xFFFF4000  }
0x89: {  	[hbm4b:s24+s1] =	stream.linear.scatter [tilespmem:s11], [sflag:$0x3], $0xC000, $0x38;
	[tilespmem:$0x18200] =	vst v63  }
0x8a: {  	_ =	swait.ge [sflag:s17], $0xC000  }
0x8b: {  	[sflag:s17] =	ssyncset.done $0x0  }
0x8c: {  	[sflag:s17] =	ssyncadd.s32 $0xFFFF4000  }
0x8d: {  	v3 =	vld [tilespmem:$0x100];
	_ =	sdelay $0x4  }
0x8e: {  	v62 =	vshrl.u32 v3, $0x3  }
0x8f: {  	v4 =	vmul.u32 $0xC0, v62  }
0x90: {  	v3 =	vand.u32 $0x7, v3  }
0x91: {  	v3 =	vor.u32 v3, v4  }
0x92: {  	v4 =	vperm.xlane v3, v0;
	_ =	sdelay $0x1  }
0x93: {  	v4 =	vadd.s32 v1, v4;
	_ =	sdelay $0x4  }
0x94: {  	[tilespmem:s11], [sflag:$0x1] =	stream.indirect_vreg.gather [hbm4b:s3+s1], $0x80, v4, vm0, $0xb8;
	[tilespmem:$0x18200] =	vst v63  }
0x95: {  	_ = 	snop  }
0x96: {  	[tilespmem:s25], [sflag:$0x1] =	stream.indirect_vreg.gather [hbm4b:s4+s1], $0x80, v4, vm0, $0xb8;
	[tilespmem:$0x18200] =	vst v63  }
0x97: {  	_ = 	snop  }
0x98: {  	[tilespmem:s26], [sflag:$0x1] =	stream.indirect_vreg.gather [hbm4b:s5+s1], $0x80, v4, vm0, $0xb8;
	[tilespmem:$0x18200] =	vst v63  }
0x99: {  	_ = 	snop  }
0x9a: {  	[tilespmem:s29], [sflag:$0x1] =	stream.indirect_vreg.gather [hbm4b:s6+s1], $0x80, v4, vm0, $0xb8;
	[tilespmem:$0x18200] =	vst v63  }
0x9b: {  	_ = 	snop  }
0x9c: {  	[tilespmem:s30], [sflag:$0x1] =	stream.indirect_vreg.gather [hbm4b:s7+s1], $0x80, v4, vm0, $0xb8;
	[tilespmem:$0x18200] =	vst v63  }
0x9d: {  	_ = 	snop  }
0x9e: {  	[tilespmem:s31], [sflag:$0x1] =	stream.indirect_vreg.gather [hbm4b:s8+s1], $0x80, v4, vm0, $0xb8;
	[tilespmem:$0x18200] =	vst v63  }
0x9f: {  	s24 =	simm.s32 $0x3200  }
0xa0: {  	[tilespmem:s24], [sflag:$0x1] =	stream.indirect_vreg.gather [hbm4b:s9+s1], $0x80, v4, vm0, $0xb8;
	[tilespmem:$0x18200] =	vst v63  }
0xa1: {  	s24 =	simm.s32 $0x3A00  }
0xa2: {  	[tilespmem:s24], [sflag:$0x1] =	stream.indirect_vreg.gather [hbm4b:s10+s1], $0x80, v4, vm0, $0xb8;
	[tilespmem:$0x18200] =	vst v63  }
0xa3: {  	s24 =	simm.s32 $0x4200  }
0xa4: {  	[tilespmem:s24], [sflag:$0x1] =	stream.indirect_vreg.gather [hbm4b:s12+s1], $0x80, v4, vm0, $0xb8;
	[tilespmem:$0x18200] =	vst v63  }
0xa5: {  	v3 =	vperm.xlane v3, v2  }
0xa6: {  	[tilespmem:s19], [sflag:$0x1] =	stream.indirect_vreg.gather [hbm4b:s13+s1], $0x80, v4, vm0, $0xb8;
	[tilespmem:$0x18200] =	vst v63  }
0xa7: {  	v3 =	vadd.s32 v1, v3  }
0xa8: {  	[tilespmem:s20], [sflag:$0x1] =	stream.indirect_vreg.gather [hbm4b:s14+s1], $0x80, v4, vm0, $0xb8;
	[tilespmem:$0x18200] =	vst v63  }
0xa9: {  	_ = 	snop  }
0xaa: {  	[tilespmem:s21], [sflag:$0x1] =	stream.indirect_vreg.gather [hbm4b:s15+s1], $0x80, v4, vm0, $0xb8;
	[tilespmem:$0x18200] =	vst v63  }
0xab: {  	_ = 	snop  }
0xac: {  	[tilespmem:s18], [sflag:$0x1] =	stream.indirect_vreg.gather [hbm4b:s3+s1], $0x80, v3, vm0, $0xb8;
	[tilespmem:$0x18200] =	vst v63  }
0xad: {  	_ = 	snop  }
0xae: {  	[tilespmem:s22], [sflag:$0x1] =	stream.indirect_vreg.gather [hbm4b:s4+s1], $0x80, v3, vm0, $0xb8;
	[tilespmem:$0x18200] =	vst v63  }
0xaf: {  	_ = 	snop  }
0xb0: {  	[tilespmem:s28], [sflag:$0x1] =	stream.indirect_vreg.gather [hbm4b:s5+s1], $0x80, v3, vm0, $0xb8;
	[tilespmem:$0x18200] =	vst v63  }
0xb1: {  	_ = 	snop  }
0xb2: {  	[tilespmem:s23], [sflag:$0x1] =	stream.indirect_vreg.gather [hbm4b:s6+s1], $0x80, v3, vm0, $0xb8;
	[tilespmem:$0x18200] =	vst v63  }
0xb3: {  	s18 =	simm.s32 $0x8200  }
0xb4: {  	[tilespmem:s18], [sflag:$0x1] =	stream.indirect_vreg.gather [hbm4b:s7+s1], $0x80, v3, vm0, $0xb8;
	[tilespmem:$0x18200] =	vst v63  }
0xb5: {  	s24 =	simm.s32 $0x8A00  }
0xb6: {  	[tilespmem:s24], [sflag:$0x1] =	stream.indirect_vreg.gather [hbm4b:s8+s1], $0x80, v3, vm0, $0xb8;
	[tilespmem:$0x18200] =	vst v63  }
0xb7: {  	s18 =	simm.s32 $0x9200  }
0xb8: {  	[tilespmem:s18], [sflag:$0x1] =	stream.indirect_vreg.gather [hbm4b:s9+s1], $0x80, v3, vm0, $0xb8;
	[tilespmem:$0x18200] =	vst v63  }
0xb9: {  	s24 =	simm.s32 $0x9A00  }
0xba: {  	[tilespmem:s24], [sflag:$0x1] =	stream.indirect_vreg.gather [hbm4b:s10+s1], $0x80, v3, vm0, $0xb8;
	[tilespmem:$0x18200] =	vst v63  }
0xbb: {  	s18 =	simm.s32 $0xA200  }
0xbc: {  	[tilespmem:s18], [sflag:$0x1] =	stream.indirect_vreg.gather [hbm4b:s12+s1], $0x80, v3, vm0, $0xb8;
	[tilespmem:$0x18200] =	vst v63  }
0xbd: {  	s24 =	simm.s32 $0xAA00  }
0xbe: {  	[tilespmem:s24], [sflag:$0x1] =	stream.indirect_vreg.gather [hbm4b:s13+s1], $0x80, v3, vm0, $0xb8;
	[tilespmem:$0x18200] =	vst v63  }
0xbf: {  	s18 =	simm.s32 $0xB200  }
0xc0: {  	[tilespmem:s18], [sflag:$0x1] =	stream.indirect_vreg.gather [hbm4b:s14+s1], $0x80, v3, vm0, $0xb8;
	[tilespmem:$0x18200] =	vst v63  }
0xc1: {  	s11 =	simm.s32 $0x2;
	s24 =	simm.s32 $0xBA00  }
0xc2: {  	[tilespmem:s24], [sflag:$0x1] =	stream.indirect_vreg.gather [hbm4b:s15+s1], $0x80, v3, vm0, $0xb8;
	[tilespmem:$0x18200] =	vst v63  }
0xc3: {  	_ =	swait.ge [sflag:s11], $0xC000  }
0xc4: {  	[sflag:s11] =	ssyncset.done $0x0  }
0xc5: {  	s18 =	rddreg [dreg:$0x3];
	[sflag:s11] =	ssyncadd.s32 $0xFFFF4000  }
0xc6: {  	[hbm4b:s18+s1] =	stream.linear.scatter [tilespmem:s2], [sflag:$0x3], $0xC000, $0x38;
	[tilespmem:$0x18200] =	vst v63  }
0xc7: {  	_ =	swait.ge [sflag:s17], $0xC000  }
0xc8: {  	[sflag:s17] =	ssyncset.done $0x0  }
0xc9: {  	[sflag:s17] =	ssyncadd.s32 $0xFFFF4000  }
0xca: {  	v3 =	vld [tilespmem:$0x180];
	_ =	sdelay $0x4  }
0xcb: {  	v63 =	vshrl.u32 v3, $0x3  }
0xcc: {  	v4 =	vmul.u32 $0xC0, v63  }
0xcd: {  	v3 =	vand.u32 $0x7, v3  }
0xce: {  	v3 =	vor.u32 v3, v4  }
0xcf: {  	v4 =	vperm.xlane v3, v0;
	_ =	sdelay $0x1  }
0xd0: {  	v4 =	vadd.s32 v1, v4;
	_ =	sdelay $0x4  }
0xd1: {  	[tilespmem:s2], [sflag:$0x2] =	stream.indirect_vreg.gather [hbm4b:s3+s1], $0x80, v4, vm0, $0xb8;
	[tilespmem:$0x18200] =	vst v63  }
0xd2: {  	s24 =	simm.s32 $0xCA00  }
0xd3: {  	[tilespmem:s24], [sflag:$0x2] =	stream.indirect_vreg.gather [hbm4b:s4+s1], $0x80, v4, vm0, $0xb8;
	[tilespmem:$0x18200] =	vst v63  }
0xd4: {  	s24 =	simm.s32 $0xD200  }
0xd5: {  	[tilespmem:s24], [sflag:$0x2] =	stream.indirect_vreg.gather [hbm4b:s5+s1], $0x80, v4, vm0, $0xb8;
	[tilespmem:$0x18200] =	vst v63  }
0xd6: {  	s24 =	simm.s32 $0xDA00  }
0xd7: {  	[tilespmem:s24], [sflag:$0x2] =	stream.indirect_vreg.gather [hbm4b:s6+s1], $0x80, v4, vm0, $0xb8;
	[tilespmem:$0x18200] =	vst v63  }
0xd8: {  	s24 =	simm.s32 $0xE200  }
0xd9: {  	[tilespmem:s24], [sflag:$0x2] =	stream.indirect_vreg.gather [hbm4b:s7+s1], $0x80, v4, vm0, $0xb8;
	[tilespmem:$0x18200] =	vst v63  }
0xda: {  	s24 =	simm.s32 $0xEA00  }
0xdb: {  	[tilespmem:s24], [sflag:$0x2] =	stream.indirect_vreg.gather [hbm4b:s8+s1], $0x80, v4, vm0, $0xb8;
	[tilespmem:$0x18200] =	vst v63  }
0xdc: {  	s24 =	simm.s32 $0xF200  }
0xdd: {  	[tilespmem:s24], [sflag:$0x2] =	stream.indirect_vreg.gather [hbm4b:s9+s1], $0x80, v4, vm0, $0xb8;
	[tilespmem:$0x18200] =	vst v63  }
0xde: {  	s24 =	simm.s32 $0xFA00  }
0xdf: {  	[tilespmem:s24], [sflag:$0x2] =	stream.indirect_vreg.gather [hbm4b:s10+s1], $0x80, v4, vm0, $0xb8;
	[tilespmem:$0x18200] =	vst v63  }
0xe0: {  	s24 =	simm.s32 $0x10200  }
0xe1: {  	[tilespmem:s24], [sflag:$0x2] =	stream.indirect_vreg.gather [hbm4b:s12+s1], $0x80, v4, vm0, $0xb8;
	[tilespmem:$0x18200] =	vst v63  }
0xe2: {  	v3 =	vperm.xlane v3, v2;
	s24 =	simm.s32 $0x10A00  }
0xe3: {  	[tilespmem:s24], [sflag:$0x2] =	stream.indirect_vreg.gather [hbm4b:s13+s1], $0x80, v4, vm0, $0xb8;
	[tilespmem:$0x18200] =	vst v63  }
0xe4: {  	v3 =	vadd.s32 v1, v3;
	s24 =	simm.s32 $0x11200  }
0xe5: {  	[tilespmem:s24], [sflag:$0x2] =	stream.indirect_vreg.gather [hbm4b:s14+s1], $0x80, v4, vm0, $0xb8;
	[tilespmem:$0x18200] =	vst v63  }
0xe6: {  	s24 =	simm.s32 $0x11A00  }
0xe7: {  	[tilespmem:s24], [sflag:$0x2] =	stream.indirect_vreg.gather [hbm4b:s15+s1], $0x80, v4, vm0, $0xb8;
	[tilespmem:$0x18200] =	vst v63  }
0xe8: {  	s24 =	simm.s32 $0x12200  }
0xe9: {  	[tilespmem:s24], [sflag:$0x2] =	stream.indirect_vreg.gather [hbm4b:s3+s1], $0x80, v3, vm0, $0xb8;
	[tilespmem:$0x18200] =	vst v63  }
0xea: {  	s24 =	simm.s32 $0x12A00  }
0xeb: {  	[tilespmem:s24], [sflag:$0x2] =	stream.indirect_vreg.gather [hbm4b:s4+s1], $0x80, v3, vm0, $0xb8;
	[tilespmem:$0x18200] =	vst v63  }
0xec: {  	s24 =	simm.s32 $0x13200  }
0xed: {  	[tilespmem:s24], [sflag:$0x2] =	stream.indirect_vreg.gather [hbm4b:s5+s1], $0x80, v3, vm0, $0xb8;
	[tilespmem:$0x18200] =	vst v63  }
0xee: {  	s24 =	simm.s32 $0x13A00  }
0xef: {  	[tilespmem:s24], [sflag:$0x2] =	stream.indirect_vreg.gather [hbm4b:s6+s1], $0x80, v3, vm0, $0xb8;
	[tilespmem:$0x18200] =	vst v63  }
0xf0: {  	s24 =	simm.s32 $0x14200  }
0xf1: {  	[tilespmem:s24], [sflag:$0x2] =	stream.indirect_vreg.gather [hbm4b:s7+s1], $0x80, v3, vm0, $0xb8;
	[tilespmem:$0x18200] =	vst v63  }
0xf2: {  	s24 =	simm.s32 $0x14A00  }
0xf3: {  	[tilespmem:s24], [sflag:$0x2] =	stream.indirect_vreg.gather [hbm4b:s8+s1], $0x80, v3, vm0, $0xb8;
	[tilespmem:$0x18200] =	vst v63  }
0xf4: {  	s24 =	simm.s32 $0x15200  }
0xf5: {  	[tilespmem:s24], [sflag:$0x2] =	stream.indirect_vreg.gather [hbm4b:s9+s1], $0x80, v3, vm0, $0xb8;
	[tilespmem:$0x18200] =	vst v63  }
0xf6: {  	s24 =	simm.s32 $0x15A00  }
0xf7: {  	[tilespmem:s24], [sflag:$0x2] =	stream.indirect_vreg.gather [hbm4b:s10+s1], $0x80, v3, vm0, $0xb8;
	[tilespmem:$0x18200] =	vst v63  }
0xf8: {  	s24 =	simm.s32 $0x16200  }
0xf9: {  	[tilespmem:s24], [sflag:$0x2] =	stream.indirect_vreg.gather [hbm4b:s12+s1], $0x80, v3, vm0, $0xb8;
	[tilespmem:$0x18200] =	vst v63  }
0xfa: {  	s24 =	simm.s32 $0x16A00  }
0xfb: {  	[tilespmem:s24], [sflag:$0x2] =	stream.indirect_vreg.gather [hbm4b:s13+s1], $0x80, v3, vm0, $0xb8;
	[tilespmem:$0x18200] =	vst v63  }
0xfc: {  	s24 =	simm.s32 $0x17200  }
0xfd: {  	[tilespmem:s24], [sflag:$0x2] =	stream.indirect_vreg.gather [hbm4b:s14+s1], $0x80, v3, vm0, $0xb8;
	[tilespmem:$0x18200] =	vst v63  }
0xfe: {  	s24 =	simm.s32 $0x17A00  }
0xff: {  	[tilespmem:s24], [sflag:$0x2] =	stream.indirect_vreg.gather [hbm4b:s15+s1], $0x80, v3, vm0, $0xb8;
	[tilespmem:$0x18200] =	vst v63  }
0x100: {  	_ =	swait.ge [sflag:s0], $0xC000  }
0x101: {  	[sflag:s0] =	ssyncset.done $0x0  }
0x102: {  	s18 =	simm.s32 $0x200;
	s24 =	rddreg [dreg:$0x4];
	[sflag:s0] =	ssyncadd.s32 $0xFFFF4000  }
0x103: {  	[hbm4b:s24+s1] =	stream.linear.scatter [tilespmem:s18], [sflag:$0x3], $0xC000, $0x38;
	[tilespmem:$0x18200] =	vst v63  }
0x104: {  	_ =	swait.ge [sflag:s17], $0xC000  }
0x105: {  	[sflag:s17] =	ssyncset.done $0x0  }
0x106: {  	[sflag:s17] =	ssyncadd.s32 $0xFFFF4000  }
0x107: {  	_ =	swait.ge [sflag:s11], $0xC000  }
0x108: {  	p0 =	sne.s32 s16, $0x1;
	[sflag:s11] =	ssyncset.done $0x0  }
.Ltmp0:
0x109: {  	s18 =	rddreg [dreg:$0x5];
	[sflag:s11] =	ssyncadd.s32 $0xFFFF4000;
	(pc) =	sbr.rel @p0 .LBB2_1-.Ltmp0, $4  }
0x10a: {  	[hbm4b:s18+s1] =	stream.linear.scatter [tilespmem:s2], [sflag:$0x3], $0xC000, $0x38;
	[tilespmem:$0x18200] =	vst v63  }
0x10b: {  	_ =	swait.ge [sflag:s17], $0xC000  }
0x10c: {  	[sflag:s17] =	ssyncset.done $0x0  }
0x10d: {  	s16 =	sadd.s32 $0xFFFFFFFF, s16;
	[sflag:s17] =	ssyncadd.s32 $0xFFFF4000  }
0x10e: {  	_ =	sfence.sel $0x180000  }
0x10f: {  	[bflag:$0x0] =	sbarrier.arrive $0xFFFF  }
0x110: {  	_ =	strace $0x9000004A  }
0x111: {  	s0 =	stileid.u32;
	[bflag:$0x2] =	sbarrier.arrive $0xFFFF  }
0x112: {  	p0 =	sne.s32 s0, $0x0;
	s0 =	rddreg [dreg:$0x1]  }
0x113: {  	s0 =	sadd.s32 @!p0 $0x100000, s0  }
0x114: {  	[sflag:s0] =	ssyncadd.tile.s32 @!p0 $0x1;
	_ =	shalt  }
.Lfunc_end2:
_tile_overlayer_lowered:
.L_overlay_start_2:
0x115: {  	(tag) =	ssettag $0x2  }
0x116: {  	s0 =	rddreg [dreg:$0x0];
	s2 =	stileid.u32  }
0x117: {  	s1 =	rddreg [dreg:$0x1];
	p0 =	sne.s32 s2, $0x0  }
0x118: {  	s3 =	rddreg [dreg:$0x2];
	[bflag:$0x3] =	sbarrier.arrive $0xFFFF;
	s2 =	simm.s32 @!p0 $0x1C03  }
0x119: {  	[timem:s3], [sflag:s2] =	dma.local @!p0 [hbm:s0], s1  }
0x11a: {  	s0 =	simm.s32 @!p0 $0x3  }
0x11b: {  	_ =	swait.ge @!p0 [sflag:s0], s1  }
0x11c: {  	s1 =	ssub.s32 @!p0 $0x0, s1;
	[sflag:s0] =	ssyncset.done @!p0 $0x0  }
0x11d: {  	[sflag:s0] =	ssyncadd.s32 @!p0 s1  }
0x11e: {  	[bflag:$0x3] =	sbarrier.arrive $0xFFFF  }
0x11f: {  	_ =	shalt  }

// kernel: kernel.7.cloned.1.call-start
scs
__scs_entry_jumppad:
0x0: {  	(pc) =	sbr.rel $0x88, $3  }
0x1: {  	(tag) =	ssettag $0x0;
	lr =	simm.s32 $0x1  }
0x2: {  	[smem:$0x3F7E] =	sst lr;
	_ =	strace $0xD0000000  }
0x3: {  	_ = 	snop  }
0x4: {  	_ = 	snop  }
0x5: {  	_ = 	snop  }
0x6: {  	_ = 	snop  }
0x7: {  	_ = 	snop  }
__scs_overlays_trampoline_lowered:
0x8: {  	[smem:$0x3F8D] =	sst s0  }
0x9: {  	[smem:$0x3F8E] =	sst s1  }
0xa: {  	[smem:$0x3F8F] =	sst s2  }
0xb: {  	[smem:$0x3F90] =	sst s3  }
0xc: {  	[smem:$0x3F91] =	sst s4  }
0xd: {  	[smem:$0x3F92] =	sst s5  }
0xe: {  	[smem:$0x3F93] =	sst s6  }
0xf: {  	[smem:$0x3F94] =	sst s7  }
0x10: {  	[smem:$0x3F95] =	sst s8  }
0x11: {  	[smem:$0x3F96] =	sst s9;
	s0 =	simm.s32 @!p0 $0x0  }
0x12: {  	s1 =	sld [smem:$0x3F7C];
	s0 =	simm.s32 @p0 $0x1  }
0x13: {  	[smem:$0x3F97] =	sst s0;
	s0 =	simm.s32 @!p1 $0x0  }
0x14: {  	s2 =	sld [smem:$0x3F7B];
	s0 =	simm.s32 @p1 $0x1  }
0x15: {  	[smem:$0x3F98] =	sst s0;
	s0 =	simm.s32 @!p2 $0x0  }
0x16: {  	s3 =	sld [smem:$0x3FDB];
	s0 =	simm.s32 @p2 $0x1  }
0x17: {  	s4 =	simm.s32 $0x1BF5;
	[smem:$0x3F9A] =	sst s0  }
0x18: {  	s0 =	sld [smem:$0x3F7D];
	_ =	swait.ge [sflag:s4], $0x0  }
0x19: {  	s7 =	sld [smem:$0x3F7E]  }
0x1a: {  	s8 =	sadd.s32 $0xFFFFE003, lr  }
0x1b: {  	s9 =	sadd.s32 $0xFFFFFEF7, lr;
	s5 =	simm.s32 $0xFFFFFFFF;
	p2 =	slt.u32 s8, $0xFFFFF086  }
0x1c: {  	p1 =	slt.u32 s9, $0xF7A;
	s5 =	simm.s32 @!p2 $0x0  }
0x1d: {  	s5 =	simm.s32 @p1 $0x1;
	p0 =	seq.s32 s7, s2  }
0x1e: {  	s7 =	smul.u32 @!p0 $0xF7A, s2;
	p2 =	seq.s32 @!p0 s5, $0x0  }
0x1f: {  	s9 =	smul.u32 $0xF7A, s1;
	s8 =	simm.s32 @!p0 $0x1BF5;
	p2 =	por !p2, p0  }
0x20: {  	[sflag:s8] =	ssyncset.s32 @!p0 $0xFFFFF086;
	s6 =	sadd.s32 @!p0 s3, s7;
	s7 =	simm.s32 @!p0 $0x108  }
0x21: {  	s3 =	sadd.s32 s3, s9;
	s6 =	sadd.s32 @!p0 $0x88, s6;
	s7 =	simm.s32 @p2 $0x1082  }
0x22: {  	[simem:s7], [sflag:s8] =	dma.local @!p0 [hbm:s6], $0xF7A  }
0x23: {  	s9 =	sor.u32 $0xD0000000, s2;
	s6 =	simm.s32 $0x108;
	_ =	swait.ge @!p0 [sflag:s8], $0x0  }
0x24: {  	s3 =	sadd.s32 $0x88, s3;
	s6 =	simm.s32 @!p1 $0x1082;
	[sflag:s4] =	ssyncset.s32 $0xFFFFF086  }
0x25: {  	[simem:s6], [sflag:s4] =	dma.local [hbm:s3], $0xF7A  }
0x26: {  	[smem:$0x3F7E] =	sst s1;
	(tag) =	ssettag s2;
	_ =	strace s9  }
0x27: {  	s1 =	sld [smem:$0x3F8E]  }
0x28: {  	s2 =	sld [smem:$0x3F8F]  }
0x29: {  	s4 =	sld [smem:$0x3F91]  }
0x2a: {  	p0 =	seq.s32 s5, $0x0;
	s5 =	sld [smem:$0x3F92]  }
0x2b: {  	s6 =	sld [smem:$0x3F93]  }
0x2c: {  	s7 =	sld [smem:$0x3F94]  }
0x2d: {  	s3 =	simm.s32 $0x108;
	s8 =	sld [smem:$0x3F95]  }
0x2e: {  	s3 =	simm.s32 @!p0 $0x1082;
	s9 =	sld [smem:$0x3F96]  }
0x2f: {  	lr =	sadd.s32 s0, s3;
	s0 =	sld [smem:$0x3F8D]  }
0x30: {  	s3 =	sld [smem:$0x3F90]  }
0x31: {  	[smem:$0x3F99] =	sst s10  }
0x32: {  	s10 =	sld [smem:$0x3F97];
	_ =	sdelay $0x3  }
0x33: {  	p0 =	seq.s32 s10, $0x1;
	s10 =	sld [smem:$0x3F99];
	_ =	sdelay $0x3  }
0x34: {  	[smem:$0x3F99] =	sst s10  }
0x35: {  	s10 =	sld [smem:$0x3F98];
	_ =	sdelay $0x3  }
0x36: {  	p1 =	seq.s32 s10, $0x1;
	s10 =	sld [smem:$0x3F99];
	_ =	sdelay $0x3  }
0x37: {  	[smem:$0x3F99] =	sst s10  }
0x38: {  	s10 =	sld [smem:$0x3F9A]  }
0x39: {  	_ = 	snop;
	(pc) =	sbr.ind lr, $3  }
0x3a: {  	_ = 	snop  }
0x3b: {  	_ = 	snop  }
0x3c: {  	p2 =	seq.s32 s10, $0x1;
	s10 =	sld [smem:$0x3F99]  }
0x3d: {  	_ =	shalt  }
0x3e: {  	_ =	shalt  }
0x3f: {  	_ =	shalt  }
0x40: {  	_ =	shalt  }
0x41: {  	_ =	shalt  }
0x42: {  	_ =	shalt  }
0x43: {  	_ =	shalt  }
0x44: {  	_ =	shalt  }
0x45: {  	_ =	shalt  }
0x46: {  	_ =	shalt  }
0x47: {  	_ =	shalt  }
0x48: {  	_ =	shalt  }
0x49: {  	_ =	shalt  }
0x4a: {  	_ =	shalt  }
0x4b: {  	_ =	shalt  }
0x4c: {  	_ =	shalt  }
0x4d: {  	_ =	shalt  }
0x4e: {  	_ =	shalt  }
0x4f: {  	_ =	shalt  }
0x50: {  	_ =	shalt  }
0x51: {  	_ =	shalt  }
0x52: {  	_ =	shalt  }
0x53: {  	_ =	shalt  }
0x54: {  	_ =	shalt  }
0x55: {  	_ =	shalt  }
0x56: {  	_ =	shalt  }
0x57: {  	_ =	shalt  }
0x58: {  	_ =	shalt  }
0x59: {  	_ =	shalt  }
0x5a: {  	_ =	shalt  }
0x5b: {  	_ =	shalt  }
0x5c: {  	_ =	shalt  }
0x5d: {  	_ =	shalt  }
0x5e: {  	_ =	shalt  }
0x5f: {  	_ =	shalt  }
0x60: {  	_ =	shalt  }
0x61: {  	_ =	shalt  }
0x62: {  	_ =	shalt  }
0x63: {  	_ =	shalt  }
0x64: {  	_ =	shalt  }
0x65: {  	_ =	shalt  }
0x66: {  	_ =	shalt  }
0x67: {  	_ =	shalt  }
0x68: {  	_ =	shalt  }
0x69: {  	_ =	shalt  }
0x6a: {  	_ =	shalt  }
0x6b: {  	_ =	shalt  }
0x6c: {  	_ =	shalt  }
0x6d: {  	_ =	shalt  }
0x6e: {  	_ =	shalt  }
0x6f: {  	_ =	shalt  }
0x70: {  	_ =	shalt  }
0x71: {  	_ =	shalt  }
0x72: {  	_ =	shalt  }
0x73: {  	_ =	shalt  }
0x74: {  	_ =	shalt  }
0x75: {  	_ =	shalt  }
0x76: {  	_ =	shalt  }
0x77: {  	_ =	shalt  }
0x78: {  	_ =	shalt  }
0x79: {  	_ =	shalt  }
0x7a: {  	_ =	shalt  }
0x7b: {  	_ =	shalt  }
0x7c: {  	_ =	shalt  }
0x7d: {  	_ =	shalt  }
0x7e: {  	_ =	shalt  }
0x7f: {  	_ =	shalt  }
0x80: {  	_ =	shalt  }
0x81: {  	_ =	shalt  }
0x82: {  	_ =	shalt  }
0x83: {  	_ =	shalt  }
0x84: {  	_ =	shalt  }
0x85: {  	_ =	shalt  }
0x86: {  	_ =	shalt  }
0x87: {  	_ =	shalt  }
.Lfunc_end0:
.L_simem_size_0:
called_computation_lowered:
.L_overlay_start_0:
0x88: {  	s2 =	sld [smem:$0x3FD9]  }
0x89: {  	s3 =	sld [smem:$0x3FFE];
	_ =	sdelay $0x1  }
0x8a: {  	s1 =	srdreg.scid  }
0x8b: {  	s0 =	sand.u32 $0x1, s1  }
0x8c: {  	s16 =	sshll.u32 s0, $0xA;
	s2 =	sadd.s32 s3, s2  }
0x8d: {  	s2 =	sadd.s32 s2, s16  }
0x8e: {  	[smem:$0x3FA5] =	sst s2  }
0x8f: {  	_ = 	snop  }
0x90: {  	(tm) =	ssettm $0x1  }
0x91: {  	s17 =	sld [smem:$0x3FFB];
	_ =	sdelay $0x3  }
0x92: {  	_ =	strace s17  }
0x93: {  	s2 =	sld [smem:$0x3FFC];
	_ =	sdelay $0x3  }
0x94: {  	_ =	strace s2  }
0x95: {  	s2 =	sld [smem:$0x3FFD];
	_ =	sdelay $0x3  }
0x96: {  	_ =	strace s2  }
0x97: {  	_ =	strace $0x8FFFFFFF  }
0x98: {  	s18 =	sld [smem:$0x3FDB];
	_ =	sdelay $0x1  }
0x99: {  	s19 =	simm.s32 $_scs_section_size  }
0x9a: {  	s4 =	simm.s32 $_size__tile_overlayer_lowered;
	s5 =	simm.s32 $_tile_overlayer_lowered  }
0x9b: {  	s22 =	simm.s32 $0x1BFF;
	s21 =	sshll.u32 s5, $0x1;
	s2 =	sadd.s32 s19, s18  }
0x9c: {  	s6 =	simm.s32 $0x0;
	s20 =	sshll.u32 s4, $0x1;
	s4 =	sadd.s32 s21, s2  }
0x9d: {  	[timem:s6], [sflag:s22] =	dma.local [hbm:s4], s20  }
0x9e: {  	_ =	swait.ge [sflag:s22], s20  }
0x9f: {  	s3 =	ssub.s32 $0x0, s20;
	[sflag:s22] =	ssyncset.done $0x0  }
0xa0: {  	[sflag:s22] =	ssyncadd.s32 s3;
	_ =	sdelay $0x1  }
0xa1: {  	s23 =	simm.s32 $0x1B8B  }
0xa2: {  	_ =	swait.ge [sflag:s23], $0x1  }
0xa3: {  	[sflag:s23] =	ssyncset.done $0x0  }
0xa4: {  	s25 =	simm.s32 $0x1B8E;
	s24 =	sld [smem:$0x3FFE];
	[sflag:s23] =	ssyncadd.s32 $0xFFFFFFFF  }
0xa5: {  	s26 =	simm.s32 $execute0_lowered;
	[smem:$0x3FD2] =	sst s25  }
0xa6: {  	s4 =	sshll.u32 s26, $0x1;
	_ =	strace $0x80000046;
	[dreg:$0x1] =	wrdreg $0xFFFFFFFF  }
0xa7: {  	s28 =	simm.s32 $_size_execute0_lowered;
	s2 =	sadd.s32 s2, s4;
	[dreg:$0x0] =	wrdreg $0x0  }
0xa8: {  	s4 =	sshll.u32 s28, $0x1;
	[dreg:$0x2] =	wrdreg s2  }
0xa9: {  	[dreg:$0x3] =	wrdreg s4  }
0xaa: {  	[dreg:$0x4] =	wrdreg $0xC0  }
0xab: {  	_ =	task [dreg:s6], $0x5FFFF  }
0xac: {  	[dreg:$0x1] =	wrdreg $0xFFFFFFFF  }
0xad: {  	[dreg:$0x0] =	wrdreg $0x60  }
0xae: {  	[dreg:$0x2] =	wrdreg s24  }
0xaf: {  	[dreg:$0x3] =	wrdreg $0x9  }
0xb0: {  	_ =	task.clear_ibuf [dreg:s6], $0x4FFFF;
	_ =	strace $0x90000046  }
0xb1: {  	s29 =	simm.s32 $0x9;
	_ =	strace $0x80000048  }
0xb2: {  	_ =	swait.ge [sflag:s29], $0x1  }
0xb3: {  	[sflag:s29] =	ssyncadd.s32 $0xFFFFFFFF  }
0xb4: {  	_ =	strace $0x90000048  }
0xb5: {  	_ =	sfence  }
0xb6: {  	s30 =	sld [smem:$0x0];
	_ =	sdelay $0x2  }
0xb7: {  	s31 =	sshll.u32 s1, $0xD;
	s1 =	sshrl.u32 s1, $0x2  }
0xb8: {  	s3 =	sand.u32 $0x4000, s31;
	s1 =	sadd.s32 s1, s30  }
0xb9: {  	s0 =	sor.u32 s3, s0;
	s1 =	sshll.u32 s1, $0x11  }
0xba: {  	s0 =	sor.u32 s1, s0  }
0xbb: {  	s0 =	sadd.s32 $0x8F2B, s0  }
0xbc: {  	[sflag:s0] =	ssyncadd.remote.s32 $0x1  }
0xbd: {  	_ =	sfence.sel $0xFFFF  }
0xbe: {  	[dreg:$0x0] =	wrdreg $0xFFFFFFFF;
	(pc) =	sbr.abs _section_cstart, $3  }
0xbf: {  	[dreg:$0x1] =	wrdreg $0xFFFFFFFF  }
0xc0: {  	_ =	task.clear_ibuf [dreg:s6], $0x2FFFF;
	_ =	strace $0x9FFFFFFF  }
0xc1: {  	(tm) =	ssettm $0x7FFFFFFF  }
tec
execute0_lowered:
.L_overlay_start_1:
0x0: {  	(tag) =	ssettag $0x1  }
0x1: {  	s0 =	srdreg.scid;
	s1 =	stileid.u32  }
0x2: {  	s0 =	sand.u32 $0x1, s0;
	s1 =	sshll.u32 s1, $0x1  }
0x3: {  	s4 =	rddreg [dreg:$0x0];
	s1 =	sor.u32 s0, s1  }
0x4: {  	s2 =	simm.s32 $0x0;
	s29 =	simm.s32 $0x400;
	s3 =	sshll.u32 s1, $0x7  }
0x5: {  	s23 =	simm.s32 $0x8400;
	s1 =	sshll.u32 s1, $0xF;
	s3 =	sadd.s32 s3, s4  }
0x6: {  	[smem:$0x7FF] =	sst s2;
	s1 =	sadd.s32 s1, s4;
	s3 =	sadd.s32 $0x32E00, s3  }
0x7: {  	_ =	strace $0x80000047;
	s24 =	sadd.s32 $0x33E00, s1;
	[dreg:$0x2] =	wrdreg s3  }
0x8: {  	s14 =	simm.s32 $0x1;
	s25 =	sadd.s32 $0x34E00, s1;
	[dreg:$0x3] =	wrdreg s24  }
0x9: {  	s15 =	simm.s32 $0x2;
	s26 =	sadd.s32 $0x35E00, s1;
	[dreg:$0x4] =	wrdreg s25  }
0xa: {  	s0 =	ssub.s32 $0x2, s0;
	s28 =	sadd.s32 $0x36E00, s1;
	[dreg:$0x5] =	wrdreg s26  }
0xb: {  	s6 =	sshrl.u32 s0, $0x1;
	s5 =	sadd.s32 $0x37E00, s1;
	[dreg:$0x6] =	wrdreg s28  }
0xc: {  	s0 =	ssub.s32 s0, s6;
	s30 =	sadd.s32 $0x38E00, s1;
	[dreg:$0x7] =	wrdreg s5  }
0xd: {  	v2 =	vlaneseq.u32;
	s6 =	simm.s32 $0x3;
	s31 =	sadd.s32 $0x39E00, s1;
	[dreg:$0x8] =	wrdreg s30  }
0xe: {  	vm0 =	vmmov $0xffff;
	v1 =	vshrl.u32 v2, $0x3;
	s1 =	sadd.s32 $0x3AE00, s1;
	s3 =	sadd.s32 $0x3E00, s4;
	[dreg:$0x9] =	wrdreg s31  }
0xf: {  	v0 =	vand.u32 $0x7, v2;
	v2 =	vor.u32 $0x8, v2;
	v1 =	vmul.u32 $0x8, v1;
	s4 =	sadd.s32 $0x3F00, s4;
	[dreg:$0xa] =	wrdreg s1;
	s5 =	smax.u32 s0, $0x1  }
.LBB2_1:
0x10: {  	s16 =	rddreg [dreg:$0x2]  }
0x11: {  	[tilespmem:s2], [sflag:$0x3] =	stream.linear.gather [hbm4b:s16+s2], $0x400, $0x38;
	[tilespmem:$0x10400] =	vst v63  }
0x12: {  	_ =	swait.ge [sflag:s6], $0x400  }
0x13: {  	[sflag:s6] =	ssyncset.done $0x0  }
0x14: {  	[sflag:s6] =	ssyncadd.s32 $0xFFFFFC00  }
0x15: {  	v3 =	vld [tilespmem:$0x0];
	_ =	sdelay $0x4  }
0x16: {  	v4 =	vshll.u32 v3, $0x2  }
0x17: {  	v3 =	vand.u32 $0x7, v3;
	v4 =	vand.u32 $0xFFFFFFE0, v4  }
0x18: {  	v3 =	vor.u32 v3, v4  }
0x19: {  	v4 =	vperm.xlane v3, v0;
	_ =	sdelay $0x1  }
0x1a: {  	v4 =	vadd.s32 v1, v4;
	_ =	sdelay $0x1  }
0x1b: {  	v3 =	vperm.xlane v3, v2;
	_ =	sdelay $0x1  }
0x1c: {  	v3 =	vadd.s32 v1, v3  }
0x1d: {  	[tilespmem:s29], [sflag:$0x1] =	stream.indirect_vreg.gather [hbm4b:s3+s2], $0x80, v4, vm0, $0xb8;
	[tilespmem:$0x10400] =	vst v63  }
0x1e: {  	s0 =	simm.s32 $0xC00  }
0x1f: {  	[tilespmem:s0], [sflag:$0x1] =	stream.indirect_vreg.gather [hbm4b:s4+s2], $0x80, v4, vm0, $0xb8;
	[tilespmem:$0x10400] =	vst v63  }
0x20: {  	s22 =	simm.s32 $0x1400  }
0x21: {  	[tilespmem:s22], [sflag:$0x1] =	stream.indirect_vreg.gather [hbm4b:s3+s2], $0x80, v3, vm0, $0xb8;
	[tilespmem:$0x10400] =	vst v63  }
0x22: {  	s24 =	simm.s32 $0x1C00  }
0x23: {  	[tilespmem:s24], [sflag:$0x1] =	stream.indirect_vreg.gather [hbm4b:s4+s2], $0x80, v3, vm0, $0xb8;
	[tilespmem:$0x10400] =	vst v63  }
0x24: {  	v3 =	vld [tilespmem:$0x10];
	_ =	sdelay $0x4  }
0x25: {  	v33 =	vshll.u32 v3, $0x2  }
0x26: {  	v3 =	vand.u32 $0x7, v3;
	v4 =	vand.u32 $0xFFFFFFE0, v33  }
0x27: {  	v3 =	vor.u32 v3, v4  }
0x28: {  	v4 =	vperm.xlane v3, v0;
	_ =	sdelay $0x1  }
0x29: {  	v4 =	vadd.s32 v1, v4;
	_ =	sdelay $0x1  }
0x2a: {  	v3 =	vperm.xlane v3, v2;
	_ =	sdelay $0x1  }
0x2b: {  	s25 =	simm.s32 $0x2400;
	v3 =	vadd.s32 v1, v3  }
0x2c: {  	[tilespmem:s25], [sflag:$0x1] =	stream.indirect_vreg.gather [hbm4b:s3+s2], $0x80, v4, vm0, $0xb8;
	[tilespmem:$0x10400] =	vst v63  }
0x2d: {  	s26 =	simm.s32 $0x2C00  }
0x2e: {  	[tilespmem:s26], [sflag:$0x1] =	stream.indirect_vreg.gather [hbm4b:s4+s2], $0x80, v4, vm0, $0xb8;
	[tilespmem:$0x10400] =	vst v63  }
0x2f: {  	s28 =	simm.s32 $0x3400  }
0x30: {  	[tilespmem:s28], [sflag:$0x1] =	stream.indirect_vreg.gather [hbm4b:s3+s2], $0x80, v3, vm0, $0xb8;
	[tilespmem:$0x10400] =	vst v63  }
0x31: {  	s30 =	simm.s32 $0x3C00  }
0x32: {  	[tilespmem:s30], [sflag:$0x1] =	stream.indirect_vreg.gather [hbm4b:s4+s2], $0x80, v3, vm0, $0xb8;
	[tilespmem:$0x10400] =	vst v63  }
0x33: {  	v3 =	vld [tilespmem:$0x20];
	_ =	sdelay $0x4  }
0x34: {  	v34 =	vshll.u32 v3, $0x2  }
0x35: {  	v3 =	vand.u32 $0x7, v3;
	v4 =	vand.u32 $0xFFFFFFE0, v34  }
0x36: {  	v3 =	vor.u32 v3, v4  }
0x37: {  	v4 =	vperm.xlane v3, v0;
	_ =	sdelay $0x1  }
0x38: {  	v4 =	vadd.s32 v1, v4;
	_ =	sdelay $0x1  }
0x39: {  	v3 =	vperm.xlane v3, v2;
	_ =	sdelay $0x1  }
0x3a: {  	s31 =	simm.s32 $0x4400;
	v3 =	vadd.s32 v1, v3  }
0x3b: {  	[tilespmem:s31], [sflag:$0x1] =	stream.indirect_vreg.gather [hbm4b:s3+s2], $0x80, v4, vm0, $0xb8;
	[tilespmem:$0x10400] =	vst v63  }
0x3c: {  	s7 =	simm.s32 $0x4C00  }
0x3d: {  	[tilespmem:s7], [sflag:$0x1] =	stream.indirect_vreg.gather [hbm4b:s4+s2], $0x80, v4, vm0, $0xb8;
	[tilespmem:$0x10400] =	vst v63  }
0x3e: {  	s10 =	simm.s32 $0x5400  }
0x3f: {  	[tilespmem:s10], [sflag:$0x1] =	stream.indirect_vreg.gather [hbm4b:s3+s2], $0x80, v3, vm0, $0xb8;
	[tilespmem:$0x10400] =	vst v63  }
0x40: {  	s11 =	simm.s32 $0x5C00  }
0x41: {  	[tilespmem:s11], [sflag:$0x1] =	stream.indirect_vreg.gather [hbm4b:s4+s2], $0x80, v3, vm0, $0xb8;
	[tilespmem:$0x10400] =	vst v63  }
0x42: {  	v3 =	vld [tilespmem:$0x30];
	_ =	sdelay $0x4  }
0x43: {  	v35 =	vshll.u32 v3, $0x2  }
0x44: {  	v3 =	vand.u32 $0x7, v3;
	v4 =	vand.u32 $0xFFFFFFE0, v35  }
0x45: {  	v3 =	vor.u32 v3, v4  }
0x46: {  	v4 =	vperm.xlane v3, v0;
	_ =	sdelay $0x1  }
0x47: {  	v4 =	vadd.s32 v1, v4;
	_ =	sdelay $0x1  }
0x48: {  	v3 =	vperm.xlane v3, v2;
	_ =	sdelay $0x1  }
0x49: {  	s16 =	simm.s32 $0x6400;
	v3 =	vadd.s32 v1, v3  }
0x4a: {  	[tilespmem:s16], [sflag:$0x1] =	stream.indirect_vreg.gather [hbm4b:s3+s2], $0x80, v4, vm0, $0xb8;
	[tilespmem:$0x10400] =	vst v63  }
0x4b: {  	s17 =	simm.s32 $0x6C00  }
0x4c: {  	[tilespmem:s17], [sflag:$0x1] =	stream.indirect_vreg.gather [hbm4b:s4+s2], $0x80, v4, vm0, $0xb8;
	[tilespmem:$0x10400] =	vst v63  }
0x4d: {  	s19 =	simm.s32 $0x7400  }
0x4e: {  	[tilespmem:s19], [sflag:$0x1] =	stream.indirect_vreg.gather [hbm4b:s3+s2], $0x80, v3, vm0, $0xb8;
	[tilespmem:$0x10400] =	vst v63  }
0x4f: {  	s20 =	simm.s32 $0x7C00  }
0x50: {  	[tilespmem:s20], [sflag:$0x1] =	stream.indirect_vreg.gather [hbm4b:s4+s2], $0x80, v3, vm0, $0xb8;
	[tilespmem:$0x10400] =	vst v63  }
0x51: {  	v3 =	vld [tilespmem:$0x80];
	_ =	sdelay $0x4  }
0x52: {  	v36 =	vshll.u32 v3, $0x2  }
0x53: {  	v3 =	vand.u32 $0x7, v3;
	v4 =	vand.u32 $0xFFFFFFE0, v36  }
0x54: {  	v3 =	vor.u32 v3, v4  }
0x55: {  	v4 =	vperm.xlane v3, v0;
	_ =	sdelay $0x1  }
0x56: {  	v4 =	vadd.s32 v1, v4;
	_ =	sdelay $0x1  }
0x57: {  	v3 =	vperm.xlane v3, v2;
	_ =	sdelay $0x1  }
0x58: {  	v3 =	vadd.s32 v1, v3  }
0x59: {  	[tilespmem:s23], [sflag:$0x2] =	stream.indirect_vreg.gather [hbm4b:s3+s2], $0x80, v4, vm0, $0xb8;
	[tilespmem:$0x10400] =	vst v63  }
0x5a: {  	s21 =	simm.s32 $0x8C00  }
0x5b: {  	[tilespmem:s21], [sflag:$0x2] =	stream.indirect_vreg.gather [hbm4b:s4+s2], $0x80, v4, vm0, $0xb8;
	[tilespmem:$0x10400] =	vst v63  }
0x5c: {  	s22 =	simm.s32 $0x9400  }
0x5d: {  	[tilespmem:s22], [sflag:$0x2] =	stream.indirect_vreg.gather [hbm4b:s3+s2], $0x80, v3, vm0, $0xb8;
	[tilespmem:$0x10400] =	vst v63  }
0x5e: {  	s24 =	simm.s32 $0x9C00  }
0x5f: {  	[tilespmem:s24], [sflag:$0x2] =	stream.indirect_vreg.gather [hbm4b:s4+s2], $0x80, v3, vm0, $0xb8;
	[tilespmem:$0x10400] =	vst v63  }
0x60: {  	v3 =	vld [tilespmem:$0x90];
	_ =	sdelay $0x4  }
0x61: {  	v37 =	vshll.u32 v3, $0x2  }
0x62: {  	v3 =	vand.u32 $0x7, v3;
	v4 =	vand.u32 $0xFFFFFFE0, v37  }
0x63: {  	v3 =	vor.u32 v3, v4  }
0x64: {  	v4 =	vperm.xlane v3, v0;
	_ =	sdelay $0x1  }
0x65: {  	v4 =	vadd.s32 v1, v4;
	_ =	sdelay $0x1  }
0x66: {  	v3 =	vperm.xlane v3, v2;
	_ =	sdelay $0x1  }
0x67: {  	s25 =	simm.s32 $0xA400;
	v3 =	vadd.s32 v1, v3  }
0x68: {  	[tilespmem:s25], [sflag:$0x2] =	stream.indirect_vreg.gather [hbm4b:s3+s2], $0x80, v4, vm0, $0xb8;
	[tilespmem:$0x10400] =	vst v63  }
0x69: {  	s26 =	simm.s32 $0xAC00  }
0x6a: {  	[tilespmem:s26], [sflag:$0x2] =	stream.indirect_vreg.gather [hbm4b:s4+s2], $0x80, v4, vm0, $0xb8;
	[tilespmem:$0x10400] =	vst v63  }
0x6b: {  	s28 =	simm.s32 $0xB400  }
0x6c: {  	[tilespmem:s28], [sflag:$0x2] =	stream.indirect_vreg.gather [hbm4b:s3+s2], $0x80, v3, vm0, $0xb8;
	[tilespmem:$0x10400] =	vst v63  }
0x6d: {  	s30 =	simm.s32 $0xBC00  }
0x6e: {  	[tilespmem:s30], [sflag:$0x2] =	stream.indirect_vreg.gather [hbm4b:s4+s2], $0x80, v3, vm0, $0xb8;
	[tilespmem:$0x10400] =	vst v63  }
0x6f: {  	v3 =	vld [tilespmem:$0xA0];
	_ =	sdelay $0x4  }
0x70: {  	v38 =	vshll.u32 v3, $0x2  }
0x71: {  	v3 =	vand.u32 $0x7, v3;
	v4 =	vand.u32 $0xFFFFFFE0, v38  }
0x72: {  	v3 =	vor.u32 v3, v4  }
0x73: {  	v4 =	vperm.xlane v3, v0;
	_ =	sdelay $0x1  }
0x74: {  	v4 =	vadd.s32 v1, v4;
	_ =	sdelay $0x1  }
0x75: {  	v3 =	vperm.xlane v3, v2;
	_ =	sdelay $0x1  }
0x76: {  	s31 =	simm.s32 $0xC400;
	v3 =	vadd.s32 v1, v3  }
0x77: {  	[tilespmem:s31], [sflag:$0x2] =	stream.indirect_vreg.gather [hbm4b:s3+s2], $0x80, v4, vm0, $0xb8;
	[tilespmem:$0x10400] =	vst v63  }
0x78: {  	s0 =	simm.s32 $0xCC00  }
0x79: {  	[tilespmem:s0], [sflag:$0x2] =	stream.indirect_vreg.gather [hbm4b:s4+s2], $0x80, v4, vm0, $0xb8;
	[tilespmem:$0x10400] =	vst v63  }
0x7a: {  	s10 =	simm.s32 $0xD400  }
0x7b: {  	[tilespmem:s10], [sflag:$0x2] =	stream.indirect_vreg.gather [hbm4b:s3+s2], $0x80, v3, vm0, $0xb8;
	[tilespmem:$0x10400] =	vst v63  }
0x7c: {  	s11 =	simm.s32 $0xDC00  }
0x7d: {  	[tilespmem:s11], [sflag:$0x2] =	stream.indirect_vreg.gather [hbm4b:s4+s2], $0x80, v3, vm0, $0xb8;
	[tilespmem:$0x10400] =	vst v63  }
0x7e: {  	v3 =	vld [tilespmem:$0xB0];
	_ =	sdelay $0x4  }
0x7f: {  	v39 =	vshll.u32 v3, $0x2  }
0x80: {  	v3 =	vand.u32 $0x7, v3;
	v4 =	vand.u32 $0xFFFFFFE0, v39  }
0x81: {  	v3 =	vor.u32 v3, v4  }
0x82: {  	v4 =	vperm.xlane v3, v0;
	_ =	sdelay $0x1  }
0x83: {  	v4 =	vadd.s32 v1, v4;
	_ =	sdelay $0x1  }
0x84: {  	v3 =	vperm.xlane v3, v2;
	_ =	sdelay $0x1  }
0x85: {  	s17 =	simm.s32 $0xE400;
	v3 =	vadd.s32 v1, v3  }
0x86: {  	[tilespmem:s17], [sflag:$0x2] =	stream.indirect_vreg.gather [hbm4b:s3+s2], $0x80, v4, vm0, $0xb8;
	[tilespmem:$0x10400] =	vst v63  }
0x87: {  	s19 =	simm.s32 $0xEC00  }
0x88: {  	[tilespmem:s19], [sflag:$0x2] =	stream.indirect_vreg.gather [hbm4b:s4+s2], $0x80, v4, vm0, $0xb8;
	[tilespmem:$0x10400] =	vst v63  }
0x89: {  	s20 =	simm.s32 $0xF400  }
0x8a: {  	[tilespmem:s20], [sflag:$0x2] =	stream.indirect_vreg.gather [hbm4b:s3+s2], $0x80, v3, vm0, $0xb8;
	[tilespmem:$0x10400] =	vst v63  }
0x8b: {  	s21 =	simm.s32 $0xFC00  }
0x8c: {  	[tilespmem:s21], [sflag:$0x2] =	stream.indirect_vreg.gather [hbm4b:s4+s2], $0x80, v3, vm0, $0xb8;
	[tilespmem:$0x10400] =	vst v63  }
0x8d: {  	_ =	swait.ge [sflag:s14], $0x8000  }
0x8e: {  	[sflag:s14] =	ssyncset.done $0x0  }
0x8f: {  	s0 =	rddreg [dreg:$0x3];
	[sflag:s14] =	ssyncadd.s32 $0xFFFF8000  }
0x90: {  	[hbm4b:s0+s2] =	stream.linear.scatter [tilespmem:s29], [sflag:$0x3], $0x8000, $0x38;
	[tilespmem:$0x10400] =	vst v63  }
0x91: {  	_ =	swait.ge [sflag:s6], $0x8000  }
0x92: {  	[sflag:s6] =	ssyncset.done $0x0  }
0x93: {  	[sflag:s6] =	ssyncadd.s32 $0xFFFF8000  }
0x94: {  	v3 =	vld [tilespmem:$0x100];
	_ =	sdelay $0x4  }
0x95: {  	v40 =	vshll.u32 v3, $0x2  }
0x96: {  	v3 =	vand.u32 $0x7, v3;
	v4 =	vand.u32 $0xFFFFFFE0, v40  }
0x97: {  	v3 =	vor.u32 v3, v4  }
0x98: {  	v4 =	vperm.xlane v3, v0;
	_ =	sdelay $0x1  }
0x99: {  	v4 =	vadd.s32 v1, v4;
	_ =	sdelay $0x1  }
0x9a: {  	v3 =	vperm.xlane v3, v2;
	_ =	sdelay $0x1  }
0x9b: {  	v3 =	vadd.s32 v1, v3  }
0x9c: {  	[tilespmem:s29], [sflag:$0x1] =	stream.indirect_vreg.gather [hbm4b:s3+s2], $0x80, v4, vm0, $0xb8;
	[tilespmem:$0x10400] =	vst v63  }
0x9d: {  	s1 =	simm.s32 $0xC00  }
0x9e: {  	[tilespmem:s1], [sflag:$0x1] =	stream.indirect_vreg.gather [hbm4b:s4+s2], $0x80, v4, vm0, $0xb8;
	[tilespmem:$0x10400] =	vst v63  }
0x9f: {  	s8 =	simm.s32 $0x1400  }
0xa0: {  	[tilespmem:s8], [sflag:$0x1] =	stream.indirect_vreg.gather [hbm4b:s3+s2], $0x80, v3, vm0, $0xb8;
	[tilespmem:$0x10400] =	vst v63  }
0xa1: {  	s9 =	simm.s32 $0x1C00  }
0xa2: {  	[tilespmem:s9], [sflag:$0x1] =	stream.indirect_vreg.gather [hbm4b:s4+s2], $0x80, v3, vm0, $0xb8;
	[tilespmem:$0x10400] =	vst v63  }
0xa3: {  	v3 =	vld [tilespmem:$0x110];
	_ =	sdelay $0x4  }
0xa4: {  	v41 =	vshll.u32 v3, $0x2  }
0xa5: {  	v3 =	vand.u32 $0x7, v3;
	v4 =	vand.u32 $0xFFFFFFE0, v41  }
0xa6: {  	v3 =	vor.u32 v3, v4  }
0xa7: {  	v4 =	vperm.xlane v3, v0;
	_ =	sdelay $0x1  }
0xa8: {  	v4 =	vadd.s32 v1, v4;
	_ =	sdelay $0x1  }
0xa9: {  	v3 =	vperm.xlane v3, v2;
	_ =	sdelay $0x1  }
0xaa: {  	s9 =	simm.s32 $0x2400;
	v3 =	vadd.s32 v1, v3  }
0xab: {  	[tilespmem:s9], [sflag:$0x1] =	stream.indirect_vreg.gather [hbm4b:s3+s2], $0x80, v4, vm0, $0xb8;
	[tilespmem:$0x10400] =	vst v63  }
0xac: {  	s10 =	simm.s32 $0x2C00  }
0xad: {  	[tilespmem:s10], [sflag:$0x1] =	stream.indirect_vreg.gather [hbm4b:s4+s2], $0x80, v4, vm0, $0xb8;
	[tilespmem:$0x10400] =	vst v63  }
0xae: {  	s11 =	simm.s32 $0x3400  }
0xaf: {  	[tilespmem:s11], [sflag:$0x1] =	stream.indirect_vreg.gather [hbm4b:s3+s2], $0x80, v3, vm0, $0xb8;
	[tilespmem:$0x10400] =	vst v63  }
0xb0: {  	s13 =	simm.s32 $0x3C00  }
0xb1: {  	[tilespmem:s13], [sflag:$0x1] =	stream.indirect_vreg.gather [hbm4b:s4+s2], $0x80, v3, vm0, $0xb8;
	[tilespmem:$0x10400] =	vst v63  }
0xb2: {  	v3 =	vld [tilespmem:$0x120];
	_ =	sdelay $0x4  }
0xb3: {  	v42 =	vshll.u32 v3, $0x2  }
0xb4: {  	v3 =	vand.u32 $0x7, v3;
	v4 =	vand.u32 $0xFFFFFFE0, v42  }
0xb5: {  	v3 =	vor.u32 v3, v4  }
0xb6: {  	v4 =	vperm.xlane v3, v0;
	_ =	sdelay $0x1  }
0xb7: {  	v4 =	vadd.s32 v1, v4;
	_ =	sdelay $0x1  }
0xb8: {  	v3 =	vperm.xlane v3, v2;
	_ =	sdelay $0x1  }
0xb9: {  	s12 =	simm.s32 $0x4400;
	v3 =	vadd.s32 v1, v3  }
0xba: {  	[tilespmem:s12], [sflag:$0x1] =	stream.indirect_vreg.gather [hbm4b:s3+s2], $0x80, v4, vm0, $0xb8;
	[tilespmem:$0x10400] =	vst v63  }
0xbb: {  	s17 =	simm.s32 $0x4C00  }
0xbc: {  	[tilespmem:s17], [sflag:$0x1] =	stream.indirect_vreg.gather [hbm4b:s4+s2], $0x80, v4, vm0, $0xb8;
	[tilespmem:$0x10400] =	vst v63  }
0xbd: {  	s13 =	simm.s32 $0x5400  }
0xbe: {  	[tilespmem:s13], [sflag:$0x1] =	stream.indirect_vreg.gather [hbm4b:s3+s2], $0x80, v3, vm0, $0xb8;
	[tilespmem:$0x10400] =	vst v63  }
0xbf: {  	s18 =	simm.s32 $0x5C00  }
0xc0: {  	[tilespmem:s18], [sflag:$0x1] =	stream.indirect_vreg.gather [hbm4b:s4+s2], $0x80, v3, vm0, $0xb8;
	[tilespmem:$0x10400] =	vst v63  }
0xc1: {  	v3 =	vld [tilespmem:$0x130];
	_ =	sdelay $0x4  }
0xc2: {  	v43 =	vshll.u32 v3, $0x2  }
0xc3: {  	v3 =	vand.u32 $0x7, v3;
	v4 =	vand.u32 $0xFFFFFFE0, v43  }
0xc4: {  	v3 =	vor.u32 v3, v4  }
0xc5: {  	v4 =	vperm.xlane v3, v0;
	_ =	sdelay $0x1  }
0xc6: {  	v4 =	vadd.s32 v1, v4;
	_ =	sdelay $0x1  }
0xc7: {  	v3 =	vperm.xlane v3, v2;
	_ =	sdelay $0x1  }
0xc8: {  	s18 =	simm.s32 $0x6400;
	v3 =	vadd.s32 v1, v3  }
0xc9: {  	[tilespmem:s18], [sflag:$0x1] =	stream.indirect_vreg.gather [hbm4b:s3+s2], $0x80, v4, vm0, $0xb8;
	[tilespmem:$0x10400] =	vst v63  }
0xca: {  	s19 =	simm.s32 $0x6C00  }
0xcb: {  	[tilespmem:s19], [sflag:$0x1] =	stream.indirect_vreg.gather [hbm4b:s4+s2], $0x80, v4, vm0, $0xb8;
	[tilespmem:$0x10400] =	vst v63  }
0xcc: {  	s12 =	simm.s32 $0x7400  }
0xcd: {  	[tilespmem:s12], [sflag:$0x1] =	stream.indirect_vreg.gather [hbm4b:s3+s2], $0x80, v3, vm0, $0xb8;
	[tilespmem:$0x10400] =	vst v63  }
0xce: {  	s20 =	simm.s32 $0x7C00  }
0xcf: {  	[tilespmem:s20], [sflag:$0x1] =	stream.indirect_vreg.gather [hbm4b:s4+s2], $0x80, v3, vm0, $0xb8;
	[tilespmem:$0x10400] =	vst v63  }
0xd0: {  	_ =	swait.ge [sflag:s15], $0x8000  }
0xd1: {  	[sflag:s15] =	ssyncset.done $0x0  }
0xd2: {  	s8 =	rddreg [dreg:$0x4];
	[sflag:s15] =	ssyncadd.s32 $0xFFFF8000  }
0xd3: {  	[hbm4b:s8+s2] =	stream.linear.scatter [tilespmem:s23], [sflag:$0x3], $0x8000, $0x38;
	[tilespmem:$0x10400] =	vst v63  }
0xd4: {  	_ =	swait.ge [sflag:s6], $0x8000  }
0xd5: {  	[sflag:s6] =	ssyncset.done $0x0  }
0xd6: {  	[sflag:s6] =	ssyncadd.s32 $0xFFFF8000  }
0xd7: {  	v3 =	vld [tilespmem:$0x180];
	_ =	sdelay $0x4  }
0xd8: {  	v44 =	vshll.u32 v3, $0x2  }
0xd9: {  	v3 =	vand.u32 $0x7, v3;
	v4 =	vand.u32 $0xFFFFFFE0, v44  }
0xda: {  	v3 =	vor.u32 v3, v4  }
0xdb: {  	v4 =	vperm.xlane v3, v0;
	_ =	sdelay $0x1  }
0xdc: {  	v4 =	vadd.s32 v1, v4;
	_ =	sdelay $0x1  }
0xdd: {  	v3 =	vperm.xlane v3, v2;
	_ =	sdelay $0x1  }
0xde: {  	v3 =	vadd.s32 v1, v3  }
0xdf: {  	[tilespmem:s23], [sflag:$0x2] =	stream.indirect_vreg.gather [hbm4b:s3+s2], $0x80, v4, vm0, $0xb8;
	[tilespmem:$0x10400] =	vst v63  }
0xe0: {  	s0 =	simm.s32 $0x8C00  }
0xe1: {  	[tilespmem:s0], [sflag:$0x2] =	stream.indirect_vreg.gather [hbm4b:s4+s2], $0x80, v4, vm0, $0xb8;
	[tilespmem:$0x10400] =	vst v63  }
0xe2: {  	s1 =	simm.s32 $0x9400  }
0xe3: {  	[tilespmem:s1], [sflag:$0x2] =	stream.indirect_vreg.gather [hbm4b:s3+s2], $0x80, v3, vm0, $0xb8;
	[tilespmem:$0x10400] =	vst v63  }
0xe4: {  	s7 =	simm.s32 $0x9C00  }
0xe5: {  	[tilespmem:s7], [sflag:$0x2] =	stream.indirect_vreg.gather [hbm4b:s4+s2], $0x80, v3, vm0, $0xb8;
	[tilespmem:$0x10400] =	vst v63  }
0xe6: {  	v3 =	vld [tilespmem:$0x190];
	_ =	sdelay $0x4  }
0xe7: {  	v45 =	vshll.u32 v3, $0x2  }
0xe8: {  	v3 =	vand.u32 $0x7, v3;
	v4 =	vand.u32 $0xFFFFFFE0, v45  }
0xe9: {  	v3 =	vor.u32 v3, v4  }
0xea: {  	v4 =	vperm.xlane v3, v0;
	_ =	sdelay $0x1  }
0xeb: {  	v4 =	vadd.s32 v1, v4;
	_ =	sdelay $0x1  }
0xec: {  	v3 =	vperm.xlane v3, v2;
	_ =	sdelay $0x1  }
0xed: {  	s7 =	simm.s32 $0xA400;
	v3 =	vadd.s32 v1, v3  }
0xee: {  	[tilespmem:s7], [sflag:$0x2] =	stream.indirect_vreg.gather [hbm4b:s3+s2], $0x80, v4, vm0, $0xb8;
	[tilespmem:$0x10400] =	vst v63  }
0xef: {  	s8 =	simm.s32 $0xAC00  }
0xf0: {  	[tilespmem:s8], [sflag:$0x2] =	stream.indirect_vreg.gather [hbm4b:s4+s2], $0x80, v4, vm0, $0xb8;
	[tilespmem:$0x10400] =	vst v63  }
0xf1: {  	s28 =	simm.s32 $0xB400  }
0xf2: {  	[tilespmem:s28], [sflag:$0x2] =	stream.indirect_vreg.gather [hbm4b:s3+s2], $0x80, v3, vm0, $0xb8;
	[tilespmem:$0x10400] =	vst v63  }
0xf3: {  	s22 =	simm.s32 $0xBC00  }
0xf4: {  	[tilespmem:s22], [sflag:$0x2] =	stream.indirect_vreg.gather [hbm4b:s4+s2], $0x80, v3, vm0, $0xb8;
	[tilespmem:$0x10400] =	vst v63  }
0xf5: {  	v3 =	vld [tilespmem:$0x1A0];
	_ =	sdelay $0x4  }
0xf6: {  	v46 =	vshll.u32 v3, $0x2  }
0xf7: {  	v3 =	vand.u32 $0x7, v3;
	v4 =	vand.u32 $0xFFFFFFE0, v46  }
0xf8: {  	v3 =	vor.u32 v3, v4  }
0xf9: {  	v4 =	vperm.xlane v3, v0;
	_ =	sdelay $0x1  }
0xfa: {  	v4 =	vadd.s32 v1, v4;
	_ =	sdelay $0x1  }
0xfb: {  	v3 =	vperm.xlane v3, v2;
	_ =	sdelay $0x1  }
0xfc: {  	s22 =	simm.s32 $0xC400;
	v3 =	vadd.s32 v1, v3  }
0xfd: {  	[tilespmem:s22], [sflag:$0x2] =	stream.indirect_vreg.gather [hbm4b:s3+s2], $0x80, v4, vm0, $0xb8;
	[tilespmem:$0x10400] =	vst v63  }
0xfe: {  	s25 =	simm.s32 $0xCC00  }
0xff: {  	[tilespmem:s25], [sflag:$0x2] =	stream.indirect_vreg.gather [hbm4b:s4+s2], $0x80, v4, vm0, $0xb8;
	[tilespmem:$0x10400] =	vst v63  }
0x100: {  	s26 =	simm.s32 $0xD400  }
0x101: {  	[tilespmem:s26], [sflag:$0x2] =	stream.indirect_vreg.gather [hbm4b:s3+s2], $0x80, v3, vm0, $0xb8;
	[tilespmem:$0x10400] =	vst v63  }
0x102: {  	s24 =	simm.s32 $0xDC00  }
0x103: {  	[tilespmem:s24], [sflag:$0x2] =	stream.indirect_vreg.gather [hbm4b:s4+s2], $0x80, v3, vm0, $0xb8;
	[tilespmem:$0x10400] =	vst v63  }
0x104: {  	v3 =	vld [tilespmem:$0x1B0];
	_ =	sdelay $0x4  }
0x105: {  	v47 =	vshll.u32 v3, $0x2  }
0x106: {  	v3 =	vand.u32 $0x7, v3;
	v4 =	vand.u32 $0xFFFFFFE0, v47  }
0x107: {  	v3 =	vor.u32 v3, v4  }
0x108: {  	v4 =	vperm.xlane v3, v0;
	_ =	sdelay $0x1  }
0x109: {  	v4 =	vadd.s32 v1, v4;
	_ =	sdelay $0x1  }
0x10a: {  	v3 =	vperm.xlane v3, v2;
	_ =	sdelay $0x1  }
0x10b: {  	s30 =	simm.s32 $0xE400;
	v3 =	vadd.s32 v1, v3  }
0x10c: {  	[tilespmem:s30], [sflag:$0x2] =	stream.indirect_vreg.gather [hbm4b:s3+s2], $0x80, v4, vm0, $0xb8;
	[tilespmem:$0x10400] =	vst v63  }
0x10d: {  	s31 =	simm.s32 $0xEC00  }
0x10e: {  	[tilespmem:s31], [sflag:$0x2] =	stream.indirect_vreg.gather [hbm4b:s4+s2], $0x80, v4, vm0, $0xb8;
	[tilespmem:$0x10400] =	vst v63  }
0x10f: {  	s30 =	simm.s32 $0xF400  }
0x110: {  	[tilespmem:s30], [sflag:$0x2] =	stream.indirect_vreg.gather [hbm4b:s3+s2], $0x80, v3, vm0, $0xb8;
	[tilespmem:$0x10400] =	vst v63  }
0x111: {  	s21 =	simm.s32 $0xFC00  }
0x112: {  	[tilespmem:s21], [sflag:$0x2] =	stream.indirect_vreg.gather [hbm4b:s4+s2], $0x80, v3, vm0, $0xb8;
	[tilespmem:$0x10400] =	vst v63  }
0x113: {  	_ =	swait.ge [sflag:s14], $0x8000  }
0x114: {  	[sflag:s14] =	ssyncset.done $0x0  }
0x115: {  	s21 =	rddreg [dreg:$0x5];
	[sflag:s14] =	ssyncadd.s32 $0xFFFF8000  }
0x116: {  	[hbm4b:s21+s2] =	stream.linear.scatter [tilespmem:s29], [sflag:$0x3], $0x8000, $0x38;
	[tilespmem:$0x10400] =	vst v63  }
0x117: {  	_ =	swait.ge [sflag:s6], $0x8000  }
0x118: {  	[sflag:s6] =	ssyncset.done $0x0  }
0x119: {  	[sflag:s6] =	ssyncadd.s32 $0xFFFF8000  }
0x11a: {  	v3 =	vld [tilespmem:$0x200];
	_ =	sdelay $0x4  }
0x11b: {  	v48 =	vshll.u32 v3, $0x2  }
0x11c: {  	v3 =	vand.u32 $0x7, v3;
	v4 =	vand.u32 $0xFFFFFFE0, v48  }
0x11d: {  	v3 =	vor.u32 v3, v4  }
0x11e: {  	v4 =	vperm.xlane v3, v0;
	_ =	sdelay $0x1  }
0x11f: {  	v4 =	vadd.s32 v1, v4;
	_ =	sdelay $0x1  }
0x120: {  	v3 =	vperm.xlane v3, v2;
	_ =	sdelay $0x1  }
0x121: {  	v3 =	vadd.s32 v1, v3  }
0x122: {  	[tilespmem:s29], [sflag:$0x1] =	stream.indirect_vreg.gather [hbm4b:s3+s2], $0x80, v4, vm0, $0xb8;
	[tilespmem:$0x10400] =	vst v63  }
0x123: {  	s21 =	simm.s32 $0xC00  }
0x124: {  	[tilespmem:s21], [sflag:$0x1] =	stream.indirect_vreg.gather [hbm4b:s4+s2], $0x80, v4, vm0, $0xb8;
	[tilespmem:$0x10400] =	vst v63  }
0x125: {  	s21 =	simm.s32 $0x1400  }
0x126: {  	[tilespmem:s21], [sflag:$0x1] =	stream.indirect_vreg.gather [hbm4b:s3+s2], $0x80, v3, vm0, $0xb8;
	[tilespmem:$0x10400] =	vst v63  }
0x127: {  	s21 =	simm.s32 $0x1C00  }
0x128: {  	[tilespmem:s21], [sflag:$0x1] =	stream.indirect_vreg.gather [hbm4b:s4+s2], $0x80, v3, vm0, $0xb8;
	[tilespmem:$0x10400] =	vst v63  }
0x129: {  	v3 =	vld [tilespmem:$0x210];
	_ =	sdelay $0x4  }
0x12a: {  	v49 =	vshll.u32 v3, $0x2  }
0x12b: {  	v3 =	vand.u32 $0x7, v3;
	v4 =	vand.u32 $0xFFFFFFE0, v49  }
0x12c: {  	v3 =	vor.u32 v3, v4  }
0x12d: {  	v4 =	vperm.xlane v3, v0;
	_ =	sdelay $0x1  }
0x12e: {  	v4 =	vadd.s32 v1, v4;
	_ =	sdelay $0x1  }
0x12f: {  	v3 =	vperm.xlane v3, v2;
	_ =	sdelay $0x1  }
0x130: {  	v3 =	vadd.s32 v1, v3  }
0x131: {  	[tilespmem:s9], [sflag:$0x1] =	stream.indirect_vreg.gather [hbm4b:s3+s2], $0x80, v4, vm0, $0xb8;
	[tilespmem:$0x10400] =	vst v63  }
0x132: {  	_ = 	snop  }
0x133: {  	[tilespmem:s10], [sflag:$0x1] =	stream.indirect_vreg.gather [hbm4b:s4+s2], $0x80, v4, vm0, $0xb8;
	[tilespmem:$0x10400] =	vst v63  }
0x134: {  	_ = 	snop  }
0x135: {  	[tilespmem:s11], [sflag:$0x1] =	stream.indirect_vreg.gather [hbm4b:s3+s2], $0x80, v3, vm0, $0xb8;
	[tilespmem:$0x10400] =	vst v63  }
0x136: {  	s21 =	simm.s32 $0x3C00  }
0x137: {  	[tilespmem:s21], [sflag:$0x1] =	stream.indirect_vreg.gather [hbm4b:s4+s2], $0x80, v3, vm0, $0xb8;
	[tilespmem:$0x10400] =	vst v63  }
0x138: {  	v3 =	vld [tilespmem:$0x220];
	_ =	sdelay $0x4  }
0x139: {  	v50 =	vshll.u32 v3, $0x2  }
0x13a: {  	v3 =	vand.u32 $0x7, v3;
	v4 =	vand.u32 $0xFFFFFFE0, v50  }
0x13b: {  	v3 =	vor.u32 v3, v4  }
0x13c: {  	v4 =	vperm.xlane v3, v0;
	_ =	sdelay $0x1  }
0x13d: {  	v4 =	vadd.s32 v1, v4;
	_ =	sdelay $0x1  }
0x13e: {  	v3 =	vperm.xlane v3, v2;
	_ =	sdelay $0x1  }
0x13f: {  	s21 =	simm.s32 $0x4400;
	v3 =	vadd.s32 v1, v3  }
0x140: {  	[tilespmem:s21], [sflag:$0x1] =	stream.indirect_vreg.gather [hbm4b:s3+s2], $0x80, v4, vm0, $0xb8;
	[tilespmem:$0x10400] =	vst v63  }
0x141: {  	_ = 	snop  }
0x142: {  	[tilespmem:s17], [sflag:$0x1] =	stream.indirect_vreg.gather [hbm4b:s4+s2], $0x80, v4, vm0, $0xb8;
	[tilespmem:$0x10400] =	vst v63  }
0x143: {  	_ = 	snop  }
0x144: {  	[tilespmem:s13], [sflag:$0x1] =	stream.indirect_vreg.gather [hbm4b:s3+s2], $0x80, v3, vm0, $0xb8;
	[tilespmem:$0x10400] =	vst v63  }
0x145: {  	s21 =	simm.s32 $0x5C00  }
0x146: {  	[tilespmem:s21], [sflag:$0x1] =	stream.indirect_vreg.gather [hbm4b:s4+s2], $0x80, v3, vm0, $0xb8;
	[tilespmem:$0x10400] =	vst v63  }
0x147: {  	v3 =	vld [tilespmem:$0x230];
	_ =	sdelay $0x4  }
0x148: {  	v51 =	vshll.u32 v3, $0x2  }
0x149: {  	v3 =	vand.u32 $0x7, v3;
	v4 =	vand.u32 $0xFFFFFFE0, v51  }
0x14a: {  	v3 =	vor.u32 v3, v4  }
0x14b: {  	v4 =	vperm.xlane v3, v0;
	_ =	sdelay $0x1  }
0x14c: {  	v4 =	vadd.s32 v1, v4;
	_ =	sdelay $0x1  }
0x14d: {  	v3 =	vperm.xlane v3, v2;
	_ =	sdelay $0x1  }
0x14e: {  	v3 =	vadd.s32 v1, v3  }
0x14f: {  	[tilespmem:s18], [sflag:$0x1] =	stream.indirect_vreg.gather [hbm4b:s3+s2], $0x80, v4, vm0, $0xb8;
	[tilespmem:$0x10400] =	vst v63  }
0x150: {  	_ = 	snop  }
0x151: {  	[tilespmem:s19], [sflag:$0x1] =	stream.indirect_vreg.gather [hbm4b:s4+s2], $0x80, v4, vm0, $0xb8;
	[tilespmem:$0x10400] =	vst v63  }
0x152: {  	_ = 	snop  }
0x153: {  	[tilespmem:s12], [sflag:$0x1] =	stream.indirect_vreg.gather [hbm4b:s3+s2], $0x80, v3, vm0, $0xb8;
	[tilespmem:$0x10400] =	vst v63  }
0x154: {  	_ = 	snop  }
0x155: {  	[tilespmem:s20], [sflag:$0x1] =	stream.indirect_vreg.gather [hbm4b:s4+s2], $0x80, v3, vm0, $0xb8;
	[tilespmem:$0x10400] =	vst v63  }
0x156: {  	_ =	swait.ge [sflag:s15], $0x8000  }
0x157: {  	[sflag:s15] =	ssyncset.done $0x0  }
0x158: {  	s21 =	rddreg [dreg:$0x6];
	[sflag:s15] =	ssyncadd.s32 $0xFFFF8000  }
0x159: {  	[hbm4b:s21+s2] =	stream.linear.scatter [tilespmem:s23], [sflag:$0x3], $0x8000, $0x38;
	[tilespmem:$0x10400] =	vst v63  }
0x15a: {  	_ =	swait.ge [sflag:s6], $0x8000  }
0x15b: {  	[sflag:s6] =	ssyncset.done $0x0  }
0x15c: {  	[sflag:s6] =	ssyncadd.s32 $0xFFFF8000  }
0x15d: {  	v3 =	vld [tilespmem:$0x280];
	_ =	sdelay $0x4  }
0x15e: {  	v52 =	vshll.u32 v3, $0x2  }
0x15f: {  	v3 =	vand.u32 $0x7, v3;
	v4 =	vand.u32 $0xFFFFFFE0, v52  }
0x160: {  	v3 =	vor.u32 v3, v4  }
0x161: {  	v4 =	vperm.xlane v3, v0;
	_ =	sdelay $0x1  }
0x162: {  	v4 =	vadd.s32 v1, v4;
	_ =	sdelay $0x1  }
0x163: {  	v3 =	vperm.xlane v3, v2;
	_ =	sdelay $0x1  }
0x164: {  	v3 =	vadd.s32 v1, v3  }
0x165: {  	[tilespmem:s23], [sflag:$0x2] =	stream.indirect_vreg.gather [hbm4b:s3+s2], $0x80, v4, vm0, $0xb8;
	[tilespmem:$0x10400] =	vst v63  }
0x166: {  	_ = 	snop  }
0x167: {  	[tilespmem:s0], [sflag:$0x2] =	stream.indirect_vreg.gather [hbm4b:s4+s2], $0x80, v4, vm0, $0xb8;
	[tilespmem:$0x10400] =	vst v63  }
0x168: {  	_ = 	snop  }
0x169: {  	[tilespmem:s1], [sflag:$0x2] =	stream.indirect_vreg.gather [hbm4b:s3+s2], $0x80, v3, vm0, $0xb8;
	[tilespmem:$0x10400] =	vst v63  }
0x16a: {  	s21 =	simm.s32 $0x9C00  }
0x16b: {  	[tilespmem:s21], [sflag:$0x2] =	stream.indirect_vreg.gather [hbm4b:s4+s2], $0x80, v3, vm0, $0xb8;
	[tilespmem:$0x10400] =	vst v63  }
0x16c: {  	v3 =	vld [tilespmem:$0x290];
	_ =	sdelay $0x4  }
0x16d: {  	v53 =	vshll.u32 v3, $0x2  }
0x16e: {  	v3 =	vand.u32 $0x7, v3;
	v4 =	vand.u32 $0xFFFFFFE0, v53  }
0x16f: {  	v3 =	vor.u32 v3, v4  }
0x170: {  	v4 =	vperm.xlane v3, v0;
	_ =	sdelay $0x1  }
0x171: {  	v4 =	vadd.s32 v1, v4;
	_ =	sdelay $0x1  }
0x172: {  	v3 =	vperm.xlane v3, v2;
	_ =	sdelay $0x1  }
0x173: {  	v3 =	vadd.s32 v1, v3  }
0x174: {  	[tilespmem:s7], [sflag:$0x2] =	stream.indirect_vreg.gather [hbm4b:s3+s2], $0x80, v4, vm0, $0xb8;
	[tilespmem:$0x10400] =	vst v63  }
0x175: {  	_ = 	snop  }
0x176: {  	[tilespmem:s8], [sflag:$0x2] =	stream.indirect_vreg.gather [hbm4b:s4+s2], $0x80, v4, vm0, $0xb8;
	[tilespmem:$0x10400] =	vst v63  }
0x177: {  	s28 =	simm.s32 $0xB400  }
0x178: {  	[tilespmem:s28], [sflag:$0x2] =	stream.indirect_vreg.gather [hbm4b:s3+s2], $0x80, v3, vm0, $0xb8;
	[tilespmem:$0x10400] =	vst v63  }
0x179: {  	s21 =	simm.s32 $0xBC00  }
0x17a: {  	[tilespmem:s21], [sflag:$0x2] =	stream.indirect_vreg.gather [hbm4b:s4+s2], $0x80, v3, vm0, $0xb8;
	[tilespmem:$0x10400] =	vst v63  }
0x17b: {  	v3 =	vld [tilespmem:$0x2A0];
	_ =	sdelay $0x4  }
0x17c: {  	v54 =	vshll.u32 v3, $0x2  }
0x17d: {  	v3 =	vand.u32 $0x7, v3;
	v4 =	vand.u32 $0xFFFFFFE0, v54  }
0x17e: {  	v3 =	vor.u32 v3, v4  }
0x17f: {  	v4 =	vperm.xlane v3, v0;
	_ =	sdelay $0x1  }
0x180: {  	v4 =	vadd.s32 v1, v4;
	_ =	sdelay $0x1  }
0x181: {  	v3 =	vperm.xlane v3, v2;
	_ =	sdelay $0x1  }
0x182: {  	s22 =	simm.s32 $0xC400;
	v3 =	vadd.s32 v1, v3  }
0x183: {  	[tilespmem:s22], [sflag:$0x2] =	stream.indirect_vreg.gather [hbm4b:s3+s2], $0x80, v4, vm0, $0xb8;
	[tilespmem:$0x10400] =	vst v63  }
0x184: {  	s25 =	simm.s32 $0xCC00  }
0x185: {  	[tilespmem:s25], [sflag:$0x2] =	stream.indirect_vreg.gather [hbm4b:s4+s2], $0x80, v4, vm0, $0xb8;
	[tilespmem:$0x10400] =	vst v63  }
0x186: {  	s26 =	simm.s32 $0xD400  }
0x187: {  	[tilespmem:s26], [sflag:$0x2] =	stream.indirect_vreg.gather [hbm4b:s3+s2], $0x80, v3, vm0, $0xb8;
	[tilespmem:$0x10400] =	vst v63  }
0x188: {  	s26 =	simm.s32 $0xDC00  }
0x189: {  	[tilespmem:s26], [sflag:$0x2] =	stream.indirect_vreg.gather [hbm4b:s4+s2], $0x80, v3, vm0, $0xb8;
	[tilespmem:$0x10400] =	vst v63  }
0x18a: {  	v3 =	vld [tilespmem:$0x2B0];
	_ =	sdelay $0x4  }
0x18b: {  	v55 =	vshll.u32 v3, $0x2  }
0x18c: {  	v3 =	vand.u32 $0x7, v3;
	v4 =	vand.u32 $0xFFFFFFE0, v55  }
0x18d: {  	v3 =	vor.u32 v3, v4  }
0x18e: {  	v4 =	vperm.xlane v3, v0;
	_ =	sdelay $0x1  }
0x18f: {  	v4 =	vadd.s32 v1, v4;
	_ =	sdelay $0x1  }
0x190: {  	v3 =	vperm.xlane v3, v2;
	_ =	sdelay $0x1  }
0x191: {  	s24 =	simm.s32 $0xE400;
	v3 =	vadd.s32 v1, v3  }
0x192: {  	[tilespmem:s24], [sflag:$0x2] =	stream.indirect_vreg.gather [hbm4b:s3+s2], $0x80, v4, vm0, $0xb8;
	[tilespmem:$0x10400] =	vst v63  }
0x193: {  	s31 =	simm.s32 $0xEC00  }
0x194: {  	[tilespmem:s31], [sflag:$0x2] =	stream.indirect_vreg.gather [hbm4b:s4+s2], $0x80, v4, vm0, $0xb8;
	[tilespmem:$0x10400] =	vst v63  }
0x195: {  	s30 =	simm.s32 $0xF400  }
0x196: {  	[tilespmem:s30], [sflag:$0x2] =	stream.indirect_vreg.gather [hbm4b:s3+s2], $0x80, v3, vm0, $0xb8;
	[tilespmem:$0x10400] =	vst v63  }
0x197: {  	s30 =	simm.s32 $0xFC00  }
0x198: {  	[tilespmem:s30], [sflag:$0x2] =	stream.indirect_vreg.gather [hbm4b:s4+s2], $0x80, v3, vm0, $0xb8;
	[tilespmem:$0x10400] =	vst v63  }
0x199: {  	_ =	swait.ge [sflag:s14], $0x8000  }
0x19a: {  	[sflag:s14] =	ssyncset.done $0x0  }
0x19b: {  	s16 =	rddreg [dreg:$0x7];
	[sflag:s14] =	ssyncadd.s32 $0xFFFF8000  }
0x19c: {  	[hbm4b:s16+s2] =	stream.linear.scatter [tilespmem:s29], [sflag:$0x3], $0x8000, $0x38;
	[tilespmem:$0x10400] =	vst v63  }
0x19d: {  	_ =	swait.ge [sflag:s6], $0x8000  }
0x19e: {  	[sflag:s6] =	ssyncset.done $0x0  }
0x19f: {  	[sflag:s6] =	ssyncadd.s32 $0xFFFF8000  }
0x1a0: {  	v3 =	vld [tilespmem:$0x300];
	_ =	sdelay $0x4  }
0x1a1: {  	v56 =	vshll.u32 v3, $0x2  }
0x1a2: {  	v3 =	vand.u32 $0x7, v3;
	v4 =	vand.u32 $0xFFFFFFE0, v56  }
0x1a3: {  	v3 =	vor.u32 v3, v4  }
0x1a4: {  	v4 =	vperm.xlane v3, v0;
	_ =	sdelay $0x1  }
0x1a5: {  	v4 =	vadd.s32 v1, v4;
	_ =	sdelay $0x1  }
0x1a6: {  	v3 =	vperm.xlane v3, v2;
	_ =	sdelay $0x1  }
0x1a7: {  	v3 =	vadd.s32 v1, v3  }
0x1a8: {  	[tilespmem:s29], [sflag:$0x1] =	stream.indirect_vreg.gather [hbm4b:s3+s2], $0x80, v4, vm0, $0xb8;
	[tilespmem:$0x10400] =	vst v63  }
0x1a9: {  	s16 =	simm.s32 $0xC00  }
0x1aa: {  	[tilespmem:s16], [sflag:$0x1] =	stream.indirect_vreg.gather [hbm4b:s4+s2], $0x80, v4, vm0, $0xb8;
	[tilespmem:$0x10400] =	vst v63  }
0x1ab: {  	s16 =	simm.s32 $0x1400  }
0x1ac: {  	[tilespmem:s16], [sflag:$0x1] =	stream.indirect_vreg.gather [hbm4b:s3+s2], $0x80, v3, vm0, $0xb8;
	[tilespmem:$0x10400] =	vst v63  }
0x1ad: {  	s16 =	simm.s32 $0x1C00  }
0x1ae: {  	[tilespmem:s16], [sflag:$0x1] =	stream.indirect_vreg.gather [hbm4b:s4+s2], $0x80, v3, vm0, $0xb8;
	[tilespmem:$0x10400] =	vst v63  }
0x1af: {  	v3 =	vld [tilespmem:$0x310];
	_ =	sdelay $0x4  }
0x1b0: {  	v57 =	vshll.u32 v3, $0x2  }
0x1b1: {  	v3 =	vand.u32 $0x7, v3;
	v4 =	vand.u32 $0xFFFFFFE0, v57  }
0x1b2: {  	v3 =	vor.u32 v3, v4  }
0x1b3: {  	v4 =	vperm.xlane v3, v0;
	_ =	sdelay $0x1  }
0x1b4: {  	v4 =	vadd.s32 v1, v4;
	_ =	sdelay $0x1  }
0x1b5: {  	v3 =	vperm.xlane v3, v2;
	_ =	sdelay $0x1  }
0x1b6: {  	s9 =	simm.s32 $0x2400;
	v3 =	vadd.s32 v1, v3  }
0x1b7: {  	[tilespmem:s9], [sflag:$0x1] =	stream.indirect_vreg.gather [hbm4b:s3+s2], $0x80, v4, vm0, $0xb8;
	[tilespmem:$0x10400] =	vst v63  }
0x1b8: {  	s10 =	simm.s32 $0x2C00  }
0x1b9: {  	[tilespmem:s10], [sflag:$0x1] =	stream.indirect_vreg.gather [hbm4b:s4+s2], $0x80, v4, vm0, $0xb8;
	[tilespmem:$0x10400] =	vst v63  }
0x1ba: {  	s11 =	simm.s32 $0x3400  }
0x1bb: {  	[tilespmem:s11], [sflag:$0x1] =	stream.indirect_vreg.gather [hbm4b:s3+s2], $0x80, v3, vm0, $0xb8;
	[tilespmem:$0x10400] =	vst v63  }
0x1bc: {  	s11 =	simm.s32 $0x3C00  }
0x1bd: {  	[tilespmem:s11], [sflag:$0x1] =	stream.indirect_vreg.gather [hbm4b:s4+s2], $0x80, v3, vm0, $0xb8;
	[tilespmem:$0x10400] =	vst v63  }
0x1be: {  	v3 =	vld [tilespmem:$0x320];
	_ =	sdelay $0x4  }
0x1bf: {  	v58 =	vshll.u32 v3, $0x2  }
0x1c0: {  	v3 =	vand.u32 $0x7, v3;
	v4 =	vand.u32 $0xFFFFFFE0, v58  }
0x1c1: {  	v3 =	vor.u32 v3, v4  }
0x1c2: {  	v4 =	vperm.xlane v3, v0;
	_ =	sdelay $0x1  }
0x1c3: {  	v4 =	vadd.s32 v1, v4;
	_ =	sdelay $0x1  }
0x1c4: {  	v3 =	vperm.xlane v3, v2;
	_ =	sdelay $0x1  }
0x1c5: {  	s16 =	simm.s32 $0x4400;
	v3 =	vadd.s32 v1, v3  }
0x1c6: {  	[tilespmem:s16], [sflag:$0x1] =	stream.indirect_vreg.gather [hbm4b:s3+s2], $0x80, v4, vm0, $0xb8;
	[tilespmem:$0x10400] =	vst v63  }
0x1c7: {  	s17 =	simm.s32 $0x4C00  }
0x1c8: {  	[tilespmem:s17], [sflag:$0x1] =	stream.indirect_vreg.gather [hbm4b:s4+s2], $0x80, v4, vm0, $0xb8;
	[tilespmem:$0x10400] =	vst v63  }
0x1c9: {  	s13 =	simm.s32 $0x5400  }
0x1ca: {  	[tilespmem:s13], [sflag:$0x1] =	stream.indirect_vreg.gather [hbm4b:s3+s2], $0x80, v3, vm0, $0xb8;
	[tilespmem:$0x10400] =	vst v63  }
0x1cb: {  	s17 =	simm.s32 $0x5C00  }
0x1cc: {  	[tilespmem:s17], [sflag:$0x1] =	stream.indirect_vreg.gather [hbm4b:s4+s2], $0x80, v3, vm0, $0xb8;
	[tilespmem:$0x10400] =	vst v63  }
0x1cd: {  	v3 =	vld [tilespmem:$0x330];
	_ =	sdelay $0x4  }
0x1ce: {  	v59 =	vshll.u32 v3, $0x2  }
0x1cf: {  	v3 =	vand.u32 $0x7, v3;
	v4 =	vand.u32 $0xFFFFFFE0, v59  }
0x1d0: {  	v3 =	vor.u32 v3, v4  }
0x1d1: {  	v4 =	vperm.xlane v3, v0;
	_ =	sdelay $0x1  }
0x1d2: {  	v4 =	vadd.s32 v1, v4;
	_ =	sdelay $0x1  }
0x1d3: {  	v3 =	vperm.xlane v3, v2;
	_ =	sdelay $0x1  }
0x1d4: {  	s18 =	simm.s32 $0x6400;
	v3 =	vadd.s32 v1, v3  }
0x1d5: {  	[tilespmem:s18], [sflag:$0x1] =	stream.indirect_vreg.gather [hbm4b:s3+s2], $0x80, v4, vm0, $0xb8;
	[tilespmem:$0x10400] =	vst v63  }
0x1d6: {  	s19 =	simm.s32 $0x6C00  }
0x1d7: {  	[tilespmem:s19], [sflag:$0x1] =	stream.indirect_vreg.gather [hbm4b:s4+s2], $0x80, v4, vm0, $0xb8;
	[tilespmem:$0x10400] =	vst v63  }
0x1d8: {  	s12 =	simm.s32 $0x7400  }
0x1d9: {  	[tilespmem:s12], [sflag:$0x1] =	stream.indirect_vreg.gather [hbm4b:s3+s2], $0x80, v3, vm0, $0xb8;
	[tilespmem:$0x10400] =	vst v63  }
0x1da: {  	s20 =	simm.s32 $0x7C00  }
0x1db: {  	[tilespmem:s20], [sflag:$0x1] =	stream.indirect_vreg.gather [hbm4b:s4+s2], $0x80, v3, vm0, $0xb8;
	[tilespmem:$0x10400] =	vst v63  }
0x1dc: {  	_ =	swait.ge [sflag:s15], $0x8000  }
0x1dd: {  	[sflag:s15] =	ssyncset.done $0x0  }
0x1de: {  	s18 =	rddreg [dreg:$0x8];
	[sflag:s15] =	ssyncadd.s32 $0xFFFF8000  }
0x1df: {  	[hbm4b:s18+s2] =	stream.linear.scatter [tilespmem:s23], [sflag:$0x3], $0x8000, $0x38;
	[tilespmem:$0x10400] =	vst v63  }
0x1e0: {  	_ =	swait.ge [sflag:s6], $0x8000  }
0x1e1: {  	[sflag:s6] =	ssyncset.done $0x0  }
0x1e2: {  	[sflag:s6] =	ssyncadd.s32 $0xFFFF8000  }
0x1e3: {  	v3 =	vld [tilespmem:$0x380];
	_ =	sdelay $0x4  }
0x1e4: {  	v60 =	vshll.u32 v3, $0x2  }
0x1e5: {  	v3 =	vand.u32 $0x7, v3;
	v4 =	vand.u32 $0xFFFFFFE0, v60  }
0x1e6: {  	v3 =	vor.u32 v3, v4  }
0x1e7: {  	v4 =	vperm.xlane v3, v0;
	_ =	sdelay $0x1  }
0x1e8: {  	v4 =	vadd.s32 v1, v4;
	_ =	sdelay $0x1  }
0x1e9: {  	v3 =	vperm.xlane v3, v2;
	_ =	sdelay $0x1  }
0x1ea: {  	v3 =	vadd.s32 v1, v3  }
0x1eb: {  	[tilespmem:s23], [sflag:$0x2] =	stream.indirect_vreg.gather [hbm4b:s3+s2], $0x80, v4, vm0, $0xb8;
	[tilespmem:$0x10400] =	vst v63  }
0x1ec: {  	s0 =	simm.s32 $0x8C00  }
0x1ed: {  	[tilespmem:s0], [sflag:$0x2] =	stream.indirect_vreg.gather [hbm4b:s4+s2], $0x80, v4, vm0, $0xb8;
	[tilespmem:$0x10400] =	vst v63  }
0x1ee: {  	s1 =	simm.s32 $0x9400  }
0x1ef: {  	[tilespmem:s1], [sflag:$0x2] =	stream.indirect_vreg.gather [hbm4b:s3+s2], $0x80, v3, vm0, $0xb8;
	[tilespmem:$0x10400] =	vst v63  }
0x1f0: {  	s19 =	simm.s32 $0x9C00  }
0x1f1: {  	[tilespmem:s19], [sflag:$0x2] =	stream.indirect_vreg.gather [hbm4b:s4+s2], $0x80, v3, vm0, $0xb8;
	[tilespmem:$0x10400] =	vst v63  }
0x1f2: {  	v3 =	vld [tilespmem:$0x390];
	_ =	sdelay $0x4  }
0x1f3: {  	v61 =	vshll.u32 v3, $0x2  }
0x1f4: {  	v3 =	vand.u32 $0x7, v3;
	v4 =	vand.u32 $0xFFFFFFE0, v61  }
0x1f5: {  	v3 =	vor.u32 v3, v4  }
0x1f6: {  	v4 =	vperm.xlane v3, v0;
	_ =	sdelay $0x1  }
0x1f7: {  	v4 =	vadd.s32 v1, v4;
	_ =	sdelay $0x1  }
0x1f8: {  	v3 =	vperm.xlane v3, v2;
	_ =	sdelay $0x1  }
0x1f9: {  	s7 =	simm.s32 $0xA400;
	v3 =	vadd.s32 v1, v3  }
0x1fa: {  	[tilespmem:s7], [sflag:$0x2] =	stream.indirect_vreg.gather [hbm4b:s3+s2], $0x80, v4, vm0, $0xb8;
	[tilespmem:$0x10400] =	vst v63  }
0x1fb: {  	s8 =	simm.s32 $0xAC00  }
0x1fc: {  	[tilespmem:s8], [sflag:$0x2] =	stream.indirect_vreg.gather [hbm4b:s4+s2], $0x80, v4, vm0, $0xb8;
	[tilespmem:$0x10400] =	vst v63  }
0x1fd: {  	s28 =	simm.s32 $0xB400  }
0x1fe: {  	[tilespmem:s28], [sflag:$0x2] =	stream.indirect_vreg.gather [hbm4b:s3+s2], $0x80, v3, vm0, $0xb8;
	[tilespmem:$0x10400] =	vst v63  }
0x1ff: {  	s20 =	simm.s32 $0xBC00  }
0x200: {  	[tilespmem:s20], [sflag:$0x2] =	stream.indirect_vreg.gather [hbm4b:s4+s2], $0x80, v3, vm0, $0xb8;
	[tilespmem:$0x10400] =	vst v63  }
0x201: {  	v3 =	vld [tilespmem:$0x3A0];
	_ =	sdelay $0x4  }
0x202: {  	v62 =	vshll.u32 v3, $0x2  }
0x203: {  	v3 =	vand.u32 $0x7, v3;
	v4 =	vand.u32 $0xFFFFFFE0, v62  }
0x204: {  	v3 =	vor.u32 v3, v4  }
0x205: {  	v4 =	vperm.xlane v3, v0;
	_ =	sdelay $0x1  }
0x206: {  	v4 =	vadd.s32 v1, v4;
	_ =	sdelay $0x1  }
0x207: {  	v3 =	vperm.xlane v3, v2;
	_ =	sdelay $0x1  }
0x208: {  	s21 =	simm.s32 $0xC400;
	v3 =	vadd.s32 v1, v3  }
0x209: {  	[tilespmem:s21], [sflag:$0x2] =	stream.indirect_vreg.gather [hbm4b:s3+s2], $0x80, v4, vm0, $0xb8;
	[tilespmem:$0x10400] =	vst v63  }
0x20a: {  	s22 =	simm.s32 $0xCC00  }
0x20b: {  	[tilespmem:s22], [sflag:$0x2] =	stream.indirect_vreg.gather [hbm4b:s4+s2], $0x80, v4, vm0, $0xb8;
	[tilespmem:$0x10400] =	vst v63  }
0x20c: {  	s25 =	simm.s32 $0xD400  }
0x20d: {  	[tilespmem:s25], [sflag:$0x2] =	stream.indirect_vreg.gather [hbm4b:s3+s2], $0x80, v3, vm0, $0xb8;
	[tilespmem:$0x10400] =	vst v63  }
0x20e: {  	s28 =	simm.s32 $0xDC00  }
0x20f: {  	[tilespmem:s28], [sflag:$0x2] =	stream.indirect_vreg.gather [hbm4b:s4+s2], $0x80, v3, vm0, $0xb8;
	[tilespmem:$0x10400] =	vst v63  }
0x210: {  	v3 =	vld [tilespmem:$0x3B0];
	_ =	sdelay $0x4  }
0x211: {  	v63 =	vshll.u32 v3, $0x2  }
0x212: {  	v3 =	vand.u32 $0x7, v3;
	v4 =	vand.u32 $0xFFFFFFE0, v63  }
0x213: {  	v3 =	vor.u32 v3, v4  }
0x214: {  	v4 =	vperm.xlane v3, v0;
	_ =	sdelay $0x1  }
0x215: {  	v4 =	vadd.s32 v1, v4;
	_ =	sdelay $0x1  }
0x216: {  	v3 =	vperm.xlane v3, v2;
	_ =	sdelay $0x1  }
0x217: {  	s26 =	simm.s32 $0xE400;
	v3 =	vadd.s32 v1, v3  }
0x218: {  	[tilespmem:s26], [sflag:$0x2] =	stream.indirect_vreg.gather [hbm4b:s3+s2], $0x80, v4, vm0, $0xb8;
	[tilespmem:$0x10400] =	vst v63  }
0x219: {  	s31 =	simm.s32 $0xEC00  }
0x21a: {  	[tilespmem:s31], [sflag:$0x2] =	stream.indirect_vreg.gather [hbm4b:s4+s2], $0x80, v4, vm0, $0xb8;
	[tilespmem:$0x10400] =	vst v63  }
0x21b: {  	s24 =	simm.s32 $0xF400  }
0x21c: {  	[tilespmem:s24], [sflag:$0x2] =	stream.indirect_vreg.gather [hbm4b:s3+s2], $0x80, v3, vm0, $0xb8;
	[tilespmem:$0x10400] =	vst v63  }
0x21d: {  	s30 =	simm.s32 $0xFC00  }
0x21e: {  	[tilespmem:s30], [sflag:$0x2] =	stream.indirect_vreg.gather [hbm4b:s4+s2], $0x80, v3, vm0, $0xb8;
	[tilespmem:$0x10400] =	vst v63  }
0x21f: {  	_ =	swait.ge [sflag:s14], $0x8000  }
0x220: {  	[sflag:s14] =	ssyncset.done $0x0  }
0x221: {  	s30 =	rddreg [dreg:$0x9];
	[sflag:s14] =	ssyncadd.s32 $0xFFFF8000  }
0x222: {  	[hbm4b:s30+s2] =	stream.linear.scatter [tilespmem:s29], [sflag:$0x3], $0x8000, $0x38;
	[tilespmem:$0x10400] =	vst v63  }
0x223: {  	_ =	swait.ge [sflag:s6], $0x8000  }
0x224: {  	[sflag:s6] =	ssyncset.done $0x0  }
0x225: {  	[sflag:s6] =	ssyncadd.s32 $0xFFFF8000  }
0x226: {  	_ =	swait.ge [sflag:s15], $0x8000  }
0x227: {  	p0 =	sne.s32 s5, $0x1;
	[sflag:s15] =	ssyncset.done $0x0  }
.Ltmp0:
0x228: {  	s31 =	rddreg [dreg:$0xa];
	[sflag:s15] =	ssyncadd.s32 $0xFFFF8000;
	(pc) =	sbr.rel @p0 .LBB2_1-.Ltmp0, $4  }
0x229: {  	[hbm4b:s31+s2] =	stream.linear.scatter [tilespmem:s23], [sflag:$0x3], $0x8000, $0x38;
	[tilespmem:$0x10400] =	vst v63  }
0x22a: {  	_ =	swait.ge [sflag:s6], $0x8000  }
0x22b: {  	[sflag:s6] =	ssyncset.done $0x0  }
0x22c: {  	s5 =	sadd.s32 $0xFFFFFFFF, s5;
	[sflag:s6] =	ssyncadd.s32 $0xFFFF8000  }
0x22d: {  	_ =	sfence.sel $0x180000  }
0x22e: {  	[bflag:$0x0] =	sbarrier.arrive $0xFFFF  }
0x22f: {  	_ =	strace $0x90000047  }
0x230: {  	s0 =	stileid.u32;
	[bflag:$0x2] =	sbarrier.arrive $0xFFFF  }
0x231: {  	p0 =	sne.s32 s0, $0x0;
	s0 =	rddreg [dreg:$0x1]  }
0x232: {  	s0 =	sadd.s32 @!p0 $0x100000, s0  }
0x233: {  	[sflag:s0] =	ssyncadd.tile.s32 @!p0 $0x1;
	_ =	shalt  }
.Lfunc_end2:
_tile_overlayer_lowered:
.L_overlay_start_2:
0x234: {  	(tag) =	ssettag $0x2  }
0x235: {  	s0 =	rddreg [dreg:$0x0];
	s2 =	stileid.u32  }
0x236: {  	s1 =	rddreg [dreg:$0x1];
	p0 =	sne.s32 s2, $0x0  }
0x237: {  	s3 =	rddreg [dreg:$0x2];
	[bflag:$0x3] =	sbarrier.arrive $0xFFFF;
	s2 =	simm.s32 @!p0 $0x1C03  }
0x238: {  	[timem:s3], [sflag:s2] =	dma.local @!p0 [hbm:s0], s1  }
0x239: {  	s0 =	simm.s32 @!p0 $0x3  }
0x23a: {  	_ =	swait.ge @!p0 [sflag:s0], s1  }
0x23b: {  	s1 =	ssub.s32 @!p0 $0x0, s1;
	[sflag:s0] =	ssyncset.done @!p0 $0x0  }
0x23c: {  	[sflag:s0] =	ssyncadd.s32 @!p0 s1  }
0x23d: {  	[bflag:$0x3] =	sbarrier.arrive $0xFFFF  }
0x23e: {  	_ =	shalt  }

</sc_bundles>
